<compile_context>
chip_gen: v7x
topology: tpu7x:2x2x1
jax: 0.10.2.dev20260603
libtpu: 0.0.44.dev20260713+nightly
codegen_flags: <defaults>
</compile_context>

<pallas_src>
import functools

import jax
import jax.numpy as jnp
from jax import lax
from jax.experimental import pallas as pl
from jax.experimental.pallas import tpu as pltpu
from jax.experimental.pallas import tpu_sc as plsc

N = 10000
D = 64
E = 320000
NC, NS = 2, 16
NW = NC * NS
C = 128
NCHUNK = 78
CT = 16
RPT = 624
REM = N - NS * RPT
DEG_W = 16
NBUF = 6

_MESH = plsc.VectorSubcoreMesh(
    core_axis_name="c", subcore_axis_name="s", num_cores=NC, num_subcores=NS)


@functools.partial(
    pl.kernel,
    out_type=jax.ShapeDtypeStruct((NC, N, DEG_W), jnp.float32),
    mesh=_MESH,
    scratch_types=[
        pltpu.VMEM((NCHUNK, C), jnp.int32),
        pltpu.VMEM((CT,), jnp.int32),
        pltpu.VMEM((C, DEG_W), jnp.float32),
        pltpu.VMEM_SHARED((N, DEG_W), jnp.float32),
        pltpu.SemaphoreType.DMA,
    ],
    compiler_params=pltpu.CompilerParams(use_tc_tiling_on_sc=False),
)
def _sc_degree(dstm_hbm, dstt_hbm, ones_hbm, zeros_hbm, out_hbm,
               dst_v, dstt_v, ones_v, acc, sem):
    if True:
        c = lax.axis_index("c")
        s = lax.axis_index("s")
        wid = c * NS + s
        r0 = s * RPT
        pltpu.sync_copy(dstm_hbm.at[pl.ds(wid * NCHUNK, NCHUNK)], dst_v)
        pltpu.sync_copy(dstt_hbm.at[pl.ds(wid * CT, CT)], dstt_v)
        pltpu.sync_copy(ones_hbm, ones_v)
        pltpu.sync_copy(zeros_hbm.at[pl.ds(r0, RPT)], acc.at[pl.ds(r0, RPT)])

        @pl.when(s == NS - 1)
        def _():
            pltpu.sync_copy(zeros_hbm.at[pl.ds(NS * RPT, REM)],
                            acc.at[pl.ds(NS * RPT, REM)])

        plsc.subcore_barrier()

        def chunk(i, carry):
            pltpu.async_copy(ones_v, acc.at[dst_v.at[i]], sem, add=True)
            return carry

        lax.fori_loop(0, NCHUNK, chunk, 0)

        def drain(i, carry):
            pltpu.make_async_copy(ones_v, acc.at[dst_v.at[i]], sem).wait()
            return carry

        lax.fori_loop(0, NCHUNK, drain, 0)
        pltpu.sync_copy(ones_v.at[pl.ds(0, CT)], acc.at[dstt_v], add=True)
        plsc.subcore_barrier()
        pltpu.sync_copy(acc.at[pl.ds(r0, RPT)], out_hbm.at[c, pl.ds(r0, RPT)])

        @pl.when(s == NS - 1)
        def _():
            pltpu.sync_copy(acc.at[pl.ds(NS * RPT, REM)],
                            out_hbm.at[c, pl.ds(NS * RPT, REM)])


@functools.partial(
    pl.kernel,
    out_type=jax.ShapeDtypeStruct((NC, N, D), jnp.float32),
    mesh=_MESH,
    scratch_types=[
        pltpu.VMEM((NCHUNK, C), jnp.int32),
        pltpu.VMEM((NCHUNK, C), jnp.int32),
        pltpu.VMEM((CT,), jnp.int32),
        pltpu.VMEM((CT,), jnp.int32),
        pltpu.VMEM((NBUF, C, D), jnp.float32),
        pltpu.VMEM_SHARED((N, D), jnp.float32),
    ] + [pltpu.SemaphoreType.DMA] * (2 * NBUF),
    compiler_params=pltpu.CompilerParams(use_tc_tiling_on_sc=False),
)
def _sc_aggregate(hn_hbm, srcm_hbm, dstm_hbm, srct_hbm, dstt_hbm, zeros_hbm,
                  out_hbm, src_v, dst_v, srct_v, dstt_v, rows_v, acc, *sems):
    if True:
        sg, ss = sems[:NBUF], sems[NBUF:]
        c = lax.axis_index("c")
        s = lax.axis_index("s")
        wid = c * NS + s
        r0 = s * RPT
        pltpu.sync_copy(srcm_hbm.at[pl.ds(wid * NCHUNK, NCHUNK)], src_v)
        pltpu.sync_copy(dstm_hbm.at[pl.ds(wid * NCHUNK, NCHUNK)], dst_v)
        pltpu.sync_copy(srct_hbm.at[pl.ds(wid * CT, CT)], srct_v)
        pltpu.sync_copy(dstt_hbm.at[pl.ds(wid * CT, CT)], dstt_v)
        pltpu.sync_copy(zeros_hbm.at[pl.ds(r0, RPT)], acc.at[pl.ds(r0, RPT)])

        @pl.when(s == NS - 1)
        def _():
            pltpu.sync_copy(zeros_hbm.at[pl.ds(NS * RPT, REM)],
                            acc.at[pl.ds(NS * RPT, REM)])

        plsc.subcore_barrier()

        def gather(i, b):
            return pltpu.async_copy(
                hn_hbm.at[src_v.at[i]], rows_v.at[b], sg[b])

        def scatter(i, b):
            return pltpu.async_copy(
                rows_v.at[b], acc.at[dst_v.at[i]], ss[b], add=True)

        for b in range(NBUF):
            gather(b, b)

        def outer(o, carry):
            i0 = o * NBUF
            for b in range(NBUF):
                pltpu.make_async_copy(
                    hn_hbm.at[src_v.at[i0 + b]], rows_v.at[b], sg[b]).wait()
                scatter(i0 + b, b)
            for b in range(NBUF):
                pltpu.make_async_copy(
                    rows_v.at[b], acc.at[dst_v.at[i0 + b]], ss[b]).wait()

                @pl.when(i0 + b + NBUF < NCHUNK)
                def _():
                    gather(i0 + b + NBUF, b)
            return carry

        lax.fori_loop(0, NCHUNK // NBUF, outer, 0)
        pltpu.sync_copy(hn_hbm.at[srct_v], rows_v.at[0, pl.ds(0, CT)])
        pltpu.sync_copy(rows_v.at[0, pl.ds(0, CT)], acc.at[dstt_v], add=True)
        plsc.subcore_barrier()
        pltpu.sync_copy(acc.at[pl.ds(r0, RPT)], out_hbm.at[c, pl.ds(r0, RPT)])

        @pl.when(s == NS - 1)
        def _():
            pltpu.sync_copy(acc.at[pl.ds(NS * RPT, REM)],
                            out_hbm.at[c, pl.ds(NS * RPT, REM)])


def _tc_mm(x_ref, w_ref, h0_ref):
    h0_ref[...] = jnp.dot(
        x_ref[...], w_ref[...], preferred_element_type=jnp.float32)


def _tc_pre(h0_ref, degp_ref, hn0_ref, dinv_ref):
    deg = degp_ref[0, :, 0:1] + degp_ref[1, :, 0:1] + 1.0
    dinv = lax.rsqrt(deg)
    hn0_ref[:, 0:D] = h0_ref[...] * dinv
    dinv_ref[...] = dinv



def _tc_mid(accp_ref, hn0_ref, dinv_ref, bg1_ref, wg2_ref, hn1_ref):
    agg = accp_ref[0] + accp_ref[1] + hn0_ref[:, 0:D]
    dinv = dinv_ref[...]
    h1 = jnp.maximum(dinv * agg + bg1_ref[...], 0.0)
    hn1_ref[:, 0:D] = jnp.dot(
        h1, wg2_ref[...], preferred_element_type=jnp.float32) * dinv


def _tc_head(accp_ref, hn1_ref, dinv_ref, bg2_ref, wf1_ref, bf1_ref,
             wf2_ref, bf2_ref, wf3_ref, bf3_ref, out_ref):
    agg = accp_ref[0] + accp_ref[1] + hn1_ref[:, 0:D]
    h2 = jnp.maximum(dinv_ref[...] * agg + bg2_ref[...], 0.0)
    g = jnp.maximum(jnp.mean(h2, axis=0, keepdims=True), 0.0)
    g = jnp.maximum(
        jnp.dot(g, wf1_ref[...], preferred_element_type=jnp.float32)
        + bf1_ref[...], 0.0)
    g = jnp.maximum(
        jnp.dot(g, wf2_ref[...], preferred_element_type=jnp.float32)
        + bf2_ref[...], 0.0)
    out_ref[...] = jnp.dot(
        g, wf3_ref[...], preferred_element_type=jnp.float32) + bf3_ref[...]


def kernel(x, edge_index, Wg1, bg1, Wg2, bg2, Wf1, bf1, Wf2, bf2, Wf3, bf3):
    src = edge_index[0].astype(jnp.int32)
    dst = edge_index[1].astype(jnp.int32)
    nm = NW * NCHUNK * C
    src2m = (src[:nm] * 2).reshape(NW * NCHUNK, C)
    dstm = dst[:nm].reshape(NW * NCHUNK, C)
    src2t = src[nm:] * 2
    dstt = dst[nm:]
    zeros_d = jnp.zeros((N, D), jnp.float32)
    zeros_deg = jnp.zeros((N, DEG_W), jnp.float32)
    ones_deg = jnp.ones((C, DEG_W), jnp.float32)

    degp = _sc_degree(dstm, dstt, ones_deg, zeros_deg)

    h0 = pl.pallas_call(
        _tc_mm,
        out_shape=jax.ShapeDtypeStruct((N, D), jnp.float32),
    )(x, Wg1)

    hn0, dinv = pl.pallas_call(
        _tc_pre,
        out_shape=(jax.ShapeDtypeStruct((N, 2 * D), jnp.float32),
                   jax.ShapeDtypeStruct((N, 1), jnp.float32)),
    )(h0, degp)

    acc1 = _sc_aggregate(hn0.reshape(2 * N, D), src2m, dstm, src2t, dstt,
                         zeros_d)

    hn1 = pl.pallas_call(
        _tc_mid,
        out_shape=jax.ShapeDtypeStruct((N, 2 * D), jnp.float32),
    )(acc1, hn0, dinv, bg1.reshape(1, -1), Wg2)

    acc2 = _sc_aggregate(hn1.reshape(2 * N, D), src2m, dstm, src2t, dstt,
                         zeros_d)

    out = pl.pallas_call(
        _tc_head,
        out_shape=jax.ShapeDtypeStruct((1, 32), jnp.float32),
    )(acc2, hn1, dinv, bg2.reshape(1, -1), Wf1, bf1.reshape(1, -1),
      Wf2, bf2.reshape(1, -1), Wf3, bf3.reshape(1, -1))
    return out

# --- scband reference (transcript-rebuilt; emitter-appended) ---
"""Pipeline reference for scband-qnetwork-63960652972282 (READ-ONLY COPY).

The authoritative reference and input builder live on the scoring server;
editing this copy changes nothing except your own understanding.
"""

import jax, jax.numpy as jnp
import numpy as np

NUM_NODES = 10000
D_FEAT = 128
HIDDEN = 64
ACTION = 32
N_EDGES = 320000


def _glorot(key, shape):
    fan_in, fan_out = shape[0], shape[1]
    lim = np.sqrt(6.0 / (fan_in + fan_out))
    return jax.random.uniform(key, shape, dtype=jnp.float32, minval=-lim, maxval=lim)


def setup_inputs(seed: int = 0) -> dict:
    key = jax.random.key(seed)
    ks = jax.random.split(key, 16)
    x = jax.random.normal(ks[0], (NUM_NODES, D_FEAT), dtype=jnp.float32)
    edge_index = jax.random.randint(ks[1], (2, N_EDGES), 0, NUM_NODES, dtype=jnp.int64)
    Wg1 = _glorot(ks[2], (D_FEAT, HIDDEN)); bg1 = jnp.zeros((HIDDEN,), jnp.float32)
    Wg2 = _glorot(ks[3], (HIDDEN, HIDDEN)); bg2 = jnp.zeros((HIDDEN,), jnp.float32)
    Wf1 = _glorot(ks[4], (HIDDEN, HIDDEN)); bf1 = jnp.zeros((HIDDEN,), jnp.float32)
    Wf2 = _glorot(ks[5], (HIDDEN, HIDDEN)); bf2 = jnp.zeros((HIDDEN,), jnp.float32)
    Wf3 = _glorot(ks[6], (HIDDEN, ACTION)); bf3 = jnp.zeros((ACTION,), jnp.float32)
    return {"x": x, "edge_index": edge_index, "Wg1": Wg1, "bg1": bg1, "Wg2": Wg2, "bg2": bg2,
            "Wf1": Wf1, "bf1": bf1, "Wf2": Wf2, "bf2": bf2, "Wf3": Wf3, "bf3": bf3}


def _gcn_conv(x, W, b, src, dst, num_nodes):
    # GCNConv: add self-loops, symmetric normalization, scatter-add aggregation
    h = x @ W
    ones = jnp.ones_like(dst, dtype=h.dtype)
    deg = jax.ops.segment_sum(ones, dst, num_segments=num_nodes)
    dinv = jnp.where(deg > 0, jax.lax.rsqrt(jnp.maximum(deg, 1e-12)), 0.0)
    norm = dinv[src] * dinv[dst]
    msgs = h[src] * norm[:, None]
    out = jax.ops.segment_sum(msgs, dst, num_segments=num_nodes)
    return out + b


def reference(x, edge_index, Wg1, bg1, Wg2, bg2, Wf1, bf1, Wf2, bf2, Wf3, bf3):
    num_nodes = x.shape[0]
    loop = jnp.arange(num_nodes, dtype=edge_index.dtype)
    src = jnp.concatenate([edge_index[0], loop])
    dst = jnp.concatenate([edge_index[1], loop])
    # gnn1 + relu
    h = jax.nn.relu(_gcn_conv(x, Wg1, bg1, src, dst, num_nodes))
    # gnn2 + relu
    h = jax.nn.relu(_gcn_conv(h, Wg2, bg2, src, dst, num_nodes))
    # global mean pool over nodes
    g = jax.nn.relu(jnp.mean(h, axis=0))[None, :]
    g = jax.nn.relu(g @ Wf1 + bf1)
    g = jax.nn.relu(g @ Wf2 + bf2)
    return g @ Wf3 + bf3

if __name__ == "__main__":
    import jax
    _d = setup_inputs()
    print(jax.jit(kernel)(*tuple(_d.values())))

</pallas_src>

<mosaic_0001>
#map = affine_map<(d0, d1) -> (0, 0)>
#map1 = affine_map<(d0, d1) -> (0)>
#map2 = affine_map<(d0, d1) -> (0, 0, 0)>
module attributes {stable_mosaic.version = 14 : i64} {
  func.func @_sc_degree(%arg0: i32, %arg1: i32, %arg2: memref<2496x128xi32, #tpu.memory_space<hbm>>, %arg3: memref<512xi32, #tpu.memory_space<hbm>>, %arg4: memref<128x16xf32, #tpu.memory_space<hbm>>, %arg5: memref<10000x16xf32, #tpu.memory_space<hbm>>, %arg6: memref<2x10000x16xf32, #tpu.memory_space<hbm>>, %arg7: memref<78x128xi32, #tpu.memory_space<vmem>>, %arg8: memref<16xi32, #tpu.memory_space<vmem>>, %arg9: memref<128x16xf32, #tpu.memory_space<vmem>>, %arg10: memref<10000x16xf32, #tpu.memory_space<vmem_shared>>, %arg11: memref<!tpu.dma_semaphore, #tpu.memory_space<semaphore_mem>>) attributes {dimension_semantics = [#tpu.dimension_semantics<core_parallel>, #tpu.dimension_semantics<subcore_parallel>], iteration_bounds = array<i64: 2, 16>, scalar_prefetch = 0 : i64, scratch_operands = 5 : i64, tpu.core_type = #tpu.core_type<sc_vector_subcore>, window_params = [{transform_indices = #map}, {transform_indices = #map1}, {transform_indices = #map}, {transform_indices = #map}, {transform_indices = #map2}]} {
    %mul3A = arith.constant 16 : i32
    %mul3A_0 = arith.muli %arg0, %mul3A : i32
    %add3A = arith.addi %mul3A_0, %arg1 : i32
    %mul3A_1 = arith.constant 624 : i32
    %mul3A_2 = arith.muli %arg1, %mul3A_1 : i32
    %mul3A_3 = arith.constant 78 : i32
    %mul3A_4 = arith.muli %add3A, %mul3A_3 : i32
    "tpu.region"() ({
      %run_scoped3A = tpu.sem_alloc : memref<!tpu.dma_semaphore, #tpu.memory_space<semaphore_mem>>
      %dma_start3A = arith.constant 0 : i32
      %dma_start3A_26 = tpu.memref_slice %arg2[%mul3A_4, %dma_start3A] : memref<2496x128xi32, #tpu.memory_space<hbm>> -> memref<78x128xi32, #tpu.memory_space<hbm>>
      %dma_start3A_27 = arith.constant 0 : i32
      %dma_start3A_28 = tpu.memref_slice %arg2[%mul3A_4, %dma_start3A_27] : memref<2496x128xi32, #tpu.memory_space<hbm>> -> memref<78x128xi32, #tpu.memory_space<hbm>>
      tpu.enqueue_dma source(%dma_start3A_28 : memref<78x128xi32, #tpu.memory_space<hbm>>) target(%arg7 : memref<78x128xi32, #tpu.memory_space<vmem>>) target_semaphore(%run_scoped3A : memref<!tpu.dma_semaphore, #tpu.memory_space<semaphore_mem>>)
      %dma_wait3A = arith.constant 0 : i32
      %dma_wait3A_29 = tpu.memref_slice %arg2[%mul3A_4, %dma_wait3A] : memref<2496x128xi32, #tpu.memory_space<hbm>> -> memref<78x128xi32, #tpu.memory_space<hbm>>
      %dma_wait3A_30 = arith.constant 0 : i32
      %dma_wait3A_31 = tpu.memref_slice %arg2[%mul3A_4, %dma_wait3A_30] : memref<2496x128xi32, #tpu.memory_space<hbm>> -> memref<78x128xi32, #tpu.memory_space<hbm>>
      tpu.wait_dma2 semaphore(%run_scoped3A : memref<!tpu.dma_semaphore, #tpu.memory_space<semaphore_mem>>) src(%dma_wait3A_31 : memref<78x128xi32, #tpu.memory_space<hbm>>) dst(%arg7 : memref<78x128xi32, #tpu.memory_space<vmem>>)
      tpu.yield
    }) : () -> ()
    %mul3A_5 = arith.constant 16 : i32
    %mul3A_6 = arith.muli %add3A, %mul3A_5 : i32
    "tpu.region"() ({
      %run_scoped3A = tpu.sem_alloc : memref<!tpu.dma_semaphore, #tpu.memory_space<semaphore_mem>>
      %dma_start3A = tpu.memref_slice %arg3[%mul3A_6] : memref<512xi32, #tpu.memory_space<hbm>> -> memref<16xi32, #tpu.memory_space<hbm>>
      %dma_start3A_26 = tpu.memref_slice %arg3[%mul3A_6] : memref<512xi32, #tpu.memory_space<hbm>> -> memref<16xi32, #tpu.memory_space<hbm>>
      tpu.enqueue_dma source(%dma_start3A_26 : memref<16xi32, #tpu.memory_space<hbm>>) target(%arg8 : memref<16xi32, #tpu.memory_space<vmem>>) target_semaphore(%run_scoped3A : memref<!tpu.dma_semaphore, #tpu.memory_space<semaphore_mem>>)
      %dma_wait3A = tpu.memref_slice %arg3[%mul3A_6] : memref<512xi32, #tpu.memory_space<hbm>> -> memref<16xi32, #tpu.memory_space<hbm>>
      %dma_wait3A_27 = tpu.memref_slice %arg3[%mul3A_6] : memref<512xi32, #tpu.memory_space<hbm>> -> memref<16xi32, #tpu.memory_space<hbm>>
      tpu.wait_dma2 semaphore(%run_scoped3A : memref<!tpu.dma_semaphore, #tpu.memory_space<semaphore_mem>>) src(%dma_wait3A_27 : memref<16xi32, #tpu.memory_space<hbm>>) dst(%arg8 : memref<16xi32, #tpu.memory_space<vmem>>)
      tpu.yield
    }) : () -> ()
    "tpu.region"() ({
      %run_scoped3A = tpu.sem_alloc : memref<!tpu.dma_semaphore, #tpu.memory_space<semaphore_mem>>
      tpu.enqueue_dma source(%arg4 : memref<128x16xf32, #tpu.memory_space<hbm>>) target(%arg9 : memref<128x16xf32, #tpu.memory_space<vmem>>) target_semaphore(%run_scoped3A : memref<!tpu.dma_semaphore, #tpu.memory_space<semaphore_mem>>)
      tpu.wait_dma2 semaphore(%run_scoped3A : memref<!tpu.dma_semaphore, #tpu.memory_space<semaphore_mem>>) src(%arg4 : memref<128x16xf32, #tpu.memory_space<hbm>>) dst(%arg9 : memref<128x16xf32, #tpu.memory_space<vmem>>)
      tpu.yield
    }) : () -> ()
    "tpu.region"() ({
      %run_scoped3A = tpu.sem_alloc : memref<!tpu.dma_semaphore, #tpu.memory_space<semaphore_mem>>
      %dma_start3A = arith.constant 0 : i32
      %dma_start3A_26 = tpu.memref_slice %arg10[%mul3A_2, %dma_start3A] : memref<10000x16xf32, #tpu.memory_space<vmem_shared>> -> memref<624x16xf32, #tpu.memory_space<vmem_shared>>
      %dma_start3A_27 = arith.constant 0 : i32
      %dma_start3A_28 = tpu.memref_slice %arg5[%mul3A_2, %dma_start3A_27] : memref<10000x16xf32, #tpu.memory_space<hbm>> -> memref<624x16xf32, #tpu.memory_space<hbm>>
      tpu.enqueue_dma source(%dma_start3A_28 : memref<624x16xf32, #tpu.memory_space<hbm>>) target(%dma_start3A_26 : memref<624x16xf32, #tpu.memory_space<vmem_shared>>) target_semaphore(%run_scoped3A : memref<!tpu.dma_semaphore, #tpu.memory_space<semaphore_mem>>)
      %dma_wait3A = arith.constant 0 : i32
      %dma_wait3A_29 = tpu.memref_slice %arg10[%mul3A_2, %dma_wait3A] : memref<10000x16xf32, #tpu.memory_space<vmem_shared>> -> memref<624x16xf32, #tpu.memory_space<vmem_shared>>
      %dma_wait3A_30 = arith.constant 0 : i32
      %dma_wait3A_31 = tpu.memref_slice %arg5[%mul3A_2, %dma_wait3A_30] : memref<10000x16xf32, #tpu.memory_space<hbm>> -> memref<624x16xf32, #tpu.memory_space<hbm>>
      tpu.wait_dma2 semaphore(%run_scoped3A : memref<!tpu.dma_semaphore, #tpu.memory_space<semaphore_mem>>) src(%dma_wait3A_31 : memref<624x16xf32, #tpu.memory_space<hbm>>) dst(%dma_wait3A_29 : memref<624x16xf32, #tpu.memory_space<vmem_shared>>)
      tpu.yield
    }) : () -> ()
    %eq3A = arith.constant 15 : i32
    %eq3A_7 = arith.cmpi eq, %arg1, %eq3A : i32
    %convert_element_type3A = arith.extui %eq3A_7 : i1 to i32
    %cond3A = arith.constant 0 : i32
    %cond3A_8 = arith.cmpi ne, %convert_element_type3A, %cond3A : i32
    scf.if %cond3A_8 {
      "tpu.region"() ({
        %run_scoped3A = tpu.sem_alloc : memref<!tpu.dma_semaphore, #tpu.memory_space<semaphore_mem>>
        %dma_start3A = arith.constant 9984 : i32
        %dma_start3A_26 = arith.constant 0 : i32
        %dma_start3A_27 = tpu.memref_slice %arg10[%dma_start3A, %dma_start3A_26] : memref<10000x16xf32, #tpu.memory_space<vmem_shared>> -> memref<16x16xf32, #tpu.memory_space<vmem_shared>>
        %dma_start3A_28 = arith.constant 9984 : i32
        %dma_start3A_29 = arith.constant 0 : i32
        %dma_start3A_30 = tpu.memref_slice %arg5[%dma_start3A_28, %dma_start3A_29] : memref<10000x16xf32, #tpu.memory_space<hbm>> -> memref<16x16xf32, #tpu.memory_space<hbm>>
        tpu.enqueue_dma source(%dma_start3A_30 : memref<16x16xf32, #tpu.memory_space<hbm>>) target(%dma_start3A_27 : memref<16x16xf32, #tpu.memory_space<vmem_shared>>) target_semaphore(%run_scoped3A : memref<!tpu.dma_semaphore, #tpu.memory_space<semaphore_mem>>)
        %dma_wait3A = arith.constant 9984 : i32
        %dma_wait3A_31 = arith.constant 0 : i32
        %dma_wait3A_32 = tpu.memref_slice %arg10[%dma_wait3A, %dma_wait3A_31] : memref<10000x16xf32, #tpu.memory_space<vmem_shared>> -> memref<16x16xf32, #tpu.memory_space<vmem_shared>>
        %dma_wait3A_33 = arith.constant 9984 : i32
        %dma_wait3A_34 = arith.constant 0 : i32
        %dma_wait3A_35 = tpu.memref_slice %arg5[%dma_wait3A_33, %dma_wait3A_34] : memref<10000x16xf32, #tpu.memory_space<hbm>> -> memref<16x16xf32, #tpu.memory_space<hbm>>
        tpu.wait_dma2 semaphore(%run_scoped3A : memref<!tpu.dma_semaphore, #tpu.memory_space<semaphore_mem>>) src(%dma_wait3A_35 : memref<16x16xf32, #tpu.memory_space<hbm>>) dst(%dma_wait3A_32 : memref<16x16xf32, #tpu.memory_space<vmem_shared>>)
        tpu.yield
      }) : () -> ()
    } else {
    }
    %barrier3A = arith.constant 0 : index
    tpu.barrier barrier_id(%barrier3A)
    %scan3A = arith.constant 0 : i32
    %scan3A_9 = arith.constant 0 : i32
    %scan3A_10 = arith.constant 78 : i32
    %scan3A_11 = arith.addi %scan3A_9, %scan3A_10 : i32
    %scan3A_12 = arith.constant 1 : i32
    scf.for %scan3A_26 = %scan3A_9 to %scan3A_11 step %scan3A_12  : i32 {
      %dma_start3A = arith.constant 0 : i32
      %dma_start3A_27 = tpu.memref_slice %arg7[%scan3A_26, %dma_start3A] : memref<78x128xi32, #tpu.memory_space<vmem>> -> memref<1x128xi32, #tpu.memory_space<vmem>>
      %dma_start3A_28 = tpu.memref_squeeze %dma_start3A_27 : memref<1x128xi32, #tpu.memory_space<vmem>> -> memref<128xi32, #tpu.memory_space<vmem>>
      %dma_start3A_29 = arith.constant 0 : i32
      %dma_start3A_30 = arith.constant 0 : i32
      %dma_start3A_31 = tpu.memref_slice %arg10[%dma_start3A_29, %dma_start3A_30] : memref<10000x16xf32, #tpu.memory_space<vmem_shared>> -> memref<10000x16xf32, #tpu.memory_space<vmem_shared>>
      tpu.enqueue_indirect_dma source(%arg9 : memref<128x16xf32, #tpu.memory_space<vmem>>) target(%dma_start3A_31 : memref<10000x16xf32, #tpu.memory_space<vmem_shared>>) offsets(%dma_start3A_28 : memref<128xi32, #tpu.memory_space<vmem>>) semaphore(%arg11 : memref<!tpu.dma_semaphore, #tpu.memory_space<semaphore_mem>>) {add = true}
    }
    %scan3A_13 = arith.constant 78 : i32
    %scan3A_14 = arith.constant 0 : i32
    %scan3A_15 = arith.constant 0 : i32
    %scan3A_16 = arith.constant 78 : i32
    %scan3A_17 = arith.addi %scan3A_15, %scan3A_16 : i32
    %scan3A_18 = arith.constant 1 : i32
    scf.for %scan3A_26 = %scan3A_15 to %scan3A_17 step %scan3A_18  : i32 {
      %dma_wait3A = arith.constant 0 : i32
      %dma_wait3A_27 = tpu.memref_slice %arg7[%scan3A_26, %dma_wait3A] : memref<78x128xi32, #tpu.memory_space<vmem>> -> memref<1x128xi32, #tpu.memory_space<vmem>>
      %dma_wait3A_28 = tpu.memref_squeeze %dma_wait3A_27 : memref<1x128xi32, #tpu.memory_space<vmem>> -> memref<128xi32, #tpu.memory_space<vmem>>
      %dma_wait3A_29 = arith.constant 0 : i32
      %dma_wait3A_30 = arith.constant 0 : i32
      %dma_wait3A_31 = tpu.memref_slice %arg10[%dma_wait3A_29, %dma_wait3A_30] : memref<10000x16xf32, #tpu.memory_space<vmem_shared>> -> memref<10000x16xf32, #tpu.memory_space<vmem_shared>>
      tpu.wait_indirect_dma semaphore(%arg11 : memref<!tpu.dma_semaphore, #tpu.memory_space<semaphore_mem>>) src(%arg9 : memref<128x16xf32, #tpu.memory_space<vmem>>) dst(%dma_wait3A_31 : memref<10000x16xf32, #tpu.memory_space<vmem_shared>>)
    }
    %scan3A_19 = arith.constant 78 : i32
    "tpu.region"() ({
      %run_scoped3A = tpu.sem_alloc : memref<!tpu.dma_semaphore, #tpu.memory_space<semaphore_mem>>
      %dma_start3A = arith.constant 0 : i32
      %dma_start3A_26 = arith.constant 0 : i32
      %dma_start3A_27 = tpu.memref_slice %arg9[%dma_start3A, %dma_start3A_26] : memref<128x16xf32, #tpu.memory_space<vmem>> -> memref<16x16xf32, #tpu.memory_space<vmem>>
      %dma_start3A_28 = arith.constant 0 : i32
      %dma_start3A_29 = arith.constant 0 : i32
      %dma_start3A_30 = tpu.memref_slice %arg10[%dma_start3A_28, %dma_start3A_29] : memref<10000x16xf32, #tpu.memory_space<vmem_shared>> -> memref<10000x16xf32, #tpu.memory_space<vmem_shared>>
      tpu.enqueue_indirect_dma source(%dma_start3A_27 : memref<16x16xf32, #tpu.memory_space<vmem>>) target(%dma_start3A_30 : memref<10000x16xf32, #tpu.memory_space<vmem_shared>>) offsets(%arg8 : memref<16xi32, #tpu.memory_space<vmem>>) semaphore(%run_scoped3A : memref<!tpu.dma_semaphore, #tpu.memory_space<semaphore_mem>>) {add = true}
      %dma_wait3A = arith.constant 0 : i32
      %dma_wait3A_31 = arith.constant 0 : i32
      %dma_wait3A_32 = tpu.memref_slice %arg9[%dma_wait3A, %dma_wait3A_31] : memref<128x16xf32, #tpu.memory_space<vmem>> -> memref<16x16xf32, #tpu.memory_space<vmem>>
      %dma_wait3A_33 = arith.constant 0 : i32
      %dma_wait3A_34 = arith.constant 0 : i32
      %dma_wait3A_35 = tpu.memref_slice %arg10[%dma_wait3A_33, %dma_wait3A_34] : memref<10000x16xf32, #tpu.memory_space<vmem_shared>> -> memref<10000x16xf32, #tpu.memory_space<vmem_shared>>
      tpu.wait_indirect_dma semaphore(%run_scoped3A : memref<!tpu.dma_semaphore, #tpu.memory_space<semaphore_mem>>) src(%dma_wait3A_32 : memref<16x16xf32, #tpu.memory_space<vmem>>) dst(%dma_wait3A_35 : memref<10000x16xf32, #tpu.memory_space<vmem_shared>>)
      tpu.yield
    }) : () -> ()
    %barrier3A_20 = arith.constant 0 : index
    tpu.barrier barrier_id(%barrier3A_20)
    "tpu.region"() ({
      %run_scoped3A = tpu.sem_alloc : memref<!tpu.dma_semaphore, #tpu.memory_space<semaphore_mem>>
      %dma_start3A = arith.constant 0 : i32
      %dma_start3A_26 = tpu.memref_slice %arg6[%arg0, %mul3A_2, %dma_start3A] : memref<2x10000x16xf32, #tpu.memory_space<hbm>> -> memref<1x624x16xf32, #tpu.memory_space<hbm>>
      %dma_start3A_27 = tpu.memref_squeeze %dma_start3A_26 : memref<1x624x16xf32, #tpu.memory_space<hbm>> -> memref<624x16xf32, #tpu.memory_space<hbm>>
      %dma_start3A_28 = arith.constant 0 : i32
      %dma_start3A_29 = tpu.memref_slice %arg10[%mul3A_2, %dma_start3A_28] : memref<10000x16xf32, #tpu.memory_space<vmem_shared>> -> memref<624x16xf32, #tpu.memory_space<vmem_shared>>
      tpu.enqueue_dma source(%dma_start3A_29 : memref<624x16xf32, #tpu.memory_space<vmem_shared>>) target(%dma_start3A_27 : memref<624x16xf32, #tpu.memory_space<hbm>>) target_semaphore(%run_scoped3A : memref<!tpu.dma_semaphore, #tpu.memory_space<semaphore_mem>>)
      %dma_wait3A = arith.constant 0 : i32
      %dma_wait3A_30 = tpu.memref_slice %arg6[%arg0, %mul3A_2, %dma_wait3A] : memref<2x10000x16xf32, #tpu.memory_space<hbm>> -> memref<1x624x16xf32, #tpu.memory_space<hbm>>
      %dma_wait3A_31 = tpu.memref_squeeze %dma_wait3A_30 : memref<1x624x16xf32, #tpu.memory_space<hbm>> -> memref<624x16xf32, #tpu.memory_space<hbm>>
      %dma_wait3A_32 = arith.constant 0 : i32
      %dma_wait3A_33 = tpu.memref_slice %arg10[%mul3A_2, %dma_wait3A_32] : memref<10000x16xf32, #tpu.memory_space<vmem_shared>> -> memref<624x16xf32, #tpu.memory_space<vmem_shared>>
      tpu.wait_dma2 semaphore(%run_scoped3A : memref<!tpu.dma_semaphore, #tpu.memory_space<semaphore_mem>>) src(%dma_wait3A_33 : memref<624x16xf32, #tpu.memory_space<vmem_shared>>) dst(%dma_wait3A_31 : memref<624x16xf32, #tpu.memory_space<hbm>>)
      tpu.yield
    }) : () -> ()
    %eq3A_21 = arith.constant 15 : i32
    %eq3A_22 = arith.cmpi eq, %arg1, %eq3A_21 : i32
    %convert_element_type3A_23 = arith.extui %eq3A_22 : i1 to i32
    %cond3A_24 = arith.constant 0 : i32
    %cond3A_25 = arith.cmpi ne, %convert_element_type3A_23, %cond3A_24 : i32
    scf.if %cond3A_25 {
      "tpu.region"() ({
        %run_scoped3A = tpu.sem_alloc : memref<!tpu.dma_semaphore, #tpu.memory_space<semaphore_mem>>
        %dma_start3A = arith.constant 9984 : i32
        %dma_start3A_26 = arith.constant 0 : i32
        %dma_start3A_27 = tpu.memref_slice %arg6[%arg0, %dma_start3A, %dma_start3A_26] : memref<2x10000x16xf32, #tpu.memory_space<hbm>> -> memref<1x16x16xf32, #tpu.memory_space<hbm>>
        %dma_start3A_28 = tpu.memref_squeeze %dma_start3A_27 : memref<1x16x16xf32, #tpu.memory_space<hbm>> -> memref<16x16xf32, #tpu.memory_space<hbm>>
        %dma_start3A_29 = arith.constant 9984 : i32
        %dma_start3A_30 = arith.constant 0 : i32
        %dma_start3A_31 = tpu.memref_slice %arg10[%dma_start3A_29, %dma_start3A_30] : memref<10000x16xf32, #tpu.memory_space<vmem_shared>> -> memref<16x16xf32, #tpu.memory_space<vmem_shared>>
        tpu.enqueue_dma source(%dma_start3A_31 : memref<16x16xf32, #tpu.memory_space<vmem_shared>>) target(%dma_start3A_28 : memref<16x16xf32, #tpu.memory_space<hbm>>) target_semaphore(%run_scoped3A : memref<!tpu.dma_semaphore, #tpu.memory_space<semaphore_mem>>)
        %dma_wait3A = arith.constant 9984 : i32
        %dma_wait3A_32 = arith.constant 0 : i32
        %dma_wait3A_33 = tpu.memref_slice %arg6[%arg0, %dma_wait3A, %dma_wait3A_32] : memref<2x10000x16xf32, #tpu.memory_space<hbm>> -> memref<1x16x16xf32, #tpu.memory_space<hbm>>
        %dma_wait3A_34 = tpu.memref_squeeze %dma_wait3A_33 : memref<1x16x16xf32, #tpu.memory_space<hbm>> -> memref<16x16xf32, #tpu.memory_space<hbm>>
        %dma_wait3A_35 = arith.constant 9984 : i32
        %dma_wait3A_36 = arith.constant 0 : i32
        %dma_wait3A_37 = tpu.memref_slice %arg10[%dma_wait3A_35, %dma_wait3A_36] : memref<10000x16xf32, #tpu.memory_space<vmem_shared>> -> memref<16x16xf32, #tpu.memory_space<vmem_shared>>
        tpu.wait_dma2 semaphore(%run_scoped3A : memref<!tpu.dma_semaphore, #tpu.memory_space<semaphore_mem>>) src(%dma_wait3A_37 : memref<16x16xf32, #tpu.memory_space<vmem_shared>>) dst(%dma_wait3A_34 : memref<16x16xf32, #tpu.memory_space<hbm>>)
        tpu.yield
      }) : () -> ()
    } else {
    }
    return
  }
}

#map = affine_map<(d0, d1) -> (0, 0)>
#map1 = affine_map<(d0, d1) -> (0)>
#map2 = affine_map<(d0, d1) -> (0, 0, 0)>
module attributes {stable_mosaic.version = 14 : i64} {
  func.func @_sc_aggregate(%arg0: i32, %arg1: i32, %arg2: memref<20000x64xf32, #tpu.memory_space<hbm>>, %arg3: memref<2496x128xi32, #tpu.memory_space<hbm>>, %arg4: memref<2496x128xi32, #tpu.memory_space<hbm>>, %arg5: memref<512xi32, #tpu.memory_space<hbm>>, %arg6: memref<512xi32, #tpu.memory_space<hbm>>, %arg7: memref<10000x64xf32, #tpu.memory_space<hbm>>, %arg8: memref<2x10000x64xf32, #tpu.memory_space<hbm>>, %arg9: memref<78x128xi32, #tpu.memory_space<vmem>>, %arg10: memref<78x128xi32, #tpu.memory_space<vmem>>, %arg11: memref<16xi32, #tpu.memory_space<vmem>>, %arg12: memref<16xi32, #tpu.memory_space<vmem>>, %arg13: memref<6x128x64xf32, #tpu.memory_space<vmem>>, %arg14: memref<10000x64xf32, #tpu.memory_space<vmem_shared>>, %arg15: memref<!tpu.dma_semaphore, #tpu.memory_space<semaphore_mem>>, %arg16: memref<!tpu.dma_semaphore, #tpu.memory_space<semaphore_mem>>, %arg17: memref<!tpu.dma_semaphore, #tpu.memory_space<semaphore_mem>>, %arg18: memref<!tpu.dma_semaphore, #tpu.memory_space<semaphore_mem>>, %arg19: memref<!tpu.dma_semaphore, #tpu.memory_space<semaphore_mem>>, %arg20: memref<!tpu.dma_semaphore, #tpu.memory_space<semaphore_mem>>, %arg21: memref<!tpu.dma_semaphore, #tpu.memory_space<semaphore_mem>>, %arg22: memref<!tpu.dma_semaphore, #tpu.memory_space<semaphore_mem>>, %arg23: memref<!tpu.dma_semaphore, #tpu.memory_space<semaphore_mem>>, %arg24: memref<!tpu.dma_semaphore, #tpu.memory_space<semaphore_mem>>, %arg25: memref<!tpu.dma_semaphore, #tpu.memory_space<semaphore_mem>>, %arg26: memref<!tpu.dma_semaphore, #tpu.memory_space<semaphore_mem>>) attributes {dimension_semantics = [#tpu.dimension_semantics<core_parallel>, #tpu.dimension_semantics<subcore_parallel>], iteration_bounds = array<i64: 2, 16>, scalar_prefetch = 0 : i64, scratch_operands = 18 : i64, tpu.core_type = #tpu.core_type<sc_vector_subcore>, window_params = [{transform_indices = #map}, {transform_indices = #map}, {transform_indices = #map}, {transform_indices = #map1}, {transform_indices = #map1}, {transform_indices = #map}, {transform_indices = #map2}]} {
    %mul3A = arith.constant 16 : i32
    %mul3A_0 = arith.muli %arg0, %mul3A : i32
    %add3A = arith.addi %mul3A_0, %arg1 : i32
    %mul3A_1 = arith.constant 624 : i32
    %mul3A_2 = arith.muli %arg1, %mul3A_1 : i32
    %mul3A_3 = arith.constant 78 : i32
    %mul3A_4 = arith.muli %add3A, %mul3A_3 : i32
    "tpu.region"() ({
      %run_scoped3A_96 = tpu.sem_alloc : memref<!tpu.dma_semaphore, #tpu.memory_space<semaphore_mem>>
      %dma_start3A_97 = arith.constant 0 : i32
      %dma_start3A_98 = tpu.memref_slice %arg3[%mul3A_4, %dma_start3A_97] : memref<2496x128xi32, #tpu.memory_space<hbm>> -> memref<78x128xi32, #tpu.memory_space<hbm>>
      %dma_start3A_99 = arith.constant 0 : i32
      %dma_start3A_100 = tpu.memref_slice %arg3[%mul3A_4, %dma_start3A_99] : memref<2496x128xi32, #tpu.memory_space<hbm>> -> memref<78x128xi32, #tpu.memory_space<hbm>>
      tpu.enqueue_dma source(%dma_start3A_100 : memref<78x128xi32, #tpu.memory_space<hbm>>) target(%arg9 : memref<78x128xi32, #tpu.memory_space<vmem>>) target_semaphore(%run_scoped3A_96 : memref<!tpu.dma_semaphore, #tpu.memory_space<semaphore_mem>>)
      %dma_wait3A = arith.constant 0 : i32
      %dma_wait3A_101 = tpu.memref_slice %arg3[%mul3A_4, %dma_wait3A] : memref<2496x128xi32, #tpu.memory_space<hbm>> -> memref<78x128xi32, #tpu.memory_space<hbm>>
      %dma_wait3A_102 = arith.constant 0 : i32
      %dma_wait3A_103 = tpu.memref_slice %arg3[%mul3A_4, %dma_wait3A_102] : memref<2496x128xi32, #tpu.memory_space<hbm>> -> memref<78x128xi32, #tpu.memory_space<hbm>>
      tpu.wait_dma2 semaphore(%run_scoped3A_96 : memref<!tpu.dma_semaphore, #tpu.memory_space<semaphore_mem>>) src(%dma_wait3A_103 : memref<78x128xi32, #tpu.memory_space<hbm>>) dst(%arg9 : memref<78x128xi32, #tpu.memory_space<vmem>>)
      tpu.yield
    }) : () -> ()
    %mul3A_5 = arith.constant 78 : i32
    %mul3A_6 = arith.muli %add3A, %mul3A_5 : i32
    "tpu.region"() ({
      %run_scoped3A_96 = tpu.sem_alloc : memref<!tpu.dma_semaphore, #tpu.memory_space<semaphore_mem>>
      %dma_start3A_97 = arith.constant 0 : i32
      %dma_start3A_98 = tpu.memref_slice %arg4[%mul3A_6, %dma_start3A_97] : memref<2496x128xi32, #tpu.memory_space<hbm>> -> memref<78x128xi32, #tpu.memory_space<hbm>>
      %dma_start3A_99 = arith.constant 0 : i32
      %dma_start3A_100 = tpu.memref_slice %arg4[%mul3A_6, %dma_start3A_99] : memref<2496x128xi32, #tpu.memory_space<hbm>> -> memref<78x128xi32, #tpu.memory_space<hbm>>
      tpu.enqueue_dma source(%dma_start3A_100 : memref<78x128xi32, #tpu.memory_space<hbm>>) target(%arg10 : memref<78x128xi32, #tpu.memory_space<vmem>>) target_semaphore(%run_scoped3A_96 : memref<!tpu.dma_semaphore, #tpu.memory_space<semaphore_mem>>)
      %dma_wait3A = arith.constant 0 : i32
      %dma_wait3A_101 = tpu.memref_slice %arg4[%mul3A_6, %dma_wait3A] : memref<2496x128xi32, #tpu.memory_space<hbm>> -> memref<78x128xi32, #tpu.memory_space<hbm>>
      %dma_wait3A_102 = arith.constant 0 : i32
      %dma_wait3A_103 = tpu.memref_slice %arg4[%mul3A_6, %dma_wait3A_102] : memref<2496x128xi32, #tpu.memory_space<hbm>> -> memref<78x128xi32, #tpu.memory_space<hbm>>
      tpu.wait_dma2 semaphore(%run_scoped3A_96 : memref<!tpu.dma_semaphore, #tpu.memory_space<semaphore_mem>>) src(%dma_wait3A_103 : memref<78x128xi32, #tpu.memory_space<hbm>>) dst(%arg10 : memref<78x128xi32, #tpu.memory_space<vmem>>)
      tpu.yield
    }) : () -> ()
    %mul3A_7 = arith.constant 16 : i32
    %mul3A_8 = arith.muli %add3A, %mul3A_7 : i32
    "tpu.region"() ({
      %run_scoped3A_96 = tpu.sem_alloc : memref<!tpu.dma_semaphore, #tpu.memory_space<semaphore_mem>>
      %dma_start3A_97 = tpu.memref_slice %arg5[%mul3A_8] : memref<512xi32, #tpu.memory_space<hbm>> -> memref<16xi32, #tpu.memory_space<hbm>>
      %dma_start3A_98 = tpu.memref_slice %arg5[%mul3A_8] : memref<512xi32, #tpu.memory_space<hbm>> -> memref<16xi32, #tpu.memory_space<hbm>>
      tpu.enqueue_dma source(%dma_start3A_98 : memref<16xi32, #tpu.memory_space<hbm>>) target(%arg11 : memref<16xi32, #tpu.memory_space<vmem>>) target_semaphore(%run_scoped3A_96 : memref<!tpu.dma_semaphore, #tpu.memory_space<semaphore_mem>>)
      %dma_wait3A = tpu.memref_slice %arg5[%mul3A_8] : memref<512xi32, #tpu.memory_space<hbm>> -> memref<16xi32, #tpu.memory_space<hbm>>
      %dma_wait3A_99 = tpu.memref_slice %arg5[%mul3A_8] : memref<512xi32, #tpu.memory_space<hbm>> -> memref<16xi32, #tpu.memory_space<hbm>>
      tpu.wait_dma2 semaphore(%run_scoped3A_96 : memref<!tpu.dma_semaphore, #tpu.memory_space<semaphore_mem>>) src(%dma_wait3A_99 : memref<16xi32, #tpu.memory_space<hbm>>) dst(%arg11 : memref<16xi32, #tpu.memory_space<vmem>>)
      tpu.yield
    }) : () -> ()
    %mul3A_9 = arith.constant 16 : i32
    %mul3A_10 = arith.muli %add3A, %mul3A_9 : i32
    "tpu.region"() ({
      %run_scoped3A_96 = tpu.sem_alloc : memref<!tpu.dma_semaphore, #tpu.memory_space<semaphore_mem>>
      %dma_start3A_97 = tpu.memref_slice %arg6[%mul3A_10] : memref<512xi32, #tpu.memory_space<hbm>> -> memref<16xi32, #tpu.memory_space<hbm>>
      %dma_start3A_98 = tpu.memref_slice %arg6[%mul3A_10] : memref<512xi32, #tpu.memory_space<hbm>> -> memref<16xi32, #tpu.memory_space<hbm>>
      tpu.enqueue_dma source(%dma_start3A_98 : memref<16xi32, #tpu.memory_space<hbm>>) target(%arg12 : memref<16xi32, #tpu.memory_space<vmem>>) target_semaphore(%run_scoped3A_96 : memref<!tpu.dma_semaphore, #tpu.memory_space<semaphore_mem>>)
      %dma_wait3A = tpu.memref_slice %arg6[%mul3A_10] : memref<512xi32, #tpu.memory_space<hbm>> -> memref<16xi32, #tpu.memory_space<hbm>>
      %dma_wait3A_99 = tpu.memref_slice %arg6[%mul3A_10] : memref<512xi32, #tpu.memory_space<hbm>> -> memref<16xi32, #tpu.memory_space<hbm>>
      tpu.wait_dma2 semaphore(%run_scoped3A_96 : memref<!tpu.dma_semaphore, #tpu.memory_space<semaphore_mem>>) src(%dma_wait3A_99 : memref<16xi32, #tpu.memory_space<hbm>>) dst(%arg12 : memref<16xi32, #tpu.memory_space<vmem>>)
      tpu.yield
    }) : () -> ()
    "tpu.region"() ({
      %run_scoped3A_96 = tpu.sem_alloc : memref<!tpu.dma_semaphore, #tpu.memory_space<semaphore_mem>>
      %dma_start3A_97 = arith.constant 0 : i32
      %dma_start3A_98 = tpu.memref_slice %arg14[%mul3A_2, %dma_start3A_97] : memref<10000x64xf32, #tpu.memory_space<vmem_shared>> -> memref<624x64xf32, #tpu.memory_space<vmem_shared>>
      %dma_start3A_99 = arith.constant 0 : i32
      %dma_start3A_100 = tpu.memref_slice %arg7[%mul3A_2, %dma_start3A_99] : memref<10000x64xf32, #tpu.memory_space<hbm>> -> memref<624x64xf32, #tpu.memory_space<hbm>>
      tpu.enqueue_dma source(%dma_start3A_100 : memref<624x64xf32, #tpu.memory_space<hbm>>) target(%dma_start3A_98 : memref<624x64xf32, #tpu.memory_space<vmem_shared>>) target_semaphore(%run_scoped3A_96 : memref<!tpu.dma_semaphore, #tpu.memory_space<semaphore_mem>>)
      %dma_wait3A = arith.constant 0 : i32
      %dma_wait3A_101 = tpu.memref_slice %arg14[%mul3A_2, %dma_wait3A] : memref<10000x64xf32, #tpu.memory_space<vmem_shared>> -> memref<624x64xf32, #tpu.memory_space<vmem_shared>>
      %dma_wait3A_102 = arith.constant 0 : i32
      %dma_wait3A_103 = tpu.memref_slice %arg7[%mul3A_2, %dma_wait3A_102] : memref<10000x64xf32, #tpu.memory_space<hbm>> -> memref<624x64xf32, #tpu.memory_space<hbm>>
      tpu.wait_dma2 semaphore(%run_scoped3A_96 : memref<!tpu.dma_semaphore, #tpu.memory_space<semaphore_mem>>) src(%dma_wait3A_103 : memref<624x64xf32, #tpu.memory_space<hbm>>) dst(%dma_wait3A_101 : memref<624x64xf32, #tpu.memory_space<vmem_shared>>)
      tpu.yield
    }) : () -> ()
    %eq3A = arith.constant 15 : i32
    %eq3A_11 = arith.cmpi eq, %arg1, %eq3A : i32
    %convert_element_type3A = arith.extui %eq3A_11 : i1 to i32
    %cond3A = arith.constant 0 : i32
    %cond3A_12 = arith.cmpi ne, %convert_element_type3A, %cond3A : i32
    scf.if %cond3A_12 {
      "tpu.region"() ({
        %run_scoped3A_96 = tpu.sem_alloc : memref<!tpu.dma_semaphore, #tpu.memory_space<semaphore_mem>>
        %dma_start3A_97 = arith.constant 9984 : i32
        %dma_start3A_98 = arith.constant 0 : i32
        %dma_start3A_99 = tpu.memref_slice %arg14[%dma_start3A_97, %dma_start3A_98] : memref<10000x64xf32, #tpu.memory_space<vmem_shared>> -> memref<16x64xf32, #tpu.memory_space<vmem_shared>>
        %dma_start3A_100 = arith.constant 9984 : i32
        %dma_start3A_101 = arith.constant 0 : i32
        %dma_start3A_102 = tpu.memref_slice %arg7[%dma_start3A_100, %dma_start3A_101] : memref<10000x64xf32, #tpu.memory_space<hbm>> -> memref<16x64xf32, #tpu.memory_space<hbm>>
        tpu.enqueue_dma source(%dma_start3A_102 : memref<16x64xf32, #tpu.memory_space<hbm>>) target(%dma_start3A_99 : memref<16x64xf32, #tpu.memory_space<vmem_shared>>) target_semaphore(%run_scoped3A_96 : memref<!tpu.dma_semaphore, #tpu.memory_space<semaphore_mem>>)
        %dma_wait3A = arith.constant 9984 : i32
        %dma_wait3A_103 = arith.constant 0 : i32
        %dma_wait3A_104 = tpu.memref_slice %arg14[%dma_wait3A, %dma_wait3A_103] : memref<10000x64xf32, #tpu.memory_space<vmem_shared>> -> memref<16x64xf32, #tpu.memory_space<vmem_shared>>
        %dma_wait3A_105 = arith.constant 9984 : i32
        %dma_wait3A_106 = arith.constant 0 : i32
        %dma_wait3A_107 = tpu.memref_slice %arg7[%dma_wait3A_105, %dma_wait3A_106] : memref<10000x64xf32, #tpu.memory_space<hbm>> -> memref<16x64xf32, #tpu.memory_space<hbm>>
        tpu.wait_dma2 semaphore(%run_scoped3A_96 : memref<!tpu.dma_semaphore, #tpu.memory_space<semaphore_mem>>) src(%dma_wait3A_107 : memref<16x64xf32, #tpu.memory_space<hbm>>) dst(%dma_wait3A_104 : memref<16x64xf32, #tpu.memory_space<vmem_shared>>)
        tpu.yield
      }) : () -> ()
    } else {
    }
    %barrier3A = arith.constant 0 : index
    tpu.barrier barrier_id(%barrier3A)
    %dma_start3A = arith.constant 0 : i32
    %dma_start3A_13 = arith.constant 0 : i32
    %dma_start3A_14 = arith.constant 0 : i32
    %dma_start3A_15 = arith.constant 0 : i32
    %dma_start3A_16 = tpu.memref_slice %arg13[%dma_start3A_13, %dma_start3A_14, %dma_start3A_15] : memref<6x128x64xf32, #tpu.memory_space<vmem>> -> memref<1x128x64xf32, #tpu.memory_space<vmem>>
    %dma_start3A_17 = tpu.memref_squeeze %dma_start3A_16 : memref<1x128x64xf32, #tpu.memory_space<vmem>> -> memref<128x64xf32, #tpu.memory_space<vmem>>
    %dma_start3A_18 = arith.constant 0 : i32
    %dma_start3A_19 = tpu.memref_slice %arg9[%dma_start3A, %dma_start3A_18] : memref<78x128xi32, #tpu.memory_space<vmem>> -> memref<1x128xi32, #tpu.memory_space<vmem>>
    %dma_start3A_20 = tpu.memref_squeeze %dma_start3A_19 : memref<1x128xi32, #tpu.memory_space<vmem>> -> memref<128xi32, #tpu.memory_space<vmem>>
    %dma_start3A_21 = arith.constant 0 : i32
    %dma_start3A_22 = arith.constant 0 : i32
    %dma_start3A_23 = tpu.memref_slice %arg2[%dma_start3A_21, %dma_start3A_22] : memref<20000x64xf32, #tpu.memory_space<hbm>> -> memref<20000x64xf32, #tpu.memory_space<hbm>>
    tpu.enqueue_indirect_dma source(%dma_start3A_23 : memref<20000x64xf32, #tpu.memory_space<hbm>>) target(%dma_start3A_17 : memref<128x64xf32, #tpu.memory_space<vmem>>) offsets(%dma_start3A_20 : memref<128xi32, #tpu.memory_space<vmem>>) semaphore(%arg15 : memref<!tpu.dma_semaphore, #tpu.memory_space<semaphore_mem>>)
    %dma_start3A_24 = arith.constant 1 : i32
    %dma_start3A_25 = arith.constant 1 : i32
    %dma_start3A_26 = arith.constant 0 : i32
    %dma_start3A_27 = arith.constant 0 : i32
    %dma_start3A_28 = tpu.memref_slice %arg13[%dma_start3A_25, %dma_start3A_26, %dma_start3A_27] : memref<6x128x64xf32, #tpu.memory_space<vmem>> -> memref<1x128x64xf32, #tpu.memory_space<vmem>>
    %dma_start3A_29 = tpu.memref_squeeze %dma_start3A_28 : memref<1x128x64xf32, #tpu.memory_space<vmem>> -> memref<128x64xf32, #tpu.memory_space<vmem>>
    %dma_start3A_30 = arith.constant 0 : i32
    %dma_start3A_31 = tpu.memref_slice %arg9[%dma_start3A_24, %dma_start3A_30] : memref<78x128xi32, #tpu.memory_space<vmem>> -> memref<1x128xi32, #tpu.memory_space<vmem>>
    %dma_start3A_32 = tpu.memref_squeeze %dma_start3A_31 : memref<1x128xi32, #tpu.memory_space<vmem>> -> memref<128xi32, #tpu.memory_space<vmem>>
    %dma_start3A_33 = arith.constant 0 : i32
    %dma_start3A_34 = arith.constant 0 : i32
    %dma_start3A_35 = tpu.memref_slice %arg2[%dma_start3A_33, %dma_start3A_34] : memref<20000x64xf32, #tpu.memory_space<hbm>> -> memref<20000x64xf32, #tpu.memory_space<hbm>>
    tpu.enqueue_indirect_dma source(%dma_start3A_35 : memref<20000x64xf32, #tpu.memory_space<hbm>>) target(%dma_start3A_29 : memref<128x64xf32, #tpu.memory_space<vmem>>) offsets(%dma_start3A_32 : memref<128xi32, #tpu.memory_space<vmem>>) semaphore(%arg16 : memref<!tpu.dma_semaphore, #tpu.memory_space<semaphore_mem>>)
    %dma_start3A_36 = arith.constant 2 : i32
    %dma_start3A_37 = arith.constant 2 : i32
    %dma_start3A_38 = arith.constant 0 : i32
    %dma_start3A_39 = arith.constant 0 : i32
    %dma_start3A_40 = tpu.memref_slice %arg13[%dma_start3A_37, %dma_start3A_38, %dma_start3A_39] : memref<6x128x64xf32, #tpu.memory_space<vmem>> -> memref<1x128x64xf32, #tpu.memory_space<vmem>>
    %dma_start3A_41 = tpu.memref_squeeze %dma_start3A_40 : memref<1x128x64xf32, #tpu.memory_space<vmem>> -> memref<128x64xf32, #tpu.memory_space<vmem>>
    %dma_start3A_42 = arith.constant 0 : i32
    %dma_start3A_43 = tpu.memref_slice %arg9[%dma_start3A_36, %dma_start3A_42] : memref<78x128xi32, #tpu.memory_space<vmem>> -> memref<1x128xi32, #tpu.memory_space<vmem>>
    %dma_start3A_44 = tpu.memref_squeeze %dma_start3A_43 : memref<1x128xi32, #tpu.memory_space<vmem>> -> memref<128xi32, #tpu.memory_space<vmem>>
    %dma_start3A_45 = arith.constant 0 : i32
    %dma_start3A_46 = arith.constant 0 : i32
    %dma_start3A_47 = tpu.memref_slice %arg2[%dma_start3A_45, %dma_start3A_46] : memref<20000x64xf32, #tpu.memory_space<hbm>> -> memref<20000x64xf32, #tpu.memory_space<hbm>>
    tpu.enqueue_indirect_dma source(%dma_start3A_47 : memref<20000x64xf32, #tpu.memory_space<hbm>>) target(%dma_start3A_41 : memref<128x64xf32, #tpu.memory_space<vmem>>) offsets(%dma_start3A_44 : memref<128xi32, #tpu.memory_space<vmem>>) semaphore(%arg17 : memref<!tpu.dma_semaphore, #tpu.memory_space<semaphore_mem>>)
    %dma_start3A_48 = arith.constant 3 : i32
    %dma_start3A_49 = arith.constant 3 : i32
    %dma_start3A_50 = arith.constant 0 : i32
    %dma_start3A_51 = arith.constant 0 : i32
    %dma_start3A_52 = tpu.memref_slice %arg13[%dma_start3A_49, %dma_start3A_50, %dma_start3A_51] : memref<6x128x64xf32, #tpu.memory_space<vmem>> -> memref<1x128x64xf32, #tpu.memory_space<vmem>>
    %dma_start3A_53 = tpu.memref_squeeze %dma_start3A_52 : memref<1x128x64xf32, #tpu.memory_space<vmem>> -> memref<128x64xf32, #tpu.memory_space<vmem>>
    %dma_start3A_54 = arith.constant 0 : i32
    %dma_start3A_55 = tpu.memref_slice %arg9[%dma_start3A_48, %dma_start3A_54] : memref<78x128xi32, #tpu.memory_space<vmem>> -> memref<1x128xi32, #tpu.memory_space<vmem>>
    %dma_start3A_56 = tpu.memref_squeeze %dma_start3A_55 : memref<1x128xi32, #tpu.memory_space<vmem>> -> memref<128xi32, #tpu.memory_space<vmem>>
    %dma_start3A_57 = arith.constant 0 : i32
    %dma_start3A_58 = arith.constant 0 : i32
    %dma_start3A_59 = tpu.memref_slice %arg2[%dma_start3A_57, %dma_start3A_58] : memref<20000x64xf32, #tpu.memory_space<hbm>> -> memref<20000x64xf32, #tpu.memory_space<hbm>>
    tpu.enqueue_indirect_dma source(%dma_start3A_59 : memref<20000x64xf32, #tpu.memory_space<hbm>>) target(%dma_start3A_53 : memref<128x64xf32, #tpu.memory_space<vmem>>) offsets(%dma_start3A_56 : memref<128xi32, #tpu.memory_space<vmem>>) semaphore(%arg18 : memref<!tpu.dma_semaphore, #tpu.memory_space<semaphore_mem>>)
    %dma_start3A_60 = arith.constant 4 : i32
    %dma_start3A_61 = arith.constant 4 : i32
    %dma_start3A_62 = arith.constant 0 : i32
    %dma_start3A_63 = arith.constant 0 : i32
    %dma_start3A_64 = tpu.memref_slice %arg13[%dma_start3A_61, %dma_start3A_62, %dma_start3A_63] : memref<6x128x64xf32, #tpu.memory_space<vmem>> -> memref<1x128x64xf32, #tpu.memory_space<vmem>>
    %dma_start3A_65 = tpu.memref_squeeze %dma_start3A_64 : memref<1x128x64xf32, #tpu.memory_space<vmem>> -> memref<128x64xf32, #tpu.memory_space<vmem>>
    %dma_start3A_66 = arith.constant 0 : i32
    %dma_start3A_67 = tpu.memref_slice %arg9[%dma_start3A_60, %dma_start3A_66] : memref<78x128xi32, #tpu.memory_space<vmem>> -> memref<1x128xi32, #tpu.memory_space<vmem>>
    %dma_start3A_68 = tpu.memref_squeeze %dma_start3A_67 : memref<1x128xi32, #tpu.memory_space<vmem>> -> memref<128xi32, #tpu.memory_space<vmem>>
    %dma_start3A_69 = arith.constant 0 : i32
    %dma_start3A_70 = arith.constant 0 : i32
    %dma_start3A_71 = tpu.memref_slice %arg2[%dma_start3A_69, %dma_start3A_70] : memref<20000x64xf32, #tpu.memory_space<hbm>> -> memref<20000x64xf32, #tpu.memory_space<hbm>>
    tpu.enqueue_indirect_dma source(%dma_start3A_71 : memref<20000x64xf32, #tpu.memory_space<hbm>>) target(%dma_start3A_65 : memref<128x64xf32, #tpu.memory_space<vmem>>) offsets(%dma_start3A_68 : memref<128xi32, #tpu.memory_space<vmem>>) semaphore(%arg19 : memref<!tpu.dma_semaphore, #tpu.memory_space<semaphore_mem>>)
    %dma_start3A_72 = arith.constant 5 : i32
    %dma_start3A_73 = arith.constant 5 : i32
    %dma_start3A_74 = arith.constant 0 : i32
    %dma_start3A_75 = arith.constant 0 : i32
    %dma_start3A_76 = tpu.memref_slice %arg13[%dma_start3A_73, %dma_start3A_74, %dma_start3A_75] : memref<6x128x64xf32, #tpu.memory_space<vmem>> -> memref<1x128x64xf32, #tpu.memory_space<vmem>>
    %dma_start3A_77 = tpu.memref_squeeze %dma_start3A_76 : memref<1x128x64xf32, #tpu.memory_space<vmem>> -> memref<128x64xf32, #tpu.memory_space<vmem>>
    %dma_start3A_78 = arith.constant 0 : i32
    %dma_start3A_79 = tpu.memref_slice %arg9[%dma_start3A_72, %dma_start3A_78] : memref<78x128xi32, #tpu.memory_space<vmem>> -> memref<1x128xi32, #tpu.memory_space<vmem>>
    %dma_start3A_80 = tpu.memref_squeeze %dma_start3A_79 : memref<1x128xi32, #tpu.memory_space<vmem>> -> memref<128xi32, #tpu.memory_space<vmem>>
    %dma_start3A_81 = arith.constant 0 : i32
    %dma_start3A_82 = arith.constant 0 : i32
    %dma_start3A_83 = tpu.memref_slice %arg2[%dma_start3A_81, %dma_start3A_82] : memref<20000x64xf32, #tpu.memory_space<hbm>> -> memref<20000x64xf32, #tpu.memory_space<hbm>>
    tpu.enqueue_indirect_dma source(%dma_start3A_83 : memref<20000x64xf32, #tpu.memory_space<hbm>>) target(%dma_start3A_77 : memref<128x64xf32, #tpu.memory_space<vmem>>) offsets(%dma_start3A_80 : memref<128xi32, #tpu.memory_space<vmem>>) semaphore(%arg20 : memref<!tpu.dma_semaphore, #tpu.memory_space<semaphore_mem>>)
    %scan3A = arith.constant 0 : i32
    %scan3A_84 = arith.constant 0 : i32
    %scan3A_85 = arith.constant 13 : i32
    %scan3A_86 = arith.addi %scan3A_84, %scan3A_85 : i32
    %scan3A_87 = arith.constant 1 : i32
    scf.for %scan3A_96 = %scan3A_84 to %scan3A_86 step %scan3A_87  : i32 {
      %mul3A_97 = arith.constant 6 : i32
      %mul3A_98 = arith.muli %scan3A_96, %mul3A_97 : i32
      %add3A_99 = arith.constant 0 : i32
      %add3A_100 = arith.addi %mul3A_98, %add3A_99 : i32
      %dma_wait3A = arith.constant 0 : i32
      %dma_wait3A_101 = arith.constant 0 : i32
      %dma_wait3A_102 = arith.constant 0 : i32
      %dma_wait3A_103 = tpu.memref_slice %arg13[%dma_wait3A, %dma_wait3A_101, %dma_wait3A_102] : memref<6x128x64xf32, #tpu.memory_space<vmem>> -> memref<1x128x64xf32, #tpu.memory_space<vmem>>
      %dma_wait3A_104 = tpu.memref_squeeze %dma_wait3A_103 : memref<1x128x64xf32, #tpu.memory_space<vmem>> -> memref<128x64xf32, #tpu.memory_space<vmem>>
      %dma_wait3A_105 = arith.constant 0 : i32
      %dma_wait3A_106 = tpu.memref_slice %arg9[%add3A_100, %dma_wait3A_105] : memref<78x128xi32, #tpu.memory_space<vmem>> -> memref<1x128xi32, #tpu.memory_space<vmem>>
      %dma_wait3A_107 = tpu.memref_squeeze %dma_wait3A_106 : memref<1x128xi32, #tpu.memory_space<vmem>> -> memref<128xi32, #tpu.memory_space<vmem>>
      %dma_wait3A_108 = arith.constant 0 : i32
      %dma_wait3A_109 = arith.constant 0 : i32
      %dma_wait3A_110 = tpu.memref_slice %arg2[%dma_wait3A_108, %dma_wait3A_109] : memref<20000x64xf32, #tpu.memory_space<hbm>> -> memref<20000x64xf32, #tpu.memory_space<hbm>>
      tpu.wait_indirect_dma semaphore(%arg15 : memref<!tpu.dma_semaphore, #tpu.memory_space<semaphore_mem>>) src(%dma_wait3A_110 : memref<20000x64xf32, #tpu.memory_space<hbm>>) dst(%dma_wait3A_104 : memref<128x64xf32, #tpu.memory_space<vmem>>)
      %add3A_111 = arith.constant 0 : i32
      %add3A_112 = arith.addi %mul3A_98, %add3A_111 : i32
      %dma_start3A_113 = arith.constant 0 : i32
      %dma_start3A_114 = arith.constant 0 : i32
      %dma_start3A_115 = arith.constant 0 : i32
      %dma_start3A_116 = tpu.memref_slice %arg13[%dma_start3A_113, %dma_start3A_114, %dma_start3A_115] : memref<6x128x64xf32, #tpu.memory_space<vmem>> -> memref<1x128x64xf32, #tpu.memory_space<vmem>>
      %dma_start3A_117 = tpu.memref_squeeze %dma_start3A_116 : memref<1x128x64xf32, #tpu.memory_space<vmem>> -> memref<128x64xf32, #tpu.memory_space<vmem>>
      %dma_start3A_118 = arith.constant 0 : i32
      %dma_start3A_119 = tpu.memref_slice %arg10[%add3A_112, %dma_start3A_118] : memref<78x128xi32, #tpu.memory_space<vmem>> -> memref<1x128xi32, #tpu.memory_space<vmem>>
      %dma_start3A_120 = tpu.memref_squeeze %dma_start3A_119 : memref<1x128xi32, #tpu.memory_space<vmem>> -> memref<128xi32, #tpu.memory_space<vmem>>
      %dma_start3A_121 = arith.constant 0 : i32
      %dma_start3A_122 = arith.constant 0 : i32
      %dma_start3A_123 = tpu.memref_slice %arg14[%dma_start3A_121, %dma_start3A_122] : memref<10000x64xf32, #tpu.memory_space<vmem_shared>> -> memref<10000x64xf32, #tpu.memory_space<vmem_shared>>
      tpu.enqueue_indirect_dma source(%dma_start3A_117 : memref<128x64xf32, #tpu.memory_space<vmem>>) target(%dma_start3A_123 : memref<10000x64xf32, #tpu.memory_space<vmem_shared>>) offsets(%dma_start3A_120 : memref<128xi32, #tpu.memory_space<vmem>>) semaphore(%arg21 : memref<!tpu.dma_semaphore, #tpu.memory_space<semaphore_mem>>) {add = true}
      %add3A_124 = arith.constant 1 : i32
      %add3A_125 = arith.addi %mul3A_98, %add3A_124 : i32
      %dma_wait3A_126 = arith.constant 1 : i32
      %dma_wait3A_127 = arith.constant 0 : i32
      %dma_wait3A_128 = arith.constant 0 : i32
      %dma_wait3A_129 = tpu.memref_slice %arg13[%dma_wait3A_126, %dma_wait3A_127, %dma_wait3A_128] : memref<6x128x64xf32, #tpu.memory_space<vmem>> -> memref<1x128x64xf32, #tpu.memory_space<vmem>>
      %dma_wait3A_130 = tpu.memref_squeeze %dma_wait3A_129 : memref<1x128x64xf32, #tpu.memory_space<vmem>> -> memref<128x64xf32, #tpu.memory_space<vmem>>
      %dma_wait3A_131 = arith.constant 0 : i32
      %dma_wait3A_132 = tpu.memref_slice %arg9[%add3A_125, %dma_wait3A_131] : memref<78x128xi32, #tpu.memory_space<vmem>> -> memref<1x128xi32, #tpu.memory_space<vmem>>
      %dma_wait3A_133 = tpu.memref_squeeze %dma_wait3A_132 : memref<1x128xi32, #tpu.memory_space<vmem>> -> memref<128xi32, #tpu.memory_space<vmem>>
      %dma_wait3A_134 = arith.constant 0 : i32
      %dma_wait3A_135 = arith.constant 0 : i32
      %dma_wait3A_136 = tpu.memref_slice %arg2[%dma_wait3A_134, %dma_wait3A_135] : memref<20000x64xf32, #tpu.memory_space<hbm>> -> memref<20000x64xf32, #tpu.memory_space<hbm>>
      tpu.wait_indirect_dma semaphore(%arg16 : memref<!tpu.dma_semaphore, #tpu.memory_space<semaphore_mem>>) src(%dma_wait3A_136 : memref<20000x64xf32, #tpu.memory_space<hbm>>) dst(%dma_wait3A_130 : memref<128x64xf32, #tpu.memory_space<vmem>>)
      %add3A_137 = arith.constant 1 : i32
      %add3A_138 = arith.addi %mul3A_98, %add3A_137 : i32
      %dma_start3A_139 = arith.constant 1 : i32
      %dma_start3A_140 = arith.constant 0 : i32
      %dma_start3A_141 = arith.constant 0 : i32
      %dma_start3A_142 = tpu.memref_slice %arg13[%dma_start3A_139, %dma_start3A_140, %dma_start3A_141] : memref<6x128x64xf32, #tpu.memory_space<vmem>> -> memref<1x128x64xf32, #tpu.memory_space<vmem>>
      %dma_start3A_143 = tpu.memref_squeeze %dma_start3A_142 : memref<1x128x64xf32, #tpu.memory_space<vmem>> -> memref<128x64xf32, #tpu.memory_space<vmem>>
      %dma_start3A_144 = arith.constant 0 : i32
      %dma_start3A_145 = tpu.memref_slice %arg10[%add3A_138, %dma_start3A_144] : memref<78x128xi32, #tpu.memory_space<vmem>> -> memref<1x128xi32, #tpu.memory_space<vmem>>
      %dma_start3A_146 = tpu.memref_squeeze %dma_start3A_145 : memref<1x128xi32, #tpu.memory_space<vmem>> -> memref<128xi32, #tpu.memory_space<vmem>>
      %dma_start3A_147 = arith.constant 0 : i32
      %dma_start3A_148 = arith.constant 0 : i32
      %dma_start3A_149 = tpu.memref_slice %arg14[%dma_start3A_147, %dma_start3A_148] : memref<10000x64xf32, #tpu.memory_space<vmem_shared>> -> memref<10000x64xf32, #tpu.memory_space<vmem_shared>>
      tpu.enqueue_indirect_dma source(%dma_start3A_143 : memref<128x64xf32, #tpu.memory_space<vmem>>) target(%dma_start3A_149 : memref<10000x64xf32, #tpu.memory_space<vmem_shared>>) offsets(%dma_start3A_146 : memref<128xi32, #tpu.memory_space<vmem>>) semaphore(%arg22 : memref<!tpu.dma_semaphore, #tpu.memory_space<semaphore_mem>>) {add = true}
      %add3A_150 = arith.constant 2 : i32
      %add3A_151 = arith.addi %mul3A_98, %add3A_150 : i32
      %dma_wait3A_152 = arith.constant 2 : i32
      %dma_wait3A_153 = arith.constant 0 : i32
      %dma_wait3A_154 = arith.constant 0 : i32
      %dma_wait3A_155 = tpu.memref_slice %arg13[%dma_wait3A_152, %dma_wait3A_153, %dma_wait3A_154] : memref<6x128x64xf32, #tpu.memory_space<vmem>> -> memref<1x128x64xf32, #tpu.memory_space<vmem>>
      %dma_wait3A_156 = tpu.memref_squeeze %dma_wait3A_155 : memref<1x128x64xf32, #tpu.memory_space<vmem>> -> memref<128x64xf32, #tpu.memory_space<vmem>>
      %dma_wait3A_157 = arith.constant 0 : i32
      %dma_wait3A_158 = tpu.memref_slice %arg9[%add3A_151, %dma_wait3A_157] : memref<78x128xi32, #tpu.memory_space<vmem>> -> memref<1x128xi32, #tpu.memory_space<vmem>>
      %dma_wait3A_159 = tpu.memref_squeeze %dma_wait3A_158 : memref<1x128xi32, #tpu.memory_space<vmem>> -> memref<128xi32, #tpu.memory_space<vmem>>
      %dma_wait3A_160 = arith.constant 0 : i32
      %dma_wait3A_161 = arith.constant 0 : i32
      %dma_wait3A_162 = tpu.memref_slice %arg2[%dma_wait3A_160, %dma_wait3A_161] : memref<20000x64xf32, #tpu.memory_space<hbm>> -> memref<20000x64xf32, #tpu.memory_space<hbm>>
      tpu.wait_indirect_dma semaphore(%arg17 : memref<!tpu.dma_semaphore, #tpu.memory_space<semaphore_mem>>) src(%dma_wait3A_162 : memref<20000x64xf32, #tpu.memory_space<hbm>>) dst(%dma_wait3A_156 : memref<128x64xf32, #tpu.memory_space<vmem>>)
      %add3A_163 = arith.constant 2 : i32
      %add3A_164 = arith.addi %mul3A_98, %add3A_163 : i32
      %dma_start3A_165 = arith.constant 2 : i32
      %dma_start3A_166 = arith.constant 0 : i32
      %dma_start3A_167 = arith.constant 0 : i32
      %dma_start3A_168 = tpu.memref_slice %arg13[%dma_start3A_165, %dma_start3A_166, %dma_start3A_167] : memref<6x128x64xf32, #tpu.memory_space<vmem>> -> memref<1x128x64xf32, #tpu.memory_space<vmem>>
      %dma_start3A_169 = tpu.memref_squeeze %dma_start3A_168 : memref<1x128x64xf32, #tpu.memory_space<vmem>> -> memref<128x64xf32, #tpu.memory_space<vmem>>
      %dma_start3A_170 = arith.constant 0 : i32
      %dma_start3A_171 = tpu.memref_slice %arg10[%add3A_164, %dma_start3A_170] : memref<78x128xi32, #tpu.memory_space<vmem>> -> memref<1x128xi32, #tpu.memory_space<vmem>>
      %dma_start3A_172 = tpu.memref_squeeze %dma_start3A_171 : memref<1x128xi32, #tpu.memory_space<vmem>> -> memref<128xi32, #tpu.memory_space<vmem>>
      %dma_start3A_173 = arith.constant 0 : i32
      %dma_start3A_174 = arith.constant 0 : i32
      %dma_start3A_175 = tpu.memref_slice %arg14[%dma_start3A_173, %dma_start3A_174] : memref<10000x64xf32, #tpu.memory_space<vmem_shared>> -> memref<10000x64xf32, #tpu.memory_space<vmem_shared>>
      tpu.enqueue_indirect_dma source(%dma_start3A_169 : memref<128x64xf32, #tpu.memory_space<vmem>>) target(%dma_start3A_175 : memref<10000x64xf32, #tpu.memory_space<vmem_shared>>) offsets(%dma_start3A_172 : memref<128xi32, #tpu.memory_space<vmem>>) semaphore(%arg23 : memref<!tpu.dma_semaphore, #tpu.memory_space<semaphore_mem>>) {add = true}
      %add3A_176 = arith.constant 3 : i32
      %add3A_177 = arith.addi %mul3A_98, %add3A_176 : i32
      %dma_wait3A_178 = arith.constant 3 : i32
      %dma_wait3A_179 = arith.constant 0 : i32
      %dma_wait3A_180 = arith.constant 0 : i32
      %dma_wait3A_181 = tpu.memref_slice %arg13[%dma_wait3A_178, %dma_wait3A_179, %dma_wait3A_180] : memref<6x128x64xf32, #tpu.memory_space<vmem>> -> memref<1x128x64xf32, #tpu.memory_space<vmem>>
      %dma_wait3A_182 = tpu.memref_squeeze %dma_wait3A_181 : memref<1x128x64xf32, #tpu.memory_space<vmem>> -> memref<128x64xf32, #tpu.memory_space<vmem>>
      %dma_wait3A_183 = arith.constant 0 : i32
      %dma_wait3A_184 = tpu.memref_slice %arg9[%add3A_177, %dma_wait3A_183] : memref<78x128xi32, #tpu.memory_space<vmem>> -> memref<1x128xi32, #tpu.memory_space<vmem>>
      %dma_wait3A_185 = tpu.memref_squeeze %dma_wait3A_184 : memref<1x128xi32, #tpu.memory_space<vmem>> -> memref<128xi32, #tpu.memory_space<vmem>>
      %dma_wait3A_186 = arith.constant 0 : i32
      %dma_wait3A_187 = arith.constant 0 : i32
      %dma_wait3A_188 = tpu.memref_slice %arg2[%dma_wait3A_186, %dma_wait3A_187] : memref<20000x64xf32, #tpu.memory_space<hbm>> -> memref<20000x64xf32, #tpu.memory_space<hbm>>
      tpu.wait_indirect_dma semaphore(%arg18 : memref<!tpu.dma_semaphore, #tpu.memory_space<semaphore_mem>>) src(%dma_wait3A_188 : memref<20000x64xf32, #tpu.memory_space<hbm>>) dst(%dma_wait3A_182 : memref<128x64xf32, #tpu.memory_space<vmem>>)
      %add3A_189 = arith.constant 3 : i32
      %add3A_190 = arith.addi %mul3A_98, %add3A_189 : i32
      %dma_start3A_191 = arith.constant 3 : i32
      %dma_start3A_192 = arith.constant 0 : i32
      %dma_start3A_193 = arith.constant 0 : i32
      %dma_start3A_194 = tpu.memref_slice %arg13[%dma_start3A_191, %dma_start3A_192, %dma_start3A_193] : memref<6x128x64xf32, #tpu.memory_space<vmem>> -> memref<1x128x64xf32, #tpu.memory_space<vmem>>
      %dma_start3A_195 = tpu.memref_squeeze %dma_start3A_194 : memref<1x128x64xf32, #tpu.memory_space<vmem>> -> memref<128x64xf32, #tpu.memory_space<vmem>>
      %dma_start3A_196 = arith.constant 0 : i32
      %dma_start3A_197 = tpu.memref_slice %arg10[%add3A_190, %dma_start3A_196] : memref<78x128xi32, #tpu.memory_space<vmem>> -> memref<1x128xi32, #tpu.memory_space<vmem>>
      %dma_start3A_198 = tpu.memref_squeeze %dma_start3A_197 : memref<1x128xi32, #tpu.memory_space<vmem>> -> memref<128xi32, #tpu.memory_space<vmem>>
      %dma_start3A_199 = arith.constant 0 : i32
      %dma_start3A_200 = arith.constant 0 : i32
      %dma_start3A_201 = tpu.memref_slice %arg14[%dma_start3A_199, %dma_start3A_200] : memref<10000x64xf32, #tpu.memory_space<vmem_shared>> -> memref<10000x64xf32, #tpu.memory_space<vmem_shared>>
      tpu.enqueue_indirect_dma source(%dma_start3A_195 : memref<128x64xf32, #tpu.memory_space<vmem>>) target(%dma_start3A_201 : memref<10000x64xf32, #tpu.memory_space<vmem_shared>>) offsets(%dma_start3A_198 : memref<128xi32, #tpu.memory_space<vmem>>) semaphore(%arg24 : memref<!tpu.dma_semaphore, #tpu.memory_space<semaphore_mem>>) {add = true}
      %add3A_202 = arith.constant 4 : i32
      %add3A_203 = arith.addi %mul3A_98, %add3A_202 : i32
      %dma_wait3A_204 = arith.constant 4 : i32
      %dma_wait3A_205 = arith.constant 0 : i32
      %dma_wait3A_206 = arith.constant 0 : i32
      %dma_wait3A_207 = tpu.memref_slice %arg13[%dma_wait3A_204, %dma_wait3A_205, %dma_wait3A_206] : memref<6x128x64xf32, #tpu.memory_space<vmem>> -> memref<1x128x64xf32, #tpu.memory_space<vmem>>
      %dma_wait3A_208 = tpu.memref_squeeze %dma_wait3A_207 : memref<1x128x64xf32, #tpu.memory_space<vmem>> -> memref<128x64xf32, #tpu.memory_space<vmem>>
      %dma_wait3A_209 = arith.constant 0 : i32
      %dma_wait3A_210 = tpu.memref_slice %arg9[%add3A_203, %dma_wait3A_209] : memref<78x128xi32, #tpu.memory_space<vmem>> -> memref<1x128xi32, #tpu.memory_space<vmem>>
      %dma_wait3A_211 = tpu.memref_squeeze %dma_wait3A_210 : memref<1x128xi32, #tpu.memory_space<vmem>> -> memref<128xi32, #tpu.memory_space<vmem>>
      %dma_wait3A_212 = arith.constant 0 : i32
      %dma_wait3A_213 = arith.constant 0 : i32
      %dma_wait3A_214 = tpu.memref_slice %arg2[%dma_wait3A_212, %dma_wait3A_213] : memref<20000x64xf32, #tpu.memory_space<hbm>> -> memref<20000x64xf32, #tpu.memory_space<hbm>>
      tpu.wait_indirect_dma semaphore(%arg19 : memref<!tpu.dma_semaphore, #tpu.memory_space<semaphore_mem>>) src(%dma_wait3A_214 : memref<20000x64xf32, #tpu.memory_space<hbm>>) dst(%dma_wait3A_208 : memref<128x64xf32, #tpu.memory_space<vmem>>)
      %add3A_215 = arith.constant 4 : i32
      %add3A_216 = arith.addi %mul3A_98, %add3A_215 : i32
      %dma_start3A_217 = arith.constant 4 : i32
      %dma_start3A_218 = arith.constant 0 : i32
      %dma_start3A_219 = arith.constant 0 : i32
      %dma_start3A_220 = tpu.memref_slice %arg13[%dma_start3A_217, %dma_start3A_218, %dma_start3A_219] : memref<6x128x64xf32, #tpu.memory_space<vmem>> -> memref<1x128x64xf32, #tpu.memory_space<vmem>>
      %dma_start3A_221 = tpu.memref_squeeze %dma_start3A_220 : memref<1x128x64xf32, #tpu.memory_space<vmem>> -> memref<128x64xf32, #tpu.memory_space<vmem>>
      %dma_start3A_222 = arith.constant 0 : i32
      %dma_start3A_223 = tpu.memref_slice %arg10[%add3A_216, %dma_start3A_222] : memref<78x128xi32, #tpu.memory_space<vmem>> -> memref<1x128xi32, #tpu.memory_space<vmem>>
      %dma_start3A_224 = tpu.memref_squeeze %dma_start3A_223 : memref<1x128xi32, #tpu.memory_space<vmem>> -> memref<128xi32, #tpu.memory_space<vmem>>
      %dma_start3A_225 = arith.constant 0 : i32
      %dma_start3A_226 = arith.constant 0 : i32
      %dma_start3A_227 = tpu.memref_slice %arg14[%dma_start3A_225, %dma_start3A_226] : memref<10000x64xf32, #tpu.memory_space<vmem_shared>> -> memref<10000x64xf32, #tpu.memory_space<vmem_shared>>
      tpu.enqueue_indirect_dma source(%dma_start3A_221 : memref<128x64xf32, #tpu.memory_space<vmem>>) target(%dma_start3A_227 : memref<10000x64xf32, #tpu.memory_space<vmem_shared>>) offsets(%dma_start3A_224 : memref<128xi32, #tpu.memory_space<vmem>>) semaphore(%arg25 : memref<!tpu.dma_semaphore, #tpu.memory_space<semaphore_mem>>) {add = true}
      %add3A_228 = arith.constant 5 : i32
      %add3A_229 = arith.addi %mul3A_98, %add3A_228 : i32
      %dma_wait3A_230 = arith.constant 5 : i32
      %dma_wait3A_231 = arith.constant 0 : i32
      %dma_wait3A_232 = arith.constant 0 : i32
      %dma_wait3A_233 = tpu.memref_slice %arg13[%dma_wait3A_230, %dma_wait3A_231, %dma_wait3A_232] : memref<6x128x64xf32, #tpu.memory_space<vmem>> -> memref<1x128x64xf32, #tpu.memory_space<vmem>>
      %dma_wait3A_234 = tpu.memref_squeeze %dma_wait3A_233 : memref<1x128x64xf32, #tpu.memory_space<vmem>> -> memref<128x64xf32, #tpu.memory_space<vmem>>
      %dma_wait3A_235 = arith.constant 0 : i32
      %dma_wait3A_236 = tpu.memref_slice %arg9[%add3A_229, %dma_wait3A_235] : memref<78x128xi32, #tpu.memory_space<vmem>> -> memref<1x128xi32, #tpu.memory_space<vmem>>
      %dma_wait3A_237 = tpu.memref_squeeze %dma_wait3A_236 : memref<1x128xi32, #tpu.memory_space<vmem>> -> memref<128xi32, #tpu.memory_space<vmem>>
      %dma_wait3A_238 = arith.constant 0 : i32
      %dma_wait3A_239 = arith.constant 0 : i32
      %dma_wait3A_240 = tpu.memref_slice %arg2[%dma_wait3A_238, %dma_wait3A_239] : memref<20000x64xf32, #tpu.memory_space<hbm>> -> memref<20000x64xf32, #tpu.memory_space<hbm>>
      tpu.wait_indirect_dma semaphore(%arg20 : memref<!tpu.dma_semaphore, #tpu.memory_space<semaphore_mem>>) src(%dma_wait3A_240 : memref<20000x64xf32, #tpu.memory_space<hbm>>) dst(%dma_wait3A_234 : memref<128x64xf32, #tpu.memory_space<vmem>>)
      %add3A_241 = arith.constant 5 : i32
      %add3A_242 = arith.addi %mul3A_98, %add3A_241 : i32
      %dma_start3A_243 = arith.constant 5 : i32
      %dma_start3A_244 = arith.constant 0 : i32
      %dma_start3A_245 = arith.constant 0 : i32
      %dma_start3A_246 = tpu.memref_slice %arg13[%dma_start3A_243, %dma_start3A_244, %dma_start3A_245] : memref<6x128x64xf32, #tpu.memory_space<vmem>> -> memref<1x128x64xf32, #tpu.memory_space<vmem>>
      %dma_start3A_247 = tpu.memref_squeeze %dma_start3A_246 : memref<1x128x64xf32, #tpu.memory_space<vmem>> -> memref<128x64xf32, #tpu.memory_space<vmem>>
      %dma_start3A_248 = arith.constant 0 : i32
      %dma_start3A_249 = tpu.memref_slice %arg10[%add3A_242, %dma_start3A_248] : memref<78x128xi32, #tpu.memory_space<vmem>> -> memref<1x128xi32, #tpu.memory_space<vmem>>
      %dma_start3A_250 = tpu.memref_squeeze %dma_start3A_249 : memref<1x128xi32, #tpu.memory_space<vmem>> -> memref<128xi32, #tpu.memory_space<vmem>>
      %dma_start3A_251 = arith.constant 0 : i32
      %dma_start3A_252 = arith.constant 0 : i32
      %dma_start3A_253 = tpu.memref_slice %arg14[%dma_start3A_251, %dma_start3A_252] : memref<10000x64xf32, #tpu.memory_space<vmem_shared>> -> memref<10000x64xf32, #tpu.memory_space<vmem_shared>>
      tpu.enqueue_indirect_dma source(%dma_start3A_247 : memref<128x64xf32, #tpu.memory_space<vmem>>) target(%dma_start3A_253 : memref<10000x64xf32, #tpu.memory_space<vmem_shared>>) offsets(%dma_start3A_250 : memref<128xi32, #tpu.memory_space<vmem>>) semaphore(%arg26 : memref<!tpu.dma_semaphore, #tpu.memory_space<semaphore_mem>>) {add = true}
      %add3A_254 = arith.constant 0 : i32
      %add3A_255 = arith.addi %mul3A_98, %add3A_254 : i32
      %dma_wait3A_256 = arith.constant 0 : i32
      %dma_wait3A_257 = arith.constant 0 : i32
      %dma_wait3A_258 = arith.constant 0 : i32
      %dma_wait3A_259 = tpu.memref_slice %arg13[%dma_wait3A_256, %dma_wait3A_257, %dma_wait3A_258] : memref<6x128x64xf32, #tpu.memory_space<vmem>> -> memref<1x128x64xf32, #tpu.memory_space<vmem>>
      %dma_wait3A_260 = tpu.memref_squeeze %dma_wait3A_259 : memref<1x128x64xf32, #tpu.memory_space<vmem>> -> memref<128x64xf32, #tpu.memory_space<vmem>>
      %dma_wait3A_261 = arith.constant 0 : i32
      %dma_wait3A_262 = tpu.memref_slice %arg10[%add3A_255, %dma_wait3A_261] : memref<78x128xi32, #tpu.memory_space<vmem>> -> memref<1x128xi32, #tpu.memory_space<vmem>>
      %dma_wait3A_263 = tpu.memref_squeeze %dma_wait3A_262 : memref<1x128xi32, #tpu.memory_space<vmem>> -> memref<128xi32, #tpu.memory_space<vmem>>
      %dma_wait3A_264 = arith.constant 0 : i32
      %dma_wait3A_265 = arith.constant 0 : i32
      %dma_wait3A_266 = tpu.memref_slice %arg14[%dma_wait3A_264, %dma_wait3A_265] : memref<10000x64xf32, #tpu.memory_space<vmem_shared>> -> memref<10000x64xf32, #tpu.memory_space<vmem_shared>>
      tpu.wait_indirect_dma semaphore(%arg21 : memref<!tpu.dma_semaphore, #tpu.memory_space<semaphore_mem>>) src(%dma_wait3A_260 : memref<128x64xf32, #tpu.memory_space<vmem>>) dst(%dma_wait3A_266 : memref<10000x64xf32, #tpu.memory_space<vmem_shared>>)
      %add3A_267 = arith.constant 0 : i32
      %add3A_268 = arith.addi %mul3A_98, %add3A_267 : i32
      %add3A_269 = arith.constant 6 : i32
      %add3A_270 = arith.addi %add3A_268, %add3A_269 : i32
      %lt3A = arith.constant 78 : i32
      %lt3A_271 = arith.cmpi slt, %add3A_270, %lt3A : i32
      %convert_element_type3A_272 = arith.extui %lt3A_271 : i1 to i32
      %cond3A_273 = arith.constant 0 : i32
      %cond3A_274 = arith.cmpi ne, %convert_element_type3A_272, %cond3A_273 : i32
      scf.if %cond3A_274 {
        %add3A_385 = arith.constant 0 : i32
        %add3A_386 = arith.addi %mul3A_98, %add3A_385 : i32
        %add3A_387 = arith.constant 6 : i32
        %add3A_388 = arith.addi %add3A_386, %add3A_387 : i32
        %dma_start3A_389 = arith.constant 0 : i32
        %dma_start3A_390 = arith.constant 0 : i32
        %dma_start3A_391 = arith.constant 0 : i32
        %dma_start3A_392 = tpu.memref_slice %arg13[%dma_start3A_389, %dma_start3A_390, %dma_start3A_391] : memref<6x128x64xf32, #tpu.memory_space<vmem>> -> memref<1x128x64xf32, #tpu.memory_space<vmem>>
        %dma_start3A_393 = tpu.memref_squeeze %dma_start3A_392 : memref<1x128x64xf32, #tpu.memory_space<vmem>> -> memref<128x64xf32, #tpu.memory_space<vmem>>
        %dma_start3A_394 = arith.constant 0 : i32
        %dma_start3A_395 = tpu.memref_slice %arg9[%add3A_388, %dma_start3A_394] : memref<78x128xi32, #tpu.memory_space<vmem>> -> memref<1x128xi32, #tpu.memory_space<vmem>>
        %dma_start3A_396 = tpu.memref_squeeze %dma_start3A_395 : memref<1x128xi32, #tpu.memory_space<vmem>> -> memref<128xi32, #tpu.memory_space<vmem>>
        %dma_start3A_397 = arith.constant 0 : i32
        %dma_start3A_398 = arith.constant 0 : i32
        %dma_start3A_399 = tpu.memref_slice %arg2[%dma_start3A_397, %dma_start3A_398] : memref<20000x64xf32, #tpu.memory_space<hbm>> -> memref<20000x64xf32, #tpu.memory_space<hbm>>
        tpu.enqueue_indirect_dma source(%dma_start3A_399 : memref<20000x64xf32, #tpu.memory_space<hbm>>) target(%dma_start3A_393 : memref<128x64xf32, #tpu.memory_space<vmem>>) offsets(%dma_start3A_396 : memref<128xi32, #tpu.memory_space<vmem>>) semaphore(%arg15 : memref<!tpu.dma_semaphore, #tpu.memory_space<semaphore_mem>>)
      } else {
      }
      %add3A_275 = arith.constant 1 : i32
      %add3A_276 = arith.addi %mul3A_98, %add3A_275 : i32
      %dma_wait3A_277 = arith.constant 1 : i32
      %dma_wait3A_278 = arith.constant 0 : i32
      %dma_wait3A_279 = arith.constant 0 : i32
      %dma_wait3A_280 = tpu.memref_slice %arg13[%dma_wait3A_277, %dma_wait3A_278, %dma_wait3A_279] : memref<6x128x64xf32, #tpu.memory_space<vmem>> -> memref<1x128x64xf32, #tpu.memory_space<vmem>>
      %dma_wait3A_281 = tpu.memref_squeeze %dma_wait3A_280 : memref<1x128x64xf32, #tpu.memory_space<vmem>> -> memref<128x64xf32, #tpu.memory_space<vmem>>
      %dma_wait3A_282 = arith.constant 0 : i32
      %dma_wait3A_283 = tpu.memref_slice %arg10[%add3A_276, %dma_wait3A_282] : memref<78x128xi32, #tpu.memory_space<vmem>> -> memref<1x128xi32, #tpu.memory_space<vmem>>
      %dma_wait3A_284 = tpu.memref_squeeze %dma_wait3A_283 : memref<1x128xi32, #tpu.memory_space<vmem>> -> memref<128xi32, #tpu.memory_space<vmem>>
      %dma_wait3A_285 = arith.constant 0 : i32
      %dma_wait3A_286 = arith.constant 0 : i32
      %dma_wait3A_287 = tpu.memref_slice %arg14[%dma_wait3A_285, %dma_wait3A_286] : memref<10000x64xf32, #tpu.memory_space<vmem_shared>> -> memref<10000x64xf32, #tpu.memory_space<vmem_shared>>
      tpu.wait_indirect_dma semaphore(%arg22 : memref<!tpu.dma_semaphore, #tpu.memory_space<semaphore_mem>>) src(%dma_wait3A_281 : memref<128x64xf32, #tpu.memory_space<vmem>>) dst(%dma_wait3A_287 : memref<10000x64xf32, #tpu.memory_space<vmem_shared>>)
      %add3A_288 = arith.constant 1 : i32
      %add3A_289 = arith.addi %mul3A_98, %add3A_288 : i32
      %add3A_290 = arith.constant 6 : i32
      %add3A_291 = arith.addi %add3A_289, %add3A_290 : i32
      %lt3A_292 = arith.constant 78 : i32
      %lt3A_293 = arith.cmpi slt, %add3A_291, %lt3A_292 : i32
      %convert_element_type3A_294 = arith.extui %lt3A_293 : i1 to i32
      %cond3A_295 = arith.constant 0 : i32
      %cond3A_296 = arith.cmpi ne, %convert_element_type3A_294, %cond3A_295 : i32
      scf.if %cond3A_296 {
        %add3A_385 = arith.constant 1 : i32
        %add3A_386 = arith.addi %mul3A_98, %add3A_385 : i32
        %add3A_387 = arith.constant 6 : i32
        %add3A_388 = arith.addi %add3A_386, %add3A_387 : i32
        %dma_start3A_389 = arith.constant 1 : i32
        %dma_start3A_390 = arith.constant 0 : i32
        %dma_start3A_391 = arith.constant 0 : i32
        %dma_start3A_392 = tpu.memref_slice %arg13[%dma_start3A_389, %dma_start3A_390, %dma_start3A_391] : memref<6x128x64xf32, #tpu.memory_space<vmem>> -> memref<1x128x64xf32, #tpu.memory_space<vmem>>
        %dma_start3A_393 = tpu.memref_squeeze %dma_start3A_392 : memref<1x128x64xf32, #tpu.memory_space<vmem>> -> memref<128x64xf32, #tpu.memory_space<vmem>>
        %dma_start3A_394 = arith.constant 0 : i32
        %dma_start3A_395 = tpu.memref_slice %arg9[%add3A_388, %dma_start3A_394] : memref<78x128xi32, #tpu.memory_space<vmem>> -> memref<1x128xi32, #tpu.memory_space<vmem>>
        %dma_start3A_396 = tpu.memref_squeeze %dma_start3A_395 : memref<1x128xi32, #tpu.memory_space<vmem>> -> memref<128xi32, #tpu.memory_space<vmem>>
        %dma_start3A_397 = arith.constant 0 : i32
        %dma_start3A_398 = arith.constant 0 : i32
        %dma_start3A_399 = tpu.memref_slice %arg2[%dma_start3A_397, %dma_start3A_398] : memref<20000x64xf32, #tpu.memory_space<hbm>> -> memref<20000x64xf32, #tpu.memory_space<hbm>>
        tpu.enqueue_indirect_dma source(%dma_start3A_399 : memref<20000x64xf32, #tpu.memory_space<hbm>>) target(%dma_start3A_393 : memref<128x64xf32, #tpu.memory_space<vmem>>) offsets(%dma_start3A_396 : memref<128xi32, #tpu.memory_space<vmem>>) semaphore(%arg16 : memref<!tpu.dma_semaphore, #tpu.memory_space<semaphore_mem>>)
      } else {
      }
      %add3A_297 = arith.constant 2 : i32
      %add3A_298 = arith.addi %mul3A_98, %add3A_297 : i32
      %dma_wait3A_299 = arith.constant 2 : i32
      %dma_wait3A_300 = arith.constant 0 : i32
      %dma_wait3A_301 = arith.constant 0 : i32
      %dma_wait3A_302 = tpu.memref_slice %arg13[%dma_wait3A_299, %dma_wait3A_300, %dma_wait3A_301] : memref<6x128x64xf32, #tpu.memory_space<vmem>> -> memref<1x128x64xf32, #tpu.memory_space<vmem>>
      %dma_wait3A_303 = tpu.memref_squeeze %dma_wait3A_302 : memref<1x128x64xf32, #tpu.memory_space<vmem>> -> memref<128x64xf32, #tpu.memory_space<vmem>>
      %dma_wait3A_304 = arith.constant 0 : i32
      %dma_wait3A_305 = tpu.memref_slice %arg10[%add3A_298, %dma_wait3A_304] : memref<78x128xi32, #tpu.memory_space<vmem>> -> memref<1x128xi32, #tpu.memory_space<vmem>>
      %dma_wait3A_306 = tpu.memref_squeeze %dma_wait3A_305 : memref<1x128xi32, #tpu.memory_space<vmem>> -> memref<128xi32, #tpu.memory_space<vmem>>
      %dma_wait3A_307 = arith.constant 0 : i32
      %dma_wait3A_308 = arith.constant 0 : i32
      %dma_wait3A_309 = tpu.memref_slice %arg14[%dma_wait3A_307, %dma_wait3A_308] : memref<10000x64xf32, #tpu.memory_space<vmem_shared>> -> memref<10000x64xf32, #tpu.memory_space<vmem_shared>>
      tpu.wait_indirect_dma semaphore(%arg23 : memref<!tpu.dma_semaphore, #tpu.memory_space<semaphore_mem>>) src(%dma_wait3A_303 : memref<128x64xf32, #tpu.memory_space<vmem>>) dst(%dma_wait3A_309 : memref<10000x64xf32, #tpu.memory_space<vmem_shared>>)
      %add3A_310 = arith.constant 2 : i32
      %add3A_311 = arith.addi %mul3A_98, %add3A_310 : i32
      %add3A_312 = arith.constant 6 : i32
      %add3A_313 = arith.addi %add3A_311, %add3A_312 : i32
      %lt3A_314 = arith.constant 78 : i32
      %lt3A_315 = arith.cmpi slt, %add3A_313, %lt3A_314 : i32
      %convert_element_type3A_316 = arith.extui %lt3A_315 : i1 to i32
      %cond3A_317 = arith.constant 0 : i32
      %cond3A_318 = arith.cmpi ne, %convert_element_type3A_316, %cond3A_317 : i32
      scf.if %cond3A_318 {
        %add3A_385 = arith.constant 2 : i32
        %add3A_386 = arith.addi %mul3A_98, %add3A_385 : i32
        %add3A_387 = arith.constant 6 : i32
        %add3A_388 = arith.addi %add3A_386, %add3A_387 : i32
        %dma_start3A_389 = arith.constant 2 : i32
        %dma_start3A_390 = arith.constant 0 : i32
        %dma_start3A_391 = arith.constant 0 : i32
        %dma_start3A_392 = tpu.memref_slice %arg13[%dma_start3A_389, %dma_start3A_390, %dma_start3A_391] : memref<6x128x64xf32, #tpu.memory_space<vmem>> -> memref<1x128x64xf32, #tpu.memory_space<vmem>>
        %dma_start3A_393 = tpu.memref_squeeze %dma_start3A_392 : memref<1x128x64xf32, #tpu.memory_space<vmem>> -> memref<128x64xf32, #tpu.memory_space<vmem>>
        %dma_start3A_394 = arith.constant 0 : i32
        %dma_start3A_395 = tpu.memref_slice %arg9[%add3A_388, %dma_start3A_394] : memref<78x128xi32, #tpu.memory_space<vmem>> -> memref<1x128xi32, #tpu.memory_space<vmem>>
        %dma_start3A_396 = tpu.memref_squeeze %dma_start3A_395 : memref<1x128xi32, #tpu.memory_space<vmem>> -> memref<128xi32, #tpu.memory_space<vmem>>
        %dma_start3A_397 = arith.constant 0 : i32
        %dma_start3A_398 = arith.constant 0 : i32
        %dma_start3A_399 = tpu.memref_slice %arg2[%dma_start3A_397, %dma_start3A_398] : memref<20000x64xf32, #tpu.memory_space<hbm>> -> memref<20000x64xf32, #tpu.memory_space<hbm>>
        tpu.enqueue_indirect_dma source(%dma_start3A_399 : memref<20000x64xf32, #tpu.memory_space<hbm>>) target(%dma_start3A_393 : memref<128x64xf32, #tpu.memory_space<vmem>>) offsets(%dma_start3A_396 : memref<128xi32, #tpu.memory_space<vmem>>) semaphore(%arg17 : memref<!tpu.dma_semaphore, #tpu.memory_space<semaphore_mem>>)
      } else {
      }
      %add3A_319 = arith.constant 3 : i32
      %add3A_320 = arith.addi %mul3A_98, %add3A_319 : i32
      %dma_wait3A_321 = arith.constant 3 : i32
      %dma_wait3A_322 = arith.constant 0 : i32
      %dma_wait3A_323 = arith.constant 0 : i32
      %dma_wait3A_324 = tpu.memref_slice %arg13[%dma_wait3A_321, %dma_wait3A_322, %dma_wait3A_323] : memref<6x128x64xf32, #tpu.memory_space<vmem>> -> memref<1x128x64xf32, #tpu.memory_space<vmem>>
      %dma_wait3A_325 = tpu.memref_squeeze %dma_wait3A_324 : memref<1x128x64xf32, #tpu.memory_space<vmem>> -> memref<128x64xf32, #tpu.memory_space<vmem>>
      %dma_wait3A_326 = arith.constant 0 : i32
      %dma_wait3A_327 = tpu.memref_slice %arg10[%add3A_320, %dma_wait3A_326] : memref<78x128xi32, #tpu.memory_space<vmem>> -> memref<1x128xi32, #tpu.memory_space<vmem>>
      %dma_wait3A_328 = tpu.memref_squeeze %dma_wait3A_327 : memref<1x128xi32, #tpu.memory_space<vmem>> -> memref<128xi32, #tpu.memory_space<vmem>>
      %dma_wait3A_329 = arith.constant 0 : i32
      %dma_wait3A_330 = arith.constant 0 : i32
      %dma_wait3A_331 = tpu.memref_slice %arg14[%dma_wait3A_329, %dma_wait3A_330] : memref<10000x64xf32, #tpu.memory_space<vmem_shared>> -> memref<10000x64xf32, #tpu.memory_space<vmem_shared>>
      tpu.wait_indirect_dma semaphore(%arg24 : memref<!tpu.dma_semaphore, #tpu.memory_space<semaphore_mem>>) src(%dma_wait3A_325 : memref<128x64xf32, #tpu.memory_space<vmem>>) dst(%dma_wait3A_331 : memref<10000x64xf32, #tpu.memory_space<vmem_shared>>)
      %add3A_332 = arith.constant 3 : i32
      %add3A_333 = arith.addi %mul3A_98, %add3A_332 : i32
      %add3A_334 = arith.constant 6 : i32
      %add3A_335 = arith.addi %add3A_333, %add3A_334 : i32
      %lt3A_336 = arith.constant 78 : i32
      %lt3A_337 = arith.cmpi slt, %add3A_335, %lt3A_336 : i32
      %convert_element_type3A_338 = arith.extui %lt3A_337 : i1 to i32
      %cond3A_339 = arith.constant 0 : i32
      %cond3A_340 = arith.cmpi ne, %convert_element_type3A_338, %cond3A_339 : i32
      scf.if %cond3A_340 {
        %add3A_385 = arith.constant 3 : i32
        %add3A_386 = arith.addi %mul3A_98, %add3A_385 : i32
        %add3A_387 = arith.constant 6 : i32
        %add3A_388 = arith.addi %add3A_386, %add3A_387 : i32
        %dma_start3A_389 = arith.constant 3 : i32
        %dma_start3A_390 = arith.constant 0 : i32
        %dma_start3A_391 = arith.constant 0 : i32
        %dma_start3A_392 = tpu.memref_slice %arg13[%dma_start3A_389, %dma_start3A_390, %dma_start3A_391] : memref<6x128x64xf32, #tpu.memory_space<vmem>> -> memref<1x128x64xf32, #tpu.memory_space<vmem>>
        %dma_start3A_393 = tpu.memref_squeeze %dma_start3A_392 : memref<1x128x64xf32, #tpu.memory_space<vmem>> -> memref<128x64xf32, #tpu.memory_space<vmem>>
        %dma_start3A_394 = arith.constant 0 : i32
        %dma_start3A_395 = tpu.memref_slice %arg9[%add3A_388, %dma_start3A_394] : memref<78x128xi32, #tpu.memory_space<vmem>> -> memref<1x128xi32, #tpu.memory_space<vmem>>
        %dma_start3A_396 = tpu.memref_squeeze %dma_start3A_395 : memref<1x128xi32, #tpu.memory_space<vmem>> -> memref<128xi32, #tpu.memory_space<vmem>>
        %dma_start3A_397 = arith.constant 0 : i32
        %dma_start3A_398 = arith.constant 0 : i32
        %dma_start3A_399 = tpu.memref_slice %arg2[%dma_start3A_397, %dma_start3A_398] : memref<20000x64xf32, #tpu.memory_space<hbm>> -> memref<20000x64xf32, #tpu.memory_space<hbm>>
        tpu.enqueue_indirect_dma source(%dma_start3A_399 : memref<20000x64xf32, #tpu.memory_space<hbm>>) target(%dma_start3A_393 : memref<128x64xf32, #tpu.memory_space<vmem>>) offsets(%dma_start3A_396 : memref<128xi32, #tpu.memory_space<vmem>>) semaphore(%arg18 : memref<!tpu.dma_semaphore, #tpu.memory_space<semaphore_mem>>)
      } else {
      }
      %add3A_341 = arith.constant 4 : i32
      %add3A_342 = arith.addi %mul3A_98, %add3A_341 : i32
      %dma_wait3A_343 = arith.constant 4 : i32
      %dma_wait3A_344 = arith.constant 0 : i32
      %dma_wait3A_345 = arith.constant 0 : i32
      %dma_wait3A_346 = tpu.memref_slice %arg13[%dma_wait3A_343, %dma_wait3A_344, %dma_wait3A_345] : memref<6x128x64xf32, #tpu.memory_space<vmem>> -> memref<1x128x64xf32, #tpu.memory_space<vmem>>
      %dma_wait3A_347 = tpu.memref_squeeze %dma_wait3A_346 : memref<1x128x64xf32, #tpu.memory_space<vmem>> -> memref<128x64xf32, #tpu.memory_space<vmem>>
      %dma_wait3A_348 = arith.constant 0 : i32
      %dma_wait3A_349 = tpu.memref_slice %arg10[%add3A_342, %dma_wait3A_348] : memref<78x128xi32, #tpu.memory_space<vmem>> -> memref<1x128xi32, #tpu.memory_space<vmem>>
      %dma_wait3A_350 = tpu.memref_squeeze %dma_wait3A_349 : memref<1x128xi32, #tpu.memory_space<vmem>> -> memref<128xi32, #tpu.memory_space<vmem>>
      %dma_wait3A_351 = arith.constant 0 : i32
      %dma_wait3A_352 = arith.constant 0 : i32
      %dma_wait3A_353 = tpu.memref_slice %arg14[%dma_wait3A_351, %dma_wait3A_352] : memref<10000x64xf32, #tpu.memory_space<vmem_shared>> -> memref<10000x64xf32, #tpu.memory_space<vmem_shared>>
      tpu.wait_indirect_dma semaphore(%arg25 : memref<!tpu.dma_semaphore, #tpu.memory_space<semaphore_mem>>) src(%dma_wait3A_347 : memref<128x64xf32, #tpu.memory_space<vmem>>) dst(%dma_wait3A_353 : memref<10000x64xf32, #tpu.memory_space<vmem_shared>>)
      %add3A_354 = arith.constant 4 : i32
      %add3A_355 = arith.addi %mul3A_98, %add3A_354 : i32
      %add3A_356 = arith.constant 6 : i32
      %add3A_357 = arith.addi %add3A_355, %add3A_356 : i32
      %lt3A_358 = arith.constant 78 : i32
      %lt3A_359 = arith.cmpi slt, %add3A_357, %lt3A_358 : i32
      %convert_element_type3A_360 = arith.extui %lt3A_359 : i1 to i32
      %cond3A_361 = arith.constant 0 : i32
      %cond3A_362 = arith.cmpi ne, %convert_element_type3A_360, %cond3A_361 : i32
      scf.if %cond3A_362 {
        %add3A_385 = arith.constant 4 : i32
        %add3A_386 = arith.addi %mul3A_98, %add3A_385 : i32
        %add3A_387 = arith.constant 6 : i32
        %add3A_388 = arith.addi %add3A_386, %add3A_387 : i32
        %dma_start3A_389 = arith.constant 4 : i32
        %dma_start3A_390 = arith.constant 0 : i32
        %dma_start3A_391 = arith.constant 0 : i32
        %dma_start3A_392 = tpu.memref_slice %arg13[%dma_start3A_389, %dma_start3A_390, %dma_start3A_391] : memref<6x128x64xf32, #tpu.memory_space<vmem>> -> memref<1x128x64xf32, #tpu.memory_space<vmem>>
        %dma_start3A_393 = tpu.memref_squeeze %dma_start3A_392 : memref<1x128x64xf32, #tpu.memory_space<vmem>> -> memref<128x64xf32, #tpu.memory_space<vmem>>
        %dma_start3A_394 = arith.constant 0 : i32
        %dma_start3A_395 = tpu.memref_slice %arg9[%add3A_388, %dma_start3A_394] : memref<78x128xi32, #tpu.memory_space<vmem>> -> memref<1x128xi32, #tpu.memory_space<vmem>>
        %dma_start3A_396 = tpu.memref_squeeze %dma_start3A_395 : memref<1x128xi32, #tpu.memory_space<vmem>> -> memref<128xi32, #tpu.memory_space<vmem>>
        %dma_start3A_397 = arith.constant 0 : i32
        %dma_start3A_398 = arith.constant 0 : i32
        %dma_start3A_399 = tpu.memref_slice %arg2[%dma_start3A_397, %dma_start3A_398] : memref<20000x64xf32, #tpu.memory_space<hbm>> -> memref<20000x64xf32, #tpu.memory_space<hbm>>
        tpu.enqueue_indirect_dma source(%dma_start3A_399 : memref<20000x64xf32, #tpu.memory_space<hbm>>) target(%dma_start3A_393 : memref<128x64xf32, #tpu.memory_space<vmem>>) offsets(%dma_start3A_396 : memref<128xi32, #tpu.memory_space<vmem>>) semaphore(%arg19 : memref<!tpu.dma_semaphore, #tpu.memory_space<semaphore_mem>>)
      } else {
      }
      %add3A_363 = arith.constant 5 : i32
      %add3A_364 = arith.addi %mul3A_98, %add3A_363 : i32
      %dma_wait3A_365 = arith.constant 5 : i32
      %dma_wait3A_366 = arith.constant 0 : i32
      %dma_wait3A_367 = arith.constant 0 : i32
      %dma_wait3A_368 = tpu.memref_slice %arg13[%dma_wait3A_365, %dma_wait3A_366, %dma_wait3A_367] : memref<6x128x64xf32, #tpu.memory_space<vmem>> -> memref<1x128x64xf32, #tpu.memory_space<vmem>>
      %dma_wait3A_369 = tpu.memref_squeeze %dma_wait3A_368 : memref<1x128x64xf32, #tpu.memory_space<vmem>> -> memref<128x64xf32, #tpu.memory_space<vmem>>
      %dma_wait3A_370 = arith.constant 0 : i32
      %dma_wait3A_371 = tpu.memref_slice %arg10[%add3A_364, %dma_wait3A_370] : memref<78x128xi32, #tpu.memory_space<vmem>> -> memref<1x128xi32, #tpu.memory_space<vmem>>
      %dma_wait3A_372 = tpu.memref_squeeze %dma_wait3A_371 : memref<1x128xi32, #tpu.memory_space<vmem>> -> memref<128xi32, #tpu.memory_space<vmem>>
      %dma_wait3A_373 = arith.constant 0 : i32
      %dma_wait3A_374 = arith.constant 0 : i32
      %dma_wait3A_375 = tpu.memref_slice %arg14[%dma_wait3A_373, %dma_wait3A_374] : memref<10000x64xf32, #tpu.memory_space<vmem_shared>> -> memref<10000x64xf32, #tpu.memory_space<vmem_shared>>
      tpu.wait_indirect_dma semaphore(%arg26 : memref<!tpu.dma_semaphore, #tpu.memory_space<semaphore_mem>>) src(%dma_wait3A_369 : memref<128x64xf32, #tpu.memory_space<vmem>>) dst(%dma_wait3A_375 : memref<10000x64xf32, #tpu.memory_space<vmem_shared>>)
      %add3A_376 = arith.constant 5 : i32
      %add3A_377 = arith.addi %mul3A_98, %add3A_376 : i32
      %add3A_378 = arith.constant 6 : i32
      %add3A_379 = arith.addi %add3A_377, %add3A_378 : i32
      %lt3A_380 = arith.constant 78 : i32
      %lt3A_381 = arith.cmpi slt, %add3A_379, %lt3A_380 : i32
      %convert_element_type3A_382 = arith.extui %lt3A_381 : i1 to i32
      %cond3A_383 = arith.constant 0 : i32
      %cond3A_384 = arith.cmpi ne, %convert_element_type3A_382, %cond3A_383 : i32
      scf.if %cond3A_384 {
        %add3A_385 = arith.constant 5 : i32
        %add3A_386 = arith.addi %mul3A_98, %add3A_385 : i32
        %add3A_387 = arith.constant 6 : i32
        %add3A_388 = arith.addi %add3A_386, %add3A_387 : i32
        %dma_start3A_389 = arith.constant 5 : i32
        %dma_start3A_390 = arith.constant 0 : i32
        %dma_start3A_391 = arith.constant 0 : i32
        %dma_start3A_392 = tpu.memref_slice %arg13[%dma_start3A_389, %dma_start3A_390, %dma_start3A_391] : memref<6x128x64xf32, #tpu.memory_space<vmem>> -> memref<1x128x64xf32, #tpu.memory_space<vmem>>
        %dma_start3A_393 = tpu.memref_squeeze %dma_start3A_392 : memref<1x128x64xf32, #tpu.memory_space<vmem>> -> memref<128x64xf32, #tpu.memory_space<vmem>>
        %dma_start3A_394 = arith.constant 0 : i32
        %dma_start3A_395 = tpu.memref_slice %arg9[%add3A_388, %dma_start3A_394] : memref<78x128xi32, #tpu.memory_space<vmem>> -> memref<1x128xi32, #tpu.memory_space<vmem>>
        %dma_start3A_396 = tpu.memref_squeeze %dma_start3A_395 : memref<1x128xi32, #tpu.memory_space<vmem>> -> memref<128xi32, #tpu.memory_space<vmem>>
        %dma_start3A_397 = arith.constant 0 : i32
        %dma_start3A_398 = arith.constant 0 : i32
        %dma_start3A_399 = tpu.memref_slice %arg2[%dma_start3A_397, %dma_start3A_398] : memref<20000x64xf32, #tpu.memory_space<hbm>> -> memref<20000x64xf32, #tpu.memory_space<hbm>>
        tpu.enqueue_indirect_dma source(%dma_start3A_399 : memref<20000x64xf32, #tpu.memory_space<hbm>>) target(%dma_start3A_393 : memref<128x64xf32, #tpu.memory_space<vmem>>) offsets(%dma_start3A_396 : memref<128xi32, #tpu.memory_space<vmem>>) semaphore(%arg20 : memref<!tpu.dma_semaphore, #tpu.memory_space<semaphore_mem>>)
      } else {
      }
    }
    %scan3A_88 = arith.constant 13 : i32
    %run_scoped3A = arith.constant 0 : i32
    "tpu.region"() ({
      %run_scoped3A_96 = tpu.sem_alloc : memref<!tpu.dma_semaphore, #tpu.memory_space<semaphore_mem>>
      %dma_start3A_97 = arith.constant 0 : i32
      %dma_start3A_98 = arith.constant 0 : i32
      %dma_start3A_99 = tpu.memref_slice %arg13[%run_scoped3A, %dma_start3A_97, %dma_start3A_98] : memref<6x128x64xf32, #tpu.memory_space<vmem>> -> memref<1x16x64xf32, #tpu.memory_space<vmem>>
      %dma_start3A_100 = tpu.memref_squeeze %dma_start3A_99 : memref<1x16x64xf32, #tpu.memory_space<vmem>> -> memref<16x64xf32, #tpu.memory_space<vmem>>
      %dma_start3A_101 = arith.constant 0 : i32
      %dma_start3A_102 = arith.constant 0 : i32
      %dma_start3A_103 = tpu.memref_slice %arg2[%dma_start3A_101, %dma_start3A_102] : memref<20000x64xf32, #tpu.memory_space<hbm>> -> memref<20000x64xf32, #tpu.memory_space<hbm>>
      tpu.enqueue_indirect_dma source(%dma_start3A_103 : memref<20000x64xf32, #tpu.memory_space<hbm>>) target(%dma_start3A_100 : memref<16x64xf32, #tpu.memory_space<vmem>>) offsets(%arg11 : memref<16xi32, #tpu.memory_space<vmem>>) semaphore(%run_scoped3A_96 : memref<!tpu.dma_semaphore, #tpu.memory_space<semaphore_mem>>)
      %dma_wait3A = arith.constant 0 : i32
      %dma_wait3A_104 = arith.constant 0 : i32
      %dma_wait3A_105 = tpu.memref_slice %arg13[%run_scoped3A, %dma_wait3A, %dma_wait3A_104] : memref<6x128x64xf32, #tpu.memory_space<vmem>> -> memref<1x16x64xf32, #tpu.memory_space<vmem>>
      %dma_wait3A_106 = tpu.memref_squeeze %dma_wait3A_105 : memref<1x16x64xf32, #tpu.memory_space<vmem>> -> memref<16x64xf32, #tpu.memory_space<vmem>>
      %dma_wait3A_107 = arith.constant 0 : i32
      %dma_wait3A_108 = arith.constant 0 : i32
      %dma_wait3A_109 = tpu.memref_slice %arg2[%dma_wait3A_107, %dma_wait3A_108] : memref<20000x64xf32, #tpu.memory_space<hbm>> -> memref<20000x64xf32, #tpu.memory_space<hbm>>
      tpu.wait_indirect_dma semaphore(%run_scoped3A_96 : memref<!tpu.dma_semaphore, #tpu.memory_space<semaphore_mem>>) src(%dma_wait3A_109 : memref<20000x64xf32, #tpu.memory_space<hbm>>) dst(%dma_wait3A_106 : memref<16x64xf32, #tpu.memory_space<vmem>>)
      tpu.yield
    }) : () -> ()
    %run_scoped3A_89 = arith.constant 0 : i32
    "tpu.region"() ({
      %run_scoped3A_96 = tpu.sem_alloc : memref<!tpu.dma_semaphore, #tpu.memory_space<semaphore_mem>>
      %dma_start3A_97 = arith.constant 0 : i32
      %dma_start3A_98 = arith.constant 0 : i32
      %dma_start3A_99 = tpu.memref_slice %arg13[%run_scoped3A_89, %dma_start3A_97, %dma_start3A_98] : memref<6x128x64xf32, #tpu.memory_space<vmem>> -> memref<1x16x64xf32, #tpu.memory_space<vmem>>
      %dma_start3A_100 = tpu.memref_squeeze %dma_start3A_99 : memref<1x16x64xf32, #tpu.memory_space<vmem>> -> memref<16x64xf32, #tpu.memory_space<vmem>>
      %dma_start3A_101 = arith.constant 0 : i32
      %dma_start3A_102 = arith.constant 0 : i32
      %dma_start3A_103 = tpu.memref_slice %arg14[%dma_start3A_101, %dma_start3A_102] : memref<10000x64xf32, #tpu.memory_space<vmem_shared>> -> memref<10000x64xf32, #tpu.memory_space<vmem_shared>>
      tpu.enqueue_indirect_dma source(%dma_start3A_100 : memref<16x64xf32, #tpu.memory_space<vmem>>) target(%dma_start3A_103 : memref<10000x64xf32, #tpu.memory_space<vmem_shared>>) offsets(%arg12 : memref<16xi32, #tpu.memory_space<vmem>>) semaphore(%run_scoped3A_96 : memref<!tpu.dma_semaphore, #tpu.memory_space<semaphore_mem>>) {add = true}
      %dma_wait3A = arith.constant 0 : i32
      %dma_wait3A_104 = arith.constant 0 : i32
      %dma_wait3A_105 = tpu.memref_slice %arg13[%run_scoped3A_89, %dma_wait3A, %dma_wait3A_104] : memref<6x128x64xf32, #tpu.memory_space<vmem>> -> memref<1x16x64xf32, #tpu.memory_space<vmem>>
      %dma_wait3A_106 = tpu.memref_squeeze %dma_wait3A_105 : memref<1x16x64xf32, #tpu.memory_space<vmem>> -> memref<16x64xf32, #tpu.memory_space<vmem>>
      %dma_wait3A_107 = arith.constant 0 : i32
      %dma_wait3A_108 = arith.constant 0 : i32
      %dma_wait3A_109 = tpu.memref_slice %arg14[%dma_wait3A_107, %dma_wait3A_108] : memref<10000x64xf32, #tpu.memory_space<vmem_shared>> -> memref<10000x64xf32, #tpu.memory_space<vmem_shared>>
      tpu.wait_indirect_dma semaphore(%run_scoped3A_96 : memref<!tpu.dma_semaphore, #tpu.memory_space<semaphore_mem>>) src(%dma_wait3A_106 : memref<16x64xf32, #tpu.memory_space<vmem>>) dst(%dma_wait3A_109 : memref<10000x64xf32, #tpu.memory_space<vmem_shared>>)
      tpu.yield
    }) : () -> ()
    %barrier3A_90 = arith.constant 0 : index
    tpu.barrier barrier_id(%barrier3A_90)
    "tpu.region"() ({
      %run_scoped3A_96 = tpu.sem_alloc : memref<!tpu.dma_semaphore, #tpu.memory_space<semaphore_mem>>
      %dma_start3A_97 = arith.constant 0 : i32
      %dma_start3A_98 = tpu.memref_slice %arg8[%arg0, %mul3A_2, %dma_start3A_97] : memref<2x10000x64xf32, #tpu.memory_space<hbm>> -> memref<1x624x64xf32, #tpu.memory_space<hbm>>
      %dma_start3A_99 = tpu.memref_squeeze %dma_start3A_98 : memref<1x624x64xf32, #tpu.memory_space<hbm>> -> memref<624x64xf32, #tpu.memory_space<hbm>>
      %dma_start3A_100 = arith.constant 0 : i32
      %dma_start3A_101 = tpu.memref_slice %arg14[%mul3A_2, %dma_start3A_100] : memref<10000x64xf32, #tpu.memory_space<vmem_shared>> -> memref<624x64xf32, #tpu.memory_space<vmem_shared>>
      tpu.enqueue_dma source(%dma_start3A_101 : memref<624x64xf32, #tpu.memory_space<vmem_shared>>) target(%dma_start3A_99 : memref<624x64xf32, #tpu.memory_space<hbm>>) target_semaphore(%run_scoped3A_96 : memref<!tpu.dma_semaphore, #tpu.memory_space<semaphore_mem>>)
      %dma_wait3A = arith.constant 0 : i32
      %dma_wait3A_102 = tpu.memref_slice %arg8[%arg0, %mul3A_2, %dma_wait3A] : memref<2x10000x64xf32, #tpu.memory_space<hbm>> -> memref<1x624x64xf32, #tpu.memory_space<hbm>>
      %dma_wait3A_103 = tpu.memref_squeeze %dma_wait3A_102 : memref<1x624x64xf32, #tpu.memory_space<hbm>> -> memref<624x64xf32, #tpu.memory_space<hbm>>
      %dma_wait3A_104 = arith.constant 0 : i32
      %dma_wait3A_105 = tpu.memref_slice %arg14[%mul3A_2, %dma_wait3A_104] : memref<10000x64xf32, #tpu.memory_space<vmem_shared>> -> memref<624x64xf32, #tpu.memory_space<vmem_shared>>
      tpu.wait_dma2 semaphore(%run_scoped3A_96 : memref<!tpu.dma_semaphore, #tpu.memory_space<semaphore_mem>>) src(%dma_wait3A_105 : memref<624x64xf32, #tpu.memory_space<vmem_shared>>) dst(%dma_wait3A_103 : memref<624x64xf32, #tpu.memory_space<hbm>>)
      tpu.yield
    }) : () -> ()
    %eq3A_91 = arith.constant 15 : i32
    %eq3A_92 = arith.cmpi eq, %arg1, %eq3A_91 : i32
    %convert_element_type3A_93 = arith.extui %eq3A_92 : i1 to i32
    %cond3A_94 = arith.constant 0 : i32
    %cond3A_95 = arith.cmpi ne, %convert_element_type3A_93, %cond3A_94 : i32
    scf.if %cond3A_95 {
      "tpu.region"() ({
        %run_scoped3A_96 = tpu.sem_alloc : memref<!tpu.dma_semaphore, #tpu.memory_space<semaphore_mem>>
        %dma_start3A_97 = arith.constant 9984 : i32
        %dma_start3A_98 = arith.constant 0 : i32
        %dma_start3A_99 = tpu.memref_slice %arg8[%arg0, %dma_start3A_97, %dma_start3A_98] : memref<2x10000x64xf32, #tpu.memory_space<hbm>> -> memref<1x16x64xf32, #tpu.memory_space<hbm>>
        %dma_start3A_100 = tpu.memref_squeeze %dma_start3A_99 : memref<1x16x64xf32, #tpu.memory_space<hbm>> -> memref<16x64xf32, #tpu.memory_space<hbm>>
        %dma_start3A_101 = arith.constant 9984 : i32
        %dma_start3A_102 = arith.constant 0 : i32
        %dma_start3A_103 = tpu.memref_slice %arg14[%dma_start3A_101, %dma_start3A_102] : memref<10000x64xf32, #tpu.memory_space<vmem_shared>> -> memref<16x64xf32, #tpu.memory_space<vmem_shared>>
        tpu.enqueue_dma source(%dma_start3A_103 : memref<16x64xf32, #tpu.memory_space<vmem_shared>>) target(%dma_start3A_100 : memref<16x64xf32, #tpu.memory_space<hbm>>) target_semaphore(%run_scoped3A_96 : memref<!tpu.dma_semaphore, #tpu.memory_space<semaphore_mem>>)
        %dma_wait3A = arith.constant 9984 : i32
        %dma_wait3A_104 = arith.constant 0 : i32
        %dma_wait3A_105 = tpu.memref_slice %arg8[%arg0, %dma_wait3A, %dma_wait3A_104] : memref<2x10000x64xf32, #tpu.memory_space<hbm>> -> memref<1x16x64xf32, #tpu.memory_space<hbm>>
        %dma_wait3A_106 = tpu.memref_squeeze %dma_wait3A_105 : memref<1x16x64xf32, #tpu.memory_space<hbm>> -> memref<16x64xf32, #tpu.memory_space<hbm>>
        %dma_wait3A_107 = arith.constant 9984 : i32
        %dma_wait3A_108 = arith.constant 0 : i32
        %dma_wait3A_109 = tpu.memref_slice %arg14[%dma_wait3A_107, %dma_wait3A_108] : memref<10000x64xf32, #tpu.memory_space<vmem_shared>> -> memref<16x64xf32, #tpu.memory_space<vmem_shared>>
        tpu.wait_dma2 semaphore(%run_scoped3A_96 : memref<!tpu.dma_semaphore, #tpu.memory_space<semaphore_mem>>) src(%dma_wait3A_109 : memref<16x64xf32, #tpu.memory_space<vmem_shared>>) dst(%dma_wait3A_106 : memref<16x64xf32, #tpu.memory_space<hbm>>)
        tpu.yield
      }) : () -> ()
    } else {
    }
    return
  }
}

#map = affine_map<(d0, d1) -> (0, 0)>
#map1 = affine_map<(d0, d1) -> (0)>
#map2 = affine_map<(d0, d1) -> (0, 0, 0)>
module attributes {stable_mosaic.version = 14 : i64} {
  func.func @_sc_aggregate(%arg0: i32, %arg1: i32, %arg2: memref<20000x64xf32, #tpu.memory_space<hbm>>, %arg3: memref<2496x128xi32, #tpu.memory_space<hbm>>, %arg4: memref<2496x128xi32, #tpu.memory_space<hbm>>, %arg5: memref<512xi32, #tpu.memory_space<hbm>>, %arg6: memref<512xi32, #tpu.memory_space<hbm>>, %arg7: memref<10000x64xf32, #tpu.memory_space<hbm>>, %arg8: memref<2x10000x64xf32, #tpu.memory_space<hbm>>, %arg9: memref<78x128xi32, #tpu.memory_space<vmem>>, %arg10: memref<78x128xi32, #tpu.memory_space<vmem>>, %arg11: memref<16xi32, #tpu.memory_space<vmem>>, %arg12: memref<16xi32, #tpu.memory_space<vmem>>, %arg13: memref<6x128x64xf32, #tpu.memory_space<vmem>>, %arg14: memref<10000x64xf32, #tpu.memory_space<vmem_shared>>, %arg15: memref<!tpu.dma_semaphore, #tpu.memory_space<semaphore_mem>>, %arg16: memref<!tpu.dma_semaphore, #tpu.memory_space<semaphore_mem>>, %arg17: memref<!tpu.dma_semaphore, #tpu.memory_space<semaphore_mem>>, %arg18: memref<!tpu.dma_semaphore, #tpu.memory_space<semaphore_mem>>, %arg19: memref<!tpu.dma_semaphore, #tpu.memory_space<semaphore_mem>>, %arg20: memref<!tpu.dma_semaphore, #tpu.memory_space<semaphore_mem>>, %arg21: memref<!tpu.dma_semaphore, #tpu.memory_space<semaphore_mem>>, %arg22: memref<!tpu.dma_semaphore, #tpu.memory_space<semaphore_mem>>, %arg23: memref<!tpu.dma_semaphore, #tpu.memory_space<semaphore_mem>>, %arg24: memref<!tpu.dma_semaphore, #tpu.memory_space<semaphore_mem>>, %arg25: memref<!tpu.dma_semaphore, #tpu.memory_space<semaphore_mem>>, %arg26: memref<!tpu.dma_semaphore, #tpu.memory_space<semaphore_mem>>) attributes {dimension_semantics = [#tpu.dimension_semantics<core_parallel>, #tpu.dimension_semantics<subcore_parallel>], iteration_bounds = array<i64: 2, 16>, scalar_prefetch = 0 : i64, scratch_operands = 18 : i64, tpu.core_type = #tpu.core_type<sc_vector_subcore>, window_params = [{transform_indices = #map}, {transform_indices = #map}, {transform_indices = #map}, {transform_indices = #map1}, {transform_indices = #map1}, {transform_indices = #map}, {transform_indices = #map2}]} {
    %mul3A = arith.constant 16 : i32
    %mul3A_0 = arith.muli %arg0, %mul3A : i32
    %add3A = arith.addi %mul3A_0, %arg1 : i32
    %mul3A_1 = arith.constant 624 : i32
    %mul3A_2 = arith.muli %arg1, %mul3A_1 : i32
    %mul3A_3 = arith.constant 78 : i32
    %mul3A_4 = arith.muli %add3A, %mul3A_3 : i32
    "tpu.region"() ({
      %run_scoped3A_96 = tpu.sem_alloc : memref<!tpu.dma_semaphore, #tpu.memory_space<semaphore_mem>>
      %dma_start3A_97 = arith.constant 0 : i32
      %dma_start3A_98 = tpu.memref_slice %arg3[%mul3A_4, %dma_start3A_97] : memref<2496x128xi32, #tpu.memory_space<hbm>> -> memref<78x128xi32, #tpu.memory_space<hbm>>
      %dma_start3A_99 = arith.constant 0 : i32
      %dma_start3A_100 = tpu.memref_slice %arg3[%mul3A_4, %dma_start3A_99] : memref<2496x128xi32, #tpu.memory_space<hbm>> -> memref<78x128xi32, #tpu.memory_space<hbm>>
      tpu.enqueue_dma source(%dma_start3A_100 : memref<78x128xi32, #tpu.memory_space<hbm>>) target(%arg9 : memref<78x128xi32, #tpu.memory_space<vmem>>) target_semaphore(%run_scoped3A_96 : memref<!tpu.dma_semaphore, #tpu.memory_space<semaphore_mem>>)
      %dma_wait3A = arith.constant 0 : i32
      %dma_wait3A_101 = tpu.memref_slice %arg3[%mul3A_4, %dma_wait3A] : memref<2496x128xi32, #tpu.memory_space<hbm>> -> memref<78x128xi32, #tpu.memory_space<hbm>>
      %dma_wait3A_102 = arith.constant 0 : i32
      %dma_wait3A_103 = tpu.memref_slice %arg3[%mul3A_4, %dma_wait3A_102] : memref<2496x128xi32, #tpu.memory_space<hbm>> -> memref<78x128xi32, #tpu.memory_space<hbm>>
      tpu.wait_dma2 semaphore(%run_scoped3A_96 : memref<!tpu.dma_semaphore, #tpu.memory_space<semaphore_mem>>) src(%dma_wait3A_103 : memref<78x128xi32, #tpu.memory_space<hbm>>) dst(%arg9 : memref<78x128xi32, #tpu.memory_space<vmem>>)
      tpu.yield
    }) : () -> ()
    %mul3A_5 = arith.constant 78 : i32
    %mul3A_6 = arith.muli %add3A, %mul3A_5 : i32
    "tpu.region"() ({
      %run_scoped3A_96 = tpu.sem_alloc : memref<!tpu.dma_semaphore, #tpu.memory_space<semaphore_mem>>
      %dma_start3A_97 = arith.constant 0 : i32
      %dma_start3A_98 = tpu.memref_slice %arg4[%mul3A_6, %dma_start3A_97] : memref<2496x128xi32, #tpu.memory_space<hbm>> -> memref<78x128xi32, #tpu.memory_space<hbm>>
      %dma_start3A_99 = arith.constant 0 : i32
      %dma_start3A_100 = tpu.memref_slice %arg4[%mul3A_6, %dma_start3A_99] : memref<2496x128xi32, #tpu.memory_space<hbm>> -> memref<78x128xi32, #tpu.memory_space<hbm>>
      tpu.enqueue_dma source(%dma_start3A_100 : memref<78x128xi32, #tpu.memory_space<hbm>>) target(%arg10 : memref<78x128xi32, #tpu.memory_space<vmem>>) target_semaphore(%run_scoped3A_96 : memref<!tpu.dma_semaphore, #tpu.memory_space<semaphore_mem>>)
      %dma_wait3A = arith.constant 0 : i32
      %dma_wait3A_101 = tpu.memref_slice %arg4[%mul3A_6, %dma_wait3A] : memref<2496x128xi32, #tpu.memory_space<hbm>> -> memref<78x128xi32, #tpu.memory_space<hbm>>
      %dma_wait3A_102 = arith.constant 0 : i32
      %dma_wait3A_103 = tpu.memref_slice %arg4[%mul3A_6, %dma_wait3A_102] : memref<2496x128xi32, #tpu.memory_space<hbm>> -> memref<78x128xi32, #tpu.memory_space<hbm>>
      tpu.wait_dma2 semaphore(%run_scoped3A_96 : memref<!tpu.dma_semaphore, #tpu.memory_space<semaphore_mem>>) src(%dma_wait3A_103 : memref<78x128xi32, #tpu.memory_space<hbm>>) dst(%arg10 : memref<78x128xi32, #tpu.memory_space<vmem>>)
      tpu.yield
    }) : () -> ()
    %mul3A_7 = arith.constant 16 : i32
    %mul3A_8 = arith.muli %add3A, %mul3A_7 : i32
    "tpu.region"() ({
      %run_scoped3A_96 = tpu.sem_alloc : memref<!tpu.dma_semaphore, #tpu.memory_space<semaphore_mem>>
      %dma_start3A_97 = tpu.memref_slice %arg5[%mul3A_8] : memref<512xi32, #tpu.memory_space<hbm>> -> memref<16xi32, #tpu.memory_space<hbm>>
      %dma_start3A_98 = tpu.memref_slice %arg5[%mul3A_8] : memref<512xi32, #tpu.memory_space<hbm>> -> memref<16xi32, #tpu.memory_space<hbm>>
      tpu.enqueue_dma source(%dma_start3A_98 : memref<16xi32, #tpu.memory_space<hbm>>) target(%arg11 : memref<16xi32, #tpu.memory_space<vmem>>) target_semaphore(%run_scoped3A_96 : memref<!tpu.dma_semaphore, #tpu.memory_space<semaphore_mem>>)
      %dma_wait3A = tpu.memref_slice %arg5[%mul3A_8] : memref<512xi32, #tpu.memory_space<hbm>> -> memref<16xi32, #tpu.memory_space<hbm>>
      %dma_wait3A_99 = tpu.memref_slice %arg5[%mul3A_8] : memref<512xi32, #tpu.memory_space<hbm>> -> memref<16xi32, #tpu.memory_space<hbm>>
      tpu.wait_dma2 semaphore(%run_scoped3A_96 : memref<!tpu.dma_semaphore, #tpu.memory_space<semaphore_mem>>) src(%dma_wait3A_99 : memref<16xi32, #tpu.memory_space<hbm>>) dst(%arg11 : memref<16xi32, #tpu.memory_space<vmem>>)
      tpu.yield
    }) : () -> ()
    %mul3A_9 = arith.constant 16 : i32
    %mul3A_10 = arith.muli %add3A, %mul3A_9 : i32
    "tpu.region"() ({
      %run_scoped3A_96 = tpu.sem_alloc : memref<!tpu.dma_semaphore, #tpu.memory_space<semaphore_mem>>
      %dma_start3A_97 = tpu.memref_slice %arg6[%mul3A_10] : memref<512xi32, #tpu.memory_space<hbm>> -> memref<16xi32, #tpu.memory_space<hbm>>
      %dma_start3A_98 = tpu.memref_slice %arg6[%mul3A_10] : memref<512xi32, #tpu.memory_space<hbm>> -> memref<16xi32, #tpu.memory_space<hbm>>
      tpu.enqueue_dma source(%dma_start3A_98 : memref<16xi32, #tpu.memory_space<hbm>>) target(%arg12 : memref<16xi32, #tpu.memory_space<vmem>>) target_semaphore(%run_scoped3A_96 : memref<!tpu.dma_semaphore, #tpu.memory_space<semaphore_mem>>)
      %dma_wait3A = tpu.memref_slice %arg6[%mul3A_10] : memref<512xi32, #tpu.memory_space<hbm>> -> memref<16xi32, #tpu.memory_space<hbm>>
      %dma_wait3A_99 = tpu.memref_slice %arg6[%mul3A_10] : memref<512xi32, #tpu.memory_space<hbm>> -> memref<16xi32, #tpu.memory_space<hbm>>
      tpu.wait_dma2 semaphore(%run_scoped3A_96 : memref<!tpu.dma_semaphore, #tpu.memory_space<semaphore_mem>>) src(%dma_wait3A_99 : memref<16xi32, #tpu.memory_space<hbm>>) dst(%arg12 : memref<16xi32, #tpu.memory_space<vmem>>)
      tpu.yield
    }) : () -> ()
    "tpu.region"() ({
      %run_scoped3A_96 = tpu.sem_alloc : memref<!tpu.dma_semaphore, #tpu.memory_space<semaphore_mem>>
      %dma_start3A_97 = arith.constant 0 : i32
      %dma_start3A_98 = tpu.memref_slice %arg14[%mul3A_2, %dma_start3A_97] : memref<10000x64xf32, #tpu.memory_space<vmem_shared>> -> memref<624x64xf32, #tpu.memory_space<vmem_shared>>
      %dma_start3A_99 = arith.constant 0 : i32
      %dma_start3A_100 = tpu.memref_slice %arg7[%mul3A_2, %dma_start3A_99] : memref<10000x64xf32, #tpu.memory_space<hbm>> -> memref<624x64xf32, #tpu.memory_space<hbm>>
      tpu.enqueue_dma source(%dma_start3A_100 : memref<624x64xf32, #tpu.memory_space<hbm>>) target(%dma_start3A_98 : memref<624x64xf32, #tpu.memory_space<vmem_shared>>) target_semaphore(%run_scoped3A_96 : memref<!tpu.dma_semaphore, #tpu.memory_space<semaphore_mem>>)
      %dma_wait3A = arith.constant 0 : i32
      %dma_wait3A_101 = tpu.memref_slice %arg14[%mul3A_2, %dma_wait3A] : memref<10000x64xf32, #tpu.memory_space<vmem_shared>> -> memref<624x64xf32, #tpu.memory_space<vmem_shared>>
      %dma_wait3A_102 = arith.constant 0 : i32
      %dma_wait3A_103 = tpu.memref_slice %arg7[%mul3A_2, %dma_wait3A_102] : memref<10000x64xf32, #tpu.memory_space<hbm>> -> memref<624x64xf32, #tpu.memory_space<hbm>>
      tpu.wait_dma2 semaphore(%run_scoped3A_96 : memref<!tpu.dma_semaphore, #tpu.memory_space<semaphore_mem>>) src(%dma_wait3A_103 : memref<624x64xf32, #tpu.memory_space<hbm>>) dst(%dma_wait3A_101 : memref<624x64xf32, #tpu.memory_space<vmem_shared>>)
      tpu.yield
    }) : () -> ()
    %eq3A = arith.constant 15 : i32
    %eq3A_11 = arith.cmpi eq, %arg1, %eq3A : i32
    %convert_element_type3A = arith.extui %eq3A_11 : i1 to i32
    %cond3A = arith.constant 0 : i32
    %cond3A_12 = arith.cmpi ne, %convert_element_type3A, %cond3A : i32
    scf.if %cond3A_12 {
      "tpu.region"() ({
        %run_scoped3A_96 = tpu.sem_alloc : memref<!tpu.dma_semaphore, #tpu.memory_space<semaphore_mem>>
        %dma_start3A_97 = arith.constant 9984 : i32
        %dma_start3A_98 = arith.constant 0 : i32
        %dma_start3A_99 = tpu.memref_slice %arg14[%dma_start3A_97, %dma_start3A_98] : memref<10000x64xf32, #tpu.memory_space<vmem_shared>> -> memref<16x64xf32, #tpu.memory_space<vmem_shared>>
        %dma_start3A_100 = arith.constant 9984 : i32
        %dma_start3A_101 = arith.constant 0 : i32
        %dma_start3A_102 = tpu.memref_slice %arg7[%dma_start3A_100, %dma_start3A_101] : memref<10000x64xf32, #tpu.memory_space<hbm>> -> memref<16x64xf32, #tpu.memory_space<hbm>>
        tpu.enqueue_dma source(%dma_start3A_102 : memref<16x64xf32, #tpu.memory_space<hbm>>) target(%dma_start3A_99 : memref<16x64xf32, #tpu.memory_space<vmem_shared>>) target_semaphore(%run_scoped3A_96 : memref<!tpu.dma_semaphore, #tpu.memory_space<semaphore_mem>>)
        %dma_wait3A = arith.constant 9984 : i32
        %dma_wait3A_103 = arith.constant 0 : i32
        %dma_wait3A_104 = tpu.memref_slice %arg14[%dma_wait3A, %dma_wait3A_103] : memref<10000x64xf32, #tpu.memory_space<vmem_shared>> -> memref<16x64xf32, #tpu.memory_space<vmem_shared>>
        %dma_wait3A_105 = arith.constant 9984 : i32
        %dma_wait3A_106 = arith.constant 0 : i32
        %dma_wait3A_107 = tpu.memref_slice %arg7[%dma_wait3A_105, %dma_wait3A_106] : memref<10000x64xf32, #tpu.memory_space<hbm>> -> memref<16x64xf32, #tpu.memory_space<hbm>>
        tpu.wait_dma2 semaphore(%run_scoped3A_96 : memref<!tpu.dma_semaphore, #tpu.memory_space<semaphore_mem>>) src(%dma_wait3A_107 : memref<16x64xf32, #tpu.memory_space<hbm>>) dst(%dma_wait3A_104 : memref<16x64xf32, #tpu.memory_space<vmem_shared>>)
        tpu.yield
      }) : () -> ()
    } else {
    }
    %barrier3A = arith.constant 0 : index
    tpu.barrier barrier_id(%barrier3A)
    %dma_start3A = arith.constant 0 : i32
    %dma_start3A_13 = arith.constant 0 : i32
    %dma_start3A_14 = arith.constant 0 : i32
    %dma_start3A_15 = arith.constant 0 : i32
    %dma_start3A_16 = tpu.memref_slice %arg13[%dma_start3A_13, %dma_start3A_14, %dma_start3A_15] : memref<6x128x64xf32, #tpu.memory_space<vmem>> -> memref<1x128x64xf32, #tpu.memory_space<vmem>>
    %dma_start3A_17 = tpu.memref_squeeze %dma_start3A_16 : memref<1x128x64xf32, #tpu.memory_space<vmem>> -> memref<128x64xf32, #tpu.memory_space<vmem>>
    %dma_start3A_18 = arith.constant 0 : i32
    %dma_start3A_19 = tpu.memref_slice %arg9[%dma_start3A, %dma_start3A_18] : memref<78x128xi32, #tpu.memory_space<vmem>> -> memref<1x128xi32, #tpu.memory_space<vmem>>
    %dma_start3A_20 = tpu.memref_squeeze %dma_start3A_19 : memref<1x128xi32, #tpu.memory_space<vmem>> -> memref<128xi32, #tpu.memory_space<vmem>>
    %dma_start3A_21 = arith.constant 0 : i32
    %dma_start3A_22 = arith.constant 0 : i32
    %dma_start3A_23 = tpu.memref_slice %arg2[%dma_start3A_21, %dma_start3A_22] : memref<20000x64xf32, #tpu.memory_space<hbm>> -> memref<20000x64xf32, #tpu.memory_space<hbm>>
    tpu.enqueue_indirect_dma source(%dma_start3A_23 : memref<20000x64xf32, #tpu.memory_space<hbm>>) target(%dma_start3A_17 : memref<128x64xf32, #tpu.memory_space<vmem>>) offsets(%dma_start3A_20 : memref<128xi32, #tpu.memory_space<vmem>>) semaphore(%arg15 : memref<!tpu.dma_semaphore, #tpu.memory_space<semaphore_mem>>)
    %dma_start3A_24 = arith.constant 1 : i32
    %dma_start3A_25 = arith.constant 1 : i32
    %dma_start3A_26 = arith.constant 0 : i32
    %dma_start3A_27 = arith.constant 0 : i32
    %dma_start3A_28 = tpu.memref_slice %arg13[%dma_start3A_25, %dma_start3A_26, %dma_start3A_27] : memref<6x128x64xf32, #tpu.memory_space<vmem>> -> memref<1x128x64xf32, #tpu.memory_space<vmem>>
    %dma_start3A_29 = tpu.memref_squeeze %dma_start3A_28 : memref<1x128x64xf32, #tpu.memory_space<vmem>> -> memref<128x64xf32, #tpu.memory_space<vmem>>
    %dma_start3A_30 = arith.constant 0 : i32
    %dma_start3A_31 = tpu.memref_slice %arg9[%dma_start3A_24, %dma_start3A_30] : memref<78x128xi32, #tpu.memory_space<vmem>> -> memref<1x128xi32, #tpu.memory_space<vmem>>
    %dma_start3A_32 = tpu.memref_squeeze %dma_start3A_31 : memref<1x128xi32, #tpu.memory_space<vmem>> -> memref<128xi32, #tpu.memory_space<vmem>>
    %dma_start3A_33 = arith.constant 0 : i32
    %dma_start3A_34 = arith.constant 0 : i32
    %dma_start3A_35 = tpu.memref_slice %arg2[%dma_start3A_33, %dma_start3A_34] : memref<20000x64xf32, #tpu.memory_space<hbm>> -> memref<20000x64xf32, #tpu.memory_space<hbm>>
    tpu.enqueue_indirect_dma source(%dma_start3A_35 : memref<20000x64xf32, #tpu.memory_space<hbm>>) target(%dma_start3A_29 : memref<128x64xf32, #tpu.memory_space<vmem>>) offsets(%dma_start3A_32 : memref<128xi32, #tpu.memory_space<vmem>>) semaphore(%arg16 : memref<!tpu.dma_semaphore, #tpu.memory_space<semaphore_mem>>)
    %dma_start3A_36 = arith.constant 2 : i32
    %dma_start3A_37 = arith.constant 2 : i32
    %dma_start3A_38 = arith.constant 0 : i32
    %dma_start3A_39 = arith.constant 0 : i32
    %dma_start3A_40 = tpu.memref_slice %arg13[%dma_start3A_37, %dma_start3A_38, %dma_start3A_39] : memref<6x128x64xf32, #tpu.memory_space<vmem>> -> memref<1x128x64xf32, #tpu.memory_space<vmem>>
    %dma_start3A_41 = tpu.memref_squeeze %dma_start3A_40 : memref<1x128x64xf32, #tpu.memory_space<vmem>> -> memref<128x64xf32, #tpu.memory_space<vmem>>
    %dma_start3A_42 = arith.constant 0 : i32
    %dma_start3A_43 = tpu.memref_slice %arg9[%dma_start3A_36, %dma_start3A_42] : memref<78x128xi32, #tpu.memory_space<vmem>> -> memref<1x128xi32, #tpu.memory_space<vmem>>
    %dma_start3A_44 = tpu.memref_squeeze %dma_start3A_43 : memref<1x128xi32, #tpu.memory_space<vmem>> -> memref<128xi32, #tpu.memory_space<vmem>>
    %dma_start3A_45 = arith.constant 0 : i32
    %dma_start3A_46 = arith.constant 0 : i32
    %dma_start3A_47 = tpu.memref_slice %arg2[%dma_start3A_45, %dma_start3A_46] : memref<20000x64xf32, #tpu.memory_space<hbm>> -> memref<20000x64xf32, #tpu.memory_space<hbm>>
    tpu.enqueue_indirect_dma source(%dma_start3A_47 : memref<20000x64xf32, #tpu.memory_space<hbm>>) target(%dma_start3A_41 : memref<128x64xf32, #tpu.memory_space<vmem>>) offsets(%dma_start3A_44 : memref<128xi32, #tpu.memory_space<vmem>>) semaphore(%arg17 : memref<!tpu.dma_semaphore, #tpu.memory_space<semaphore_mem>>)
    %dma_start3A_48 = arith.constant 3 : i32
    %dma_start3A_49 = arith.constant 3 : i32
    %dma_start3A_50 = arith.constant 0 : i32
    %dma_start3A_51 = arith.constant 0 : i32
    %dma_start3A_52 = tpu.memref_slice %arg13[%dma_start3A_49, %dma_start3A_50, %dma_start3A_51] : memref<6x128x64xf32, #tpu.memory_space<vmem>> -> memref<1x128x64xf32, #tpu.memory_space<vmem>>
    %dma_start3A_53 = tpu.memref_squeeze %dma_start3A_52 : memref<1x128x64xf32, #tpu.memory_space<vmem>> -> memref<128x64xf32, #tpu.memory_space<vmem>>
    %dma_start3A_54 = arith.constant 0 : i32
    %dma_start3A_55 = tpu.memref_slice %arg9[%dma_start3A_48, %dma_start3A_54] : memref<78x128xi32, #tpu.memory_space<vmem>> -> memref<1x128xi32, #tpu.memory_space<vmem>>
    %dma_start3A_56 = tpu.memref_squeeze %dma_start3A_55 : memref<1x128xi32, #tpu.memory_space<vmem>> -> memref<128xi32, #tpu.memory_space<vmem>>
    %dma_start3A_57 = arith.constant 0 : i32
    %dma_start3A_58 = arith.constant 0 : i32
    %dma_start3A_59 = tpu.memref_slice %arg2[%dma_start3A_57, %dma_start3A_58] : memref<20000x64xf32, #tpu.memory_space<hbm>> -> memref<20000x64xf32, #tpu.memory_space<hbm>>
    tpu.enqueue_indirect_dma source(%dma_start3A_59 : memref<20000x64xf32, #tpu.memory_space<hbm>>) target(%dma_start3A_53 : memref<128x64xf32, #tpu.memory_space<vmem>>) offsets(%dma_start3A_56 : memref<128xi32, #tpu.memory_space<vmem>>) semaphore(%arg18 : memref<!tpu.dma_semaphore, #tpu.memory_space<semaphore_mem>>)
    %dma_start3A_60 = arith.constant 4 : i32
    %dma_start3A_61 = arith.constant 4 : i32
    %dma_start3A_62 = arith.constant 0 : i32
    %dma_start3A_63 = arith.constant 0 : i32
    %dma_start3A_64 = tpu.memref_slice %arg13[%dma_start3A_61, %dma_start3A_62, %dma_start3A_63] : memref<6x128x64xf32, #tpu.memory_space<vmem>> -> memref<1x128x64xf32, #tpu.memory_space<vmem>>
    %dma_start3A_65 = tpu.memref_squeeze %dma_start3A_64 : memref<1x128x64xf32, #tpu.memory_space<vmem>> -> memref<128x64xf32, #tpu.memory_space<vmem>>
    %dma_start3A_66 = arith.constant 0 : i32
    %dma_start3A_67 = tpu.memref_slice %arg9[%dma_start3A_60, %dma_start3A_66] : memref<78x128xi32, #tpu.memory_space<vmem>> -> memref<1x128xi32, #tpu.memory_space<vmem>>
    %dma_start3A_68 = tpu.memref_squeeze %dma_start3A_67 : memref<1x128xi32, #tpu.memory_space<vmem>> -> memref<128xi32, #tpu.memory_space<vmem>>
    %dma_start3A_69 = arith.constant 0 : i32
    %dma_start3A_70 = arith.constant 0 : i32
    %dma_start3A_71 = tpu.memref_slice %arg2[%dma_start3A_69, %dma_start3A_70] : memref<20000x64xf32, #tpu.memory_space<hbm>> -> memref<20000x64xf32, #tpu.memory_space<hbm>>
    tpu.enqueue_indirect_dma source(%dma_start3A_71 : memref<20000x64xf32, #tpu.memory_space<hbm>>) target(%dma_start3A_65 : memref<128x64xf32, #tpu.memory_space<vmem>>) offsets(%dma_start3A_68 : memref<128xi32, #tpu.memory_space<vmem>>) semaphore(%arg19 : memref<!tpu.dma_semaphore, #tpu.memory_space<semaphore_mem>>)
    %dma_start3A_72 = arith.constant 5 : i32
    %dma_start3A_73 = arith.constant 5 : i32
    %dma_start3A_74 = arith.constant 0 : i32
    %dma_start3A_75 = arith.constant 0 : i32
    %dma_start3A_76 = tpu.memref_slice %arg13[%dma_start3A_73, %dma_start3A_74, %dma_start3A_75] : memref<6x128x64xf32, #tpu.memory_space<vmem>> -> memref<1x128x64xf32, #tpu.memory_space<vmem>>
    %dma_start3A_77 = tpu.memref_squeeze %dma_start3A_76 : memref<1x128x64xf32, #tpu.memory_space<vmem>> -> memref<128x64xf32, #tpu.memory_space<vmem>>
    %dma_start3A_78 = arith.constant 0 : i32
    %dma_start3A_79 = tpu.memref_slice %arg9[%dma_start3A_72, %dma_start3A_78] : memref<78x128xi32, #tpu.memory_space<vmem>> -> memref<1x128xi32, #tpu.memory_space<vmem>>
    %dma_start3A_80 = tpu.memref_squeeze %dma_start3A_79 : memref<1x128xi32, #tpu.memory_space<vmem>> -> memref<128xi32, #tpu.memory_space<vmem>>
    %dma_start3A_81 = arith.constant 0 : i32
    %dma_start3A_82 = arith.constant 0 : i32
    %dma_start3A_83 = tpu.memref_slice %arg2[%dma_start3A_81, %dma_start3A_82] : memref<20000x64xf32, #tpu.memory_space<hbm>> -> memref<20000x64xf32, #tpu.memory_space<hbm>>
    tpu.enqueue_indirect_dma source(%dma_start3A_83 : memref<20000x64xf32, #tpu.memory_space<hbm>>) target(%dma_start3A_77 : memref<128x64xf32, #tpu.memory_space<vmem>>) offsets(%dma_start3A_80 : memref<128xi32, #tpu.memory_space<vmem>>) semaphore(%arg20 : memref<!tpu.dma_semaphore, #tpu.memory_space<semaphore_mem>>)
    %scan3A = arith.constant 0 : i32
    %scan3A_84 = arith.constant 0 : i32
    %scan3A_85 = arith.constant 13 : i32
    %scan3A_86 = arith.addi %scan3A_84, %scan3A_85 : i32
    %scan3A_87 = arith.constant 1 : i32
    scf.for %scan3A_96 = %scan3A_84 to %scan3A_86 step %scan3A_87  : i32 {
      %mul3A_97 = arith.constant 6 : i32
      %mul3A_98 = arith.muli %scan3A_96, %mul3A_97 : i32
      %add3A_99 = arith.constant 0 : i32
      %add3A_100 = arith.addi %mul3A_98, %add3A_99 : i32
      %dma_wait3A = arith.constant 0 : i32
      %dma_wait3A_101 = arith.constant 0 : i32
      %dma_wait3A_102 = arith.constant 0 : i32
      %dma_wait3A_103 = tpu.memref_slice %arg13[%dma_wait3A, %dma_wait3A_101, %dma_wait3A_102] : memref<6x128x64xf32, #tpu.memory_space<vmem>> -> memref<1x128x64xf32, #tpu.memory_space<vmem>>
      %dma_wait3A_104 = tpu.memref_squeeze %dma_wait3A_103 : memref<1x128x64xf32, #tpu.memory_space<vmem>> -> memref<128x64xf32, #tpu.memory_space<vmem>>
      %dma_wait3A_105 = arith.constant 0 : i32
      %dma_wait3A_106 = tpu.memref_slice %arg9[%add3A_100, %dma_wait3A_105] : memref<78x128xi32, #tpu.memory_space<vmem>> -> memref<1x128xi32, #tpu.memory_space<vmem>>
      %dma_wait3A_107 = tpu.memref_squeeze %dma_wait3A_106 : memref<1x128xi32, #tpu.memory_space<vmem>> -> memref<128xi32, #tpu.memory_space<vmem>>
      %dma_wait3A_108 = arith.constant 0 : i32
      %dma_wait3A_109 = arith.constant 0 : i32
      %dma_wait3A_110 = tpu.memref_slice %arg2[%dma_wait3A_108, %dma_wait3A_109] : memref<20000x64xf32, #tpu.memory_space<hbm>> -> memref<20000x64xf32, #tpu.memory_space<hbm>>
      tpu.wait_indirect_dma semaphore(%arg15 : memref<!tpu.dma_semaphore, #tpu.memory_space<semaphore_mem>>) src(%dma_wait3A_110 : memref<20000x64xf32, #tpu.memory_space<hbm>>) dst(%dma_wait3A_104 : memref<128x64xf32, #tpu.memory_space<vmem>>)
      %add3A_111 = arith.constant 0 : i32
      %add3A_112 = arith.addi %mul3A_98, %add3A_111 : i32
      %dma_start3A_113 = arith.constant 0 : i32
      %dma_start3A_114 = arith.constant 0 : i32
      %dma_start3A_115 = arith.constant 0 : i32
      %dma_start3A_116 = tpu.memref_slice %arg13[%dma_start3A_113, %dma_start3A_114, %dma_start3A_115] : memref<6x128x64xf32, #tpu.memory_space<vmem>> -> memref<1x128x64xf32, #tpu.memory_space<vmem>>
      %dma_start3A_117 = tpu.memref_squeeze %dma_start3A_116 : memref<1x128x64xf32, #tpu.memory_space<vmem>> -> memref<128x64xf32, #tpu.memory_space<vmem>>
      %dma_start3A_118 = arith.constant 0 : i32
      %dma_start3A_119 = tpu.memref_slice %arg10[%add3A_112, %dma_start3A_118] : memref<78x128xi32, #tpu.memory_space<vmem>> -> memref<1x128xi32, #tpu.memory_space<vmem>>
      %dma_start3A_120 = tpu.memref_squeeze %dma_start3A_119 : memref<1x128xi32, #tpu.memory_space<vmem>> -> memref<128xi32, #tpu.memory_space<vmem>>
      %dma_start3A_121 = arith.constant 0 : i32
      %dma_start3A_122 = arith.constant 0 : i32
      %dma_start3A_123 = tpu.memref_slice %arg14[%dma_start3A_121, %dma_start3A_122] : memref<10000x64xf32, #tpu.memory_space<vmem_shared>> -> memref<10000x64xf32, #tpu.memory_space<vmem_shared>>
      tpu.enqueue_indirect_dma source(%dma_start3A_117 : memref<128x64xf32, #tpu.memory_space<vmem>>) target(%dma_start3A_123 : memref<10000x64xf32, #tpu.memory_space<vmem_shared>>) offsets(%dma_start3A_120 : memref<128xi32, #tpu.memory_space<vmem>>) semaphore(%arg21 : memref<!tpu.dma_semaphore, #tpu.memory_space<semaphore_mem>>) {add = true}
      %add3A_124 = arith.constant 1 : i32
      %add3A_125 = arith.addi %mul3A_98, %add3A_124 : i32
      %dma_wait3A_126 = arith.constant 1 : i32
      %dma_wait3A_127 = arith.constant 0 : i32
      %dma_wait3A_128 = arith.constant 0 : i32
      %dma_wait3A_129 = tpu.memref_slice %arg13[%dma_wait3A_126, %dma_wait3A_127, %dma_wait3A_128] : memref<6x128x64xf32, #tpu.memory_space<vmem>> -> memref<1x128x64xf32, #tpu.memory_space<vmem>>
      %dma_wait3A_130 = tpu.memref_squeeze %dma_wait3A_129 : memref<1x128x64xf32, #tpu.memory_space<vmem>> -> memref<128x64xf32, #tpu.memory_space<vmem>>
      %dma_wait3A_131 = arith.constant 0 : i32
      %dma_wait3A_132 = tpu.memref_slice %arg9[%add3A_125, %dma_wait3A_131] : memref<78x128xi32, #tpu.memory_space<vmem>> -> memref<1x128xi32, #tpu.memory_space<vmem>>
      %dma_wait3A_133 = tpu.memref_squeeze %dma_wait3A_132 : memref<1x128xi32, #tpu.memory_space<vmem>> -> memref<128xi32, #tpu.memory_space<vmem>>
      %dma_wait3A_134 = arith.constant 0 : i32
      %dma_wait3A_135 = arith.constant 0 : i32
      %dma_wait3A_136 = tpu.memref_slice %arg2[%dma_wait3A_134, %dma_wait3A_135] : memref<20000x64xf32, #tpu.memory_space<hbm>> -> memref<20000x64xf32, #tpu.memory_space<hbm>>
      tpu.wait_indirect_dma semaphore(%arg16 : memref<!tpu.dma_semaphore, #tpu.memory_space<semaphore_mem>>) src(%dma_wait3A_136 : memref<20000x64xf32, #tpu.memory_space<hbm>>) dst(%dma_wait3A_130 : memref<128x64xf32, #tpu.memory_space<vmem>>)
      %add3A_137 = arith.constant 1 : i32
      %add3A_138 = arith.addi %mul3A_98, %add3A_137 : i32
      %dma_start3A_139 = arith.constant 1 : i32
      %dma_start3A_140 = arith.constant 0 : i32
      %dma_start3A_141 = arith.constant 0 : i32
      %dma_start3A_142 = tpu.memref_slice %arg13[%dma_start3A_139, %dma_start3A_140, %dma_start3A_141] : memref<6x128x64xf32, #tpu.memory_space<vmem>> -> memref<1x128x64xf32, #tpu.memory_space<vmem>>
      %dma_start3A_143 = tpu.memref_squeeze %dma_start3A_142 : memref<1x128x64xf32, #tpu.memory_space<vmem>> -> memref<128x64xf32, #tpu.memory_space<vmem>>
      %dma_start3A_144 = arith.constant 0 : i32
      %dma_start3A_145 = tpu.memref_slice %arg10[%add3A_138, %dma_start3A_144] : memref<78x128xi32, #tpu.memory_space<vmem>> -> memref<1x128xi32, #tpu.memory_space<vmem>>
      %dma_start3A_146 = tpu.memref_squeeze %dma_start3A_145 : memref<1x128xi32, #tpu.memory_space<vmem>> -> memref<128xi32, #tpu.memory_space<vmem>>
      %dma_start3A_147 = arith.constant 0 : i32
      %dma_start3A_148 = arith.constant 0 : i32
      %dma_start3A_149 = tpu.memref_slice %arg14[%dma_start3A_147, %dma_start3A_148] : memref<10000x64xf32, #tpu.memory_space<vmem_shared>> -> memref<10000x64xf32, #tpu.memory_space<vmem_shared>>
      tpu.enqueue_indirect_dma source(%dma_start3A_143 : memref<128x64xf32, #tpu.memory_space<vmem>>) target(%dma_start3A_149 : memref<10000x64xf32, #tpu.memory_space<vmem_shared>>) offsets(%dma_start3A_146 : memref<128xi32, #tpu.memory_space<vmem>>) semaphore(%arg22 : memref<!tpu.dma_semaphore, #tpu.memory_space<semaphore_mem>>) {add = true}
      %add3A_150 = arith.constant 2 : i32
      %add3A_151 = arith.addi %mul3A_98, %add3A_150 : i32
      %dma_wait3A_152 = arith.constant 2 : i32
      %dma_wait3A_153 = arith.constant 0 : i32
      %dma_wait3A_154 = arith.constant 0 : i32
      %dma_wait3A_155 = tpu.memref_slice %arg13[%dma_wait3A_152, %dma_wait3A_153, %dma_wait3A_154] : memref<6x128x64xf32, #tpu.memory_space<vmem>> -> memref<1x128x64xf32, #tpu.memory_space<vmem>>
      %dma_wait3A_156 = tpu.memref_squeeze %dma_wait3A_155 : memref<1x128x64xf32, #tpu.memory_space<vmem>> -> memref<128x64xf32, #tpu.memory_space<vmem>>
      %dma_wait3A_157 = arith.constant 0 : i32
      %dma_wait3A_158 = tpu.memref_slice %arg9[%add3A_151, %dma_wait3A_157] : memref<78x128xi32, #tpu.memory_space<vmem>> -> memref<1x128xi32, #tpu.memory_space<vmem>>
      %dma_wait3A_159 = tpu.memref_squeeze %dma_wait3A_158 : memref<1x128xi32, #tpu.memory_space<vmem>> -> memref<128xi32, #tpu.memory_space<vmem>>
      %dma_wait3A_160 = arith.constant 0 : i32
      %dma_wait3A_161 = arith.constant 0 : i32
      %dma_wait3A_162 = tpu.memref_slice %arg2[%dma_wait3A_160, %dma_wait3A_161] : memref<20000x64xf32, #tpu.memory_space<hbm>> -> memref<20000x64xf32, #tpu.memory_space<hbm>>
      tpu.wait_indirect_dma semaphore(%arg17 : memref<!tpu.dma_semaphore, #tpu.memory_space<semaphore_mem>>) src(%dma_wait3A_162 : memref<20000x64xf32, #tpu.memory_space<hbm>>) dst(%dma_wait3A_156 : memref<128x64xf32, #tpu.memory_space<vmem>>)
      %add3A_163 = arith.constant 2 : i32
      %add3A_164 = arith.addi %mul3A_98, %add3A_163 : i32
      %dma_start3A_165 = arith.constant 2 : i32
      %dma_start3A_166 = arith.constant 0 : i32
      %dma_start3A_167 = arith.constant 0 : i32
      %dma_start3A_168 = tpu.memref_slice %arg13[%dma_start3A_165, %dma_start3A_166, %dma_start3A_167] : memref<6x128x64xf32, #tpu.memory_space<vmem>> -> memref<1x128x64xf32, #tpu.memory_space<vmem>>
      %dma_start3A_169 = tpu.memref_squeeze %dma_start3A_168 : memref<1x128x64xf32, #tpu.memory_space<vmem>> -> memref<128x64xf32, #tpu.memory_space<vmem>>
      %dma_start3A_170 = arith.constant 0 : i32
      %dma_start3A_171 = tpu.memref_slice %arg10[%add3A_164, %dma_start3A_170] : memref<78x128xi32, #tpu.memory_space<vmem>> -> memref<1x128xi32, #tpu.memory_space<vmem>>
      %dma_start3A_172 = tpu.memref_squeeze %dma_start3A_171 : memref<1x128xi32, #tpu.memory_space<vmem>> -> memref<128xi32, #tpu.memory_space<vmem>>
      %dma_start3A_173 = arith.constant 0 : i32
      %dma_start3A_174 = arith.constant 0 : i32
      %dma_start3A_175 = tpu.memref_slice %arg14[%dma_start3A_173, %dma_start3A_174] : memref<10000x64xf32, #tpu.memory_space<vmem_shared>> -> memref<10000x64xf32, #tpu.memory_space<vmem_shared>>
      tpu.enqueue_indirect_dma source(%dma_start3A_169 : memref<128x64xf32, #tpu.memory_space<vmem>>) target(%dma_start3A_175 : memref<10000x64xf32, #tpu.memory_space<vmem_shared>>) offsets(%dma_start3A_172 : memref<128xi32, #tpu.memory_space<vmem>>) semaphore(%arg23 : memref<!tpu.dma_semaphore, #tpu.memory_space<semaphore_mem>>) {add = true}
      %add3A_176 = arith.constant 3 : i32
      %add3A_177 = arith.addi %mul3A_98, %add3A_176 : i32
      %dma_wait3A_178 = arith.constant 3 : i32
      %dma_wait3A_179 = arith.constant 0 : i32
      %dma_wait3A_180 = arith.constant 0 : i32
      %dma_wait3A_181 = tpu.memref_slice %arg13[%dma_wait3A_178, %dma_wait3A_179, %dma_wait3A_180] : memref<6x128x64xf32, #tpu.memory_space<vmem>> -> memref<1x128x64xf32, #tpu.memory_space<vmem>>
      %dma_wait3A_182 = tpu.memref_squeeze %dma_wait3A_181 : memref<1x128x64xf32, #tpu.memory_space<vmem>> -> memref<128x64xf32, #tpu.memory_space<vmem>>
      %dma_wait3A_183 = arith.constant 0 : i32
      %dma_wait3A_184 = tpu.memref_slice %arg9[%add3A_177, %dma_wait3A_183] : memref<78x128xi32, #tpu.memory_space<vmem>> -> memref<1x128xi32, #tpu.memory_space<vmem>>
      %dma_wait3A_185 = tpu.memref_squeeze %dma_wait3A_184 : memref<1x128xi32, #tpu.memory_space<vmem>> -> memref<128xi32, #tpu.memory_space<vmem>>
      %dma_wait3A_186 = arith.constant 0 : i32
      %dma_wait3A_187 = arith.constant 0 : i32
      %dma_wait3A_188 = tpu.memref_slice %arg2[%dma_wait3A_186, %dma_wait3A_187] : memref<20000x64xf32, #tpu.memory_space<hbm>> -> memref<20000x64xf32, #tpu.memory_space<hbm>>
      tpu.wait_indirect_dma semaphore(%arg18 : memref<!tpu.dma_semaphore, #tpu.memory_space<semaphore_mem>>) src(%dma_wait3A_188 : memref<20000x64xf32, #tpu.memory_space<hbm>>) dst(%dma_wait3A_182 : memref<128x64xf32, #tpu.memory_space<vmem>>)
      %add3A_189 = arith.constant 3 : i32
      %add3A_190 = arith.addi %mul3A_98, %add3A_189 : i32
      %dma_start3A_191 = arith.constant 3 : i32
      %dma_start3A_192 = arith.constant 0 : i32
      %dma_start3A_193 = arith.constant 0 : i32
      %dma_start3A_194 = tpu.memref_slice %arg13[%dma_start3A_191, %dma_start3A_192, %dma_start3A_193] : memref<6x128x64xf32, #tpu.memory_space<vmem>> -> memref<1x128x64xf32, #tpu.memory_space<vmem>>
      %dma_start3A_195 = tpu.memref_squeeze %dma_start3A_194 : memref<1x128x64xf32, #tpu.memory_space<vmem>> -> memref<128x64xf32, #tpu.memory_space<vmem>>
      %dma_start3A_196 = arith.constant 0 : i32
      %dma_start3A_197 = tpu.memref_slice %arg10[%add3A_190, %dma_start3A_196] : memref<78x128xi32, #tpu.memory_space<vmem>> -> memref<1x128xi32, #tpu.memory_space<vmem>>
      %dma_start3A_198 = tpu.memref_squeeze %dma_start3A_197 : memref<1x128xi32, #tpu.memory_space<vmem>> -> memref<128xi32, #tpu.memory_space<vmem>>
      %dma_start3A_199 = arith.constant 0 : i32
      %dma_start3A_200 = arith.constant 0 : i32
      %dma_start3A_201 = tpu.memref_slice %arg14[%dma_start3A_199, %dma_start3A_200] : memref<10000x64xf32, #tpu.memory_space<vmem_shared>> -> memref<10000x64xf32, #tpu.memory_space<vmem_shared>>
      tpu.enqueue_indirect_dma source(%dma_start3A_195 : memref<128x64xf32, #tpu.memory_space<vmem>>) target(%dma_start3A_201 : memref<10000x64xf32, #tpu.memory_space<vmem_shared>>) offsets(%dma_start3A_198 : memref<128xi32, #tpu.memory_space<vmem>>) semaphore(%arg24 : memref<!tpu.dma_semaphore, #tpu.memory_space<semaphore_mem>>) {add = true}
      %add3A_202 = arith.constant 4 : i32
      %add3A_203 = arith.addi %mul3A_98, %add3A_202 : i32
      %dma_wait3A_204 = arith.constant 4 : i32
      %dma_wait3A_205 = arith.constant 0 : i32
      %dma_wait3A_206 = arith.constant 0 : i32
      %dma_wait3A_207 = tpu.memref_slice %arg13[%dma_wait3A_204, %dma_wait3A_205, %dma_wait3A_206] : memref<6x128x64xf32, #tpu.memory_space<vmem>> -> memref<1x128x64xf32, #tpu.memory_space<vmem>>
      %dma_wait3A_208 = tpu.memref_squeeze %dma_wait3A_207 : memref<1x128x64xf32, #tpu.memory_space<vmem>> -> memref<128x64xf32, #tpu.memory_space<vmem>>
      %dma_wait3A_209 = arith.constant 0 : i32
      %dma_wait3A_210 = tpu.memref_slice %arg9[%add3A_203, %dma_wait3A_209] : memref<78x128xi32, #tpu.memory_space<vmem>> -> memref<1x128xi32, #tpu.memory_space<vmem>>
      %dma_wait3A_211 = tpu.memref_squeeze %dma_wait3A_210 : memref<1x128xi32, #tpu.memory_space<vmem>> -> memref<128xi32, #tpu.memory_space<vmem>>
      %dma_wait3A_212 = arith.constant 0 : i32
      %dma_wait3A_213 = arith.constant 0 : i32
      %dma_wait3A_214 = tpu.memref_slice %arg2[%dma_wait3A_212, %dma_wait3A_213] : memref<20000x64xf32, #tpu.memory_space<hbm>> -> memref<20000x64xf32, #tpu.memory_space<hbm>>
      tpu.wait_indirect_dma semaphore(%arg19 : memref<!tpu.dma_semaphore, #tpu.memory_space<semaphore_mem>>) src(%dma_wait3A_214 : memref<20000x64xf32, #tpu.memory_space<hbm>>) dst(%dma_wait3A_208 : memref<128x64xf32, #tpu.memory_space<vmem>>)
      %add3A_215 = arith.constant 4 : i32
      %add3A_216 = arith.addi %mul3A_98, %add3A_215 : i32
      %dma_start3A_217 = arith.constant 4 : i32
      %dma_start3A_218 = arith.constant 0 : i32
      %dma_start3A_219 = arith.constant 0 : i32
      %dma_start3A_220 = tpu.memref_slice %arg13[%dma_start3A_217, %dma_start3A_218, %dma_start3A_219] : memref<6x128x64xf32, #tpu.memory_space<vmem>> -> memref<1x128x64xf32, #tpu.memory_space<vmem>>
      %dma_start3A_221 = tpu.memref_squeeze %dma_start3A_220 : memref<1x128x64xf32, #tpu.memory_space<vmem>> -> memref<128x64xf32, #tpu.memory_space<vmem>>
      %dma_start3A_222 = arith.constant 0 : i32
      %dma_start3A_223 = tpu.memref_slice %arg10[%add3A_216, %dma_start3A_222] : memref<78x128xi32, #tpu.memory_space<vmem>> -> memref<1x128xi32, #tpu.memory_space<vmem>>
      %dma_start3A_224 = tpu.memref_squeeze %dma_start3A_223 : memref<1x128xi32, #tpu.memory_space<vmem>> -> memref<128xi32, #tpu.memory_space<vmem>>
      %dma_start3A_225 = arith.constant 0 : i32
      %dma_start3A_226 = arith.constant 0 : i32
      %dma_start3A_227 = tpu.memref_slice %arg14[%dma_start3A_225, %dma_start3A_226] : memref<10000x64xf32, #tpu.memory_space<vmem_shared>> -> memref<10000x64xf32, #tpu.memory_space<vmem_shared>>
      tpu.enqueue_indirect_dma source(%dma_start3A_221 : memref<128x64xf32, #tpu.memory_space<vmem>>) target(%dma_start3A_227 : memref<10000x64xf32, #tpu.memory_space<vmem_shared>>) offsets(%dma_start3A_224 : memref<128xi32, #tpu.memory_space<vmem>>) semaphore(%arg25 : memref<!tpu.dma_semaphore, #tpu.memory_space<semaphore_mem>>) {add = true}
      %add3A_228 = arith.constant 5 : i32
      %add3A_229 = arith.addi %mul3A_98, %add3A_228 : i32
      %dma_wait3A_230 = arith.constant 5 : i32
      %dma_wait3A_231 = arith.constant 0 : i32
      %dma_wait3A_232 = arith.constant 0 : i32
      %dma_wait3A_233 = tpu.memref_slice %arg13[%dma_wait3A_230, %dma_wait3A_231, %dma_wait3A_232] : memref<6x128x64xf32, #tpu.memory_space<vmem>> -> memref<1x128x64xf32, #tpu.memory_space<vmem>>
      %dma_wait3A_234 = tpu.memref_squeeze %dma_wait3A_233 : memref<1x128x64xf32, #tpu.memory_space<vmem>> -> memref<128x64xf32, #tpu.memory_space<vmem>>
      %dma_wait3A_235 = arith.constant 0 : i32
      %dma_wait3A_236 = tpu.memref_slice %arg9[%add3A_229, %dma_wait3A_235] : memref<78x128xi32, #tpu.memory_space<vmem>> -> memref<1x128xi32, #tpu.memory_space<vmem>>
      %dma_wait3A_237 = tpu.memref_squeeze %dma_wait3A_236 : memref<1x128xi32, #tpu.memory_space<vmem>> -> memref<128xi32, #tpu.memory_space<vmem>>
      %dma_wait3A_238 = arith.constant 0 : i32
      %dma_wait3A_239 = arith.constant 0 : i32
      %dma_wait3A_240 = tpu.memref_slice %arg2[%dma_wait3A_238, %dma_wait3A_239] : memref<20000x64xf32, #tpu.memory_space<hbm>> -> memref<20000x64xf32, #tpu.memory_space<hbm>>
      tpu.wait_indirect_dma semaphore(%arg20 : memref<!tpu.dma_semaphore, #tpu.memory_space<semaphore_mem>>) src(%dma_wait3A_240 : memref<20000x64xf32, #tpu.memory_space<hbm>>) dst(%dma_wait3A_234 : memref<128x64xf32, #tpu.memory_space<vmem>>)
      %add3A_241 = arith.constant 5 : i32
      %add3A_242 = arith.addi %mul3A_98, %add3A_241 : i32
      %dma_start3A_243 = arith.constant 5 : i32
      %dma_start3A_244 = arith.constant 0 : i32
      %dma_start3A_245 = arith.constant 0 : i32
      %dma_start3A_246 = tpu.memref_slice %arg13[%dma_start3A_243, %dma_start3A_244, %dma_start3A_245] : memref<6x128x64xf32, #tpu.memory_space<vmem>> -> memref<1x128x64xf32, #tpu.memory_space<vmem>>
      %dma_start3A_247 = tpu.memref_squeeze %dma_start3A_246 : memref<1x128x64xf32, #tpu.memory_space<vmem>> -> memref<128x64xf32, #tpu.memory_space<vmem>>
      %dma_start3A_248 = arith.constant 0 : i32
      %dma_start3A_249 = tpu.memref_slice %arg10[%add3A_242, %dma_start3A_248] : memref<78x128xi32, #tpu.memory_space<vmem>> -> memref<1x128xi32, #tpu.memory_space<vmem>>
      %dma_start3A_250 = tpu.memref_squeeze %dma_start3A_249 : memref<1x128xi32, #tpu.memory_space<vmem>> -> memref<128xi32, #tpu.memory_space<vmem>>
      %dma_start3A_251 = arith.constant 0 : i32
      %dma_start3A_252 = arith.constant 0 : i32
      %dma_start3A_253 = tpu.memref_slice %arg14[%dma_start3A_251, %dma_start3A_252] : memref<10000x64xf32, #tpu.memory_space<vmem_shared>> -> memref<10000x64xf32, #tpu.memory_space<vmem_shared>>
      tpu.enqueue_indirect_dma source(%dma_start3A_247 : memref<128x64xf32, #tpu.memory_space<vmem>>) target(%dma_start3A_253 : memref<10000x64xf32, #tpu.memory_space<vmem_shared>>) offsets(%dma_start3A_250 : memref<128xi32, #tpu.memory_space<vmem>>) semaphore(%arg26 : memref<!tpu.dma_semaphore, #tpu.memory_space<semaphore_mem>>) {add = true}
      %add3A_254 = arith.constant 0 : i32
      %add3A_255 = arith.addi %mul3A_98, %add3A_254 : i32
      %dma_wait3A_256 = arith.constant 0 : i32
      %dma_wait3A_257 = arith.constant 0 : i32
      %dma_wait3A_258 = arith.constant 0 : i32
      %dma_wait3A_259 = tpu.memref_slice %arg13[%dma_wait3A_256, %dma_wait3A_257, %dma_wait3A_258] : memref<6x128x64xf32, #tpu.memory_space<vmem>> -> memref<1x128x64xf32, #tpu.memory_space<vmem>>
      %dma_wait3A_260 = tpu.memref_squeeze %dma_wait3A_259 : memref<1x128x64xf32, #tpu.memory_space<vmem>> -> memref<128x64xf32, #tpu.memory_space<vmem>>
      %dma_wait3A_261 = arith.constant 0 : i32
      %dma_wait3A_262 = tpu.memref_slice %arg10[%add3A_255, %dma_wait3A_261] : memref<78x128xi32, #tpu.memory_space<vmem>> -> memref<1x128xi32, #tpu.memory_space<vmem>>
      %dma_wait3A_263 = tpu.memref_squeeze %dma_wait3A_262 : memref<1x128xi32, #tpu.memory_space<vmem>> -> memref<128xi32, #tpu.memory_space<vmem>>
      %dma_wait3A_264 = arith.constant 0 : i32
      %dma_wait3A_265 = arith.constant 0 : i32
      %dma_wait3A_266 = tpu.memref_slice %arg14[%dma_wait3A_264, %dma_wait3A_265] : memref<10000x64xf32, #tpu.memory_space<vmem_shared>> -> memref<10000x64xf32, #tpu.memory_space<vmem_shared>>
      tpu.wait_indirect_dma semaphore(%arg21 : memref<!tpu.dma_semaphore, #tpu.memory_space<semaphore_mem>>) src(%dma_wait3A_260 : memref<128x64xf32, #tpu.memory_space<vmem>>) dst(%dma_wait3A_266 : memref<10000x64xf32, #tpu.memory_space<vmem_shared>>)
      %add3A_267 = arith.constant 0 : i32
      %add3A_268 = arith.addi %mul3A_98, %add3A_267 : i32
      %add3A_269 = arith.constant 6 : i32
      %add3A_270 = arith.addi %add3A_268, %add3A_269 : i32
      %lt3A = arith.constant 78 : i32
      %lt3A_271 = arith.cmpi slt, %add3A_270, %lt3A : i32
      %convert_element_type3A_272 = arith.extui %lt3A_271 : i1 to i32
      %cond3A_273 = arith.constant 0 : i32
      %cond3A_274 = arith.cmpi ne, %convert_element_type3A_272, %cond3A_273 : i32
      scf.if %cond3A_274 {
        %add3A_385 = arith.constant 0 : i32
        %add3A_386 = arith.addi %mul3A_98, %add3A_385 : i32
        %add3A_387 = arith.constant 6 : i32
        %add3A_388 = arith.addi %add3A_386, %add3A_387 : i32
        %dma_start3A_389 = arith.constant 0 : i32
        %dma_start3A_390 = arith.constant 0 : i32
        %dma_start3A_391 = arith.constant 0 : i32
        %dma_start3A_392 = tpu.memref_slice %arg13[%dma_start3A_389, %dma_start3A_390, %dma_start3A_391] : memref<6x128x64xf32, #tpu.memory_space<vmem>> -> memref<1x128x64xf32, #tpu.memory_space<vmem>>
        %dma_start3A_393 = tpu.memref_squeeze %dma_start3A_392 : memref<1x128x64xf32, #tpu.memory_space<vmem>> -> memref<128x64xf32, #tpu.memory_space<vmem>>
        %dma_start3A_394 = arith.constant 0 : i32
        %dma_start3A_395 = tpu.memref_slice %arg9[%add3A_388, %dma_start3A_394] : memref<78x128xi32, #tpu.memory_space<vmem>> -> memref<1x128xi32, #tpu.memory_space<vmem>>
        %dma_start3A_396 = tpu.memref_squeeze %dma_start3A_395 : memref<1x128xi32, #tpu.memory_space<vmem>> -> memref<128xi32, #tpu.memory_space<vmem>>
        %dma_start3A_397 = arith.constant 0 : i32
        %dma_start3A_398 = arith.constant 0 : i32
        %dma_start3A_399 = tpu.memref_slice %arg2[%dma_start3A_397, %dma_start3A_398] : memref<20000x64xf32, #tpu.memory_space<hbm>> -> memref<20000x64xf32, #tpu.memory_space<hbm>>
        tpu.enqueue_indirect_dma source(%dma_start3A_399 : memref<20000x64xf32, #tpu.memory_space<hbm>>) target(%dma_start3A_393 : memref<128x64xf32, #tpu.memory_space<vmem>>) offsets(%dma_start3A_396 : memref<128xi32, #tpu.memory_space<vmem>>) semaphore(%arg15 : memref<!tpu.dma_semaphore, #tpu.memory_space<semaphore_mem>>)
      } else {
      }
      %add3A_275 = arith.constant 1 : i32
      %add3A_276 = arith.addi %mul3A_98, %add3A_275 : i32
      %dma_wait3A_277 = arith.constant 1 : i32
      %dma_wait3A_278 = arith.constant 0 : i32
      %dma_wait3A_279 = arith.constant 0 : i32
      %dma_wait3A_280 = tpu.memref_slice %arg13[%dma_wait3A_277, %dma_wait3A_278, %dma_wait3A_279] : memref<6x128x64xf32, #tpu.memory_space<vmem>> -> memref<1x128x64xf32, #tpu.memory_space<vmem>>
      %dma_wait3A_281 = tpu.memref_squeeze %dma_wait3A_280 : memref<1x128x64xf32, #tpu.memory_space<vmem>> -> memref<128x64xf32, #tpu.memory_space<vmem>>
      %dma_wait3A_282 = arith.constant 0 : i32
      %dma_wait3A_283 = tpu.memref_slice %arg10[%add3A_276, %dma_wait3A_282] : memref<78x128xi32, #tpu.memory_space<vmem>> -> memref<1x128xi32, #tpu.memory_space<vmem>>
      %dma_wait3A_284 = tpu.memref_squeeze %dma_wait3A_283 : memref<1x128xi32, #tpu.memory_space<vmem>> -> memref<128xi32, #tpu.memory_space<vmem>>
      %dma_wait3A_285 = arith.constant 0 : i32
      %dma_wait3A_286 = arith.constant 0 : i32
      %dma_wait3A_287 = tpu.memref_slice %arg14[%dma_wait3A_285, %dma_wait3A_286] : memref<10000x64xf32, #tpu.memory_space<vmem_shared>> -> memref<10000x64xf32, #tpu.memory_space<vmem_shared>>
      tpu.wait_indirect_dma semaphore(%arg22 : memref<!tpu.dma_semaphore, #tpu.memory_space<semaphore_mem>>) src(%dma_wait3A_281 : memref<128x64xf32, #tpu.memory_space<vmem>>) dst(%dma_wait3A_287 : memref<10000x64xf32, #tpu.memory_space<vmem_shared>>)
      %add3A_288 = arith.constant 1 : i32
      %add3A_289 = arith.addi %mul3A_98, %add3A_288 : i32
      %add3A_290 = arith.constant 6 : i32
      %add3A_291 = arith.addi %add3A_289, %add3A_290 : i32
      %lt3A_292 = arith.constant 78 : i32
      %lt3A_293 = arith.cmpi slt, %add3A_291, %lt3A_292 : i32
      %convert_element_type3A_294 = arith.extui %lt3A_293 : i1 to i32
      %cond3A_295 = arith.constant 0 : i32
      %cond3A_296 = arith.cmpi ne, %convert_element_type3A_294, %cond3A_295 : i32
      scf.if %cond3A_296 {
        %add3A_385 = arith.constant 1 : i32
        %add3A_386 = arith.addi %mul3A_98, %add3A_385 : i32
        %add3A_387 = arith.constant 6 : i32
        %add3A_388 = arith.addi %add3A_386, %add3A_387 : i32
        %dma_start3A_389 = arith.constant 1 : i32
        %dma_start3A_390 = arith.constant 0 : i32
        %dma_start3A_391 = arith.constant 0 : i32
        %dma_start3A_392 = tpu.memref_slice %arg13[%dma_start3A_389, %dma_start3A_390, %dma_start3A_391] : memref<6x128x64xf32, #tpu.memory_space<vmem>> -> memref<1x128x64xf32, #tpu.memory_space<vmem>>
        %dma_start3A_393 = tpu.memref_squeeze %dma_start3A_392 : memref<1x128x64xf32, #tpu.memory_space<vmem>> -> memref<128x64xf32, #tpu.memory_space<vmem>>
        %dma_start3A_394 = arith.constant 0 : i32
        %dma_start3A_395 = tpu.memref_slice %arg9[%add3A_388, %dma_start3A_394] : memref<78x128xi32, #tpu.memory_space<vmem>> -> memref<1x128xi32, #tpu.memory_space<vmem>>
        %dma_start3A_396 = tpu.memref_squeeze %dma_start3A_395 : memref<1x128xi32, #tpu.memory_space<vmem>> -> memref<128xi32, #tpu.memory_space<vmem>>
        %dma_start3A_397 = arith.constant 0 : i32
        %dma_start3A_398 = arith.constant 0 : i32
        %dma_start3A_399 = tpu.memref_slice %arg2[%dma_start3A_397, %dma_start3A_398] : memref<20000x64xf32, #tpu.memory_space<hbm>> -> memref<20000x64xf32, #tpu.memory_space<hbm>>
        tpu.enqueue_indirect_dma source(%dma_start3A_399 : memref<20000x64xf32, #tpu.memory_space<hbm>>) target(%dma_start3A_393 : memref<128x64xf32, #tpu.memory_space<vmem>>) offsets(%dma_start3A_396 : memref<128xi32, #tpu.memory_space<vmem>>) semaphore(%arg16 : memref<!tpu.dma_semaphore, #tpu.memory_space<semaphore_mem>>)
      } else {
      }
      %add3A_297 = arith.constant 2 : i32
      %add3A_298 = arith.addi %mul3A_98, %add3A_297 : i32
      %dma_wait3A_299 = arith.constant 2 : i32
      %dma_wait3A_300 = arith.constant 0 : i32
      %dma_wait3A_301 = arith.constant 0 : i32
      %dma_wait3A_302 = tpu.memref_slice %arg13[%dma_wait3A_299, %dma_wait3A_300, %dma_wait3A_301] : memref<6x128x64xf32, #tpu.memory_space<vmem>> -> memref<1x128x64xf32, #tpu.memory_space<vmem>>
      %dma_wait3A_303 = tpu.memref_squeeze %dma_wait3A_302 : memref<1x128x64xf32, #tpu.memory_space<vmem>> -> memref<128x64xf32, #tpu.memory_space<vmem>>
      %dma_wait3A_304 = arith.constant 0 : i32
      %dma_wait3A_305 = tpu.memref_slice %arg10[%add3A_298, %dma_wait3A_304] : memref<78x128xi32, #tpu.memory_space<vmem>> -> memref<1x128xi32, #tpu.memory_space<vmem>>
      %dma_wait3A_306 = tpu.memref_squeeze %dma_wait3A_305 : memref<1x128xi32, #tpu.memory_space<vmem>> -> memref<128xi32, #tpu.memory_space<vmem>>
      %dma_wait3A_307 = arith.constant 0 : i32
      %dma_wait3A_308 = arith.constant 0 : i32
      %dma_wait3A_309 = tpu.memref_slice %arg14[%dma_wait3A_307, %dma_wait3A_308] : memref<10000x64xf32, #tpu.memory_space<vmem_shared>> -> memref<10000x64xf32, #tpu.memory_space<vmem_shared>>
      tpu.wait_indirect_dma semaphore(%arg23 : memref<!tpu.dma_semaphore, #tpu.memory_space<semaphore_mem>>) src(%dma_wait3A_303 : memref<128x64xf32, #tpu.memory_space<vmem>>) dst(%dma_wait3A_309 : memref<10000x64xf32, #tpu.memory_space<vmem_shared>>)
      %add3A_310 = arith.constant 2 : i32
      %add3A_311 = arith.addi %mul3A_98, %add3A_310 : i32
      %add3A_312 = arith.constant 6 : i32
      %add3A_313 = arith.addi %add3A_311, %add3A_312 : i32
      %lt3A_314 = arith.constant 78 : i32
      %lt3A_315 = arith.cmpi slt, %add3A_313, %lt3A_314 : i32
      %convert_element_type3A_316 = arith.extui %lt3A_315 : i1 to i32
      %cond3A_317 = arith.constant 0 : i32
      %cond3A_318 = arith.cmpi ne, %convert_element_type3A_316, %cond3A_317 : i32
      scf.if %cond3A_318 {
        %add3A_385 = arith.constant 2 : i32
        %add3A_386 = arith.addi %mul3A_98, %add3A_385 : i32
        %add3A_387 = arith.constant 6 : i32
        %add3A_388 = arith.addi %add3A_386, %add3A_387 : i32
        %dma_start3A_389 = arith.constant 2 : i32
        %dma_start3A_390 = arith.constant 0 : i32
        %dma_start3A_391 = arith.constant 0 : i32
        %dma_start3A_392 = tpu.memref_slice %arg13[%dma_start3A_389, %dma_start3A_390, %dma_start3A_391] : memref<6x128x64xf32, #tpu.memory_space<vmem>> -> memref<1x128x64xf32, #tpu.memory_space<vmem>>
        %dma_start3A_393 = tpu.memref_squeeze %dma_start3A_392 : memref<1x128x64xf32, #tpu.memory_space<vmem>> -> memref<128x64xf32, #tpu.memory_space<vmem>>
        %dma_start3A_394 = arith.constant 0 : i32
        %dma_start3A_395 = tpu.memref_slice %arg9[%add3A_388, %dma_start3A_394] : memref<78x128xi32, #tpu.memory_space<vmem>> -> memref<1x128xi32, #tpu.memory_space<vmem>>
        %dma_start3A_396 = tpu.memref_squeeze %dma_start3A_395 : memref<1x128xi32, #tpu.memory_space<vmem>> -> memref<128xi32, #tpu.memory_space<vmem>>
        %dma_start3A_397 = arith.constant 0 : i32
        %dma_start3A_398 = arith.constant 0 : i32
        %dma_start3A_399 = tpu.memref_slice %arg2[%dma_start3A_397, %dma_start3A_398] : memref<20000x64xf32, #tpu.memory_space<hbm>> -> memref<20000x64xf32, #tpu.memory_space<hbm>>
        tpu.enqueue_indirect_dma source(%dma_start3A_399 : memref<20000x64xf32, #tpu.memory_space<hbm>>) target(%dma_start3A_393 : memref<128x64xf32, #tpu.memory_space<vmem>>) offsets(%dma_start3A_396 : memref<128xi32, #tpu.memory_space<vmem>>) semaphore(%arg17 : memref<!tpu.dma_semaphore, #tpu.memory_space<semaphore_mem>>)
      } else {
      }
      %add3A_319 = arith.constant 3 : i32
      %add3A_320 = arith.addi %mul3A_98, %add3A_319 : i32
      %dma_wait3A_321 = arith.constant 3 : i32
      %dma_wait3A_322 = arith.constant 0 : i32
      %dma_wait3A_323 = arith.constant 0 : i32
      %dma_wait3A_324 = tpu.memref_slice %arg13[%dma_wait3A_321, %dma_wait3A_322, %dma_wait3A_323] : memref<6x128x64xf32, #tpu.memory_space<vmem>> -> memref<1x128x64xf32, #tpu.memory_space<vmem>>
      %dma_wait3A_325 = tpu.memref_squeeze %dma_wait3A_324 : memref<1x128x64xf32, #tpu.memory_space<vmem>> -> memref<128x64xf32, #tpu.memory_space<vmem>>
      %dma_wait3A_326 = arith.constant 0 : i32
      %dma_wait3A_327 = tpu.memref_slice %arg10[%add3A_320, %dma_wait3A_326] : memref<78x128xi32, #tpu.memory_space<vmem>> -> memref<1x128xi32, #tpu.memory_space<vmem>>
      %dma_wait3A_328 = tpu.memref_squeeze %dma_wait3A_327 : memref<1x128xi32, #tpu.memory_space<vmem>> -> memref<128xi32, #tpu.memory_space<vmem>>
      %dma_wait3A_329 = arith.constant 0 : i32
      %dma_wait3A_330 = arith.constant 0 : i32
      %dma_wait3A_331 = tpu.memref_slice %arg14[%dma_wait3A_329, %dma_wait3A_330] : memref<10000x64xf32, #tpu.memory_space<vmem_shared>> -> memref<10000x64xf32, #tpu.memory_space<vmem_shared>>
      tpu.wait_indirect_dma semaphore(%arg24 : memref<!tpu.dma_semaphore, #tpu.memory_space<semaphore_mem>>) src(%dma_wait3A_325 : memref<128x64xf32, #tpu.memory_space<vmem>>) dst(%dma_wait3A_331 : memref<10000x64xf32, #tpu.memory_space<vmem_shared>>)
      %add3A_332 = arith.constant 3 : i32
      %add3A_333 = arith.addi %mul3A_98, %add3A_332 : i32
      %add3A_334 = arith.constant 6 : i32
      %add3A_335 = arith.addi %add3A_333, %add3A_334 : i32
      %lt3A_336 = arith.constant 78 : i32
      %lt3A_337 = arith.cmpi slt, %add3A_335, %lt3A_336 : i32
      %convert_element_type3A_338 = arith.extui %lt3A_337 : i1 to i32
      %cond3A_339 = arith.constant 0 : i32
      %cond3A_340 = arith.cmpi ne, %convert_element_type3A_338, %cond3A_339 : i32
      scf.if %cond3A_340 {
        %add3A_385 = arith.constant 3 : i32
        %add3A_386 = arith.addi %mul3A_98, %add3A_385 : i32
        %add3A_387 = arith.constant 6 : i32
        %add3A_388 = arith.addi %add3A_386, %add3A_387 : i32
        %dma_start3A_389 = arith.constant 3 : i32
        %dma_start3A_390 = arith.constant 0 : i32
        %dma_start3A_391 = arith.constant 0 : i32
        %dma_start3A_392 = tpu.memref_slice %arg13[%dma_start3A_389, %dma_start3A_390, %dma_start3A_391] : memref<6x128x64xf32, #tpu.memory_space<vmem>> -> memref<1x128x64xf32, #tpu.memory_space<vmem>>
        %dma_start3A_393 = tpu.memref_squeeze %dma_start3A_392 : memref<1x128x64xf32, #tpu.memory_space<vmem>> -> memref<128x64xf32, #tpu.memory_space<vmem>>
        %dma_start3A_394 = arith.constant 0 : i32
        %dma_start3A_395 = tpu.memref_slice %arg9[%add3A_388, %dma_start3A_394] : memref<78x128xi32, #tpu.memory_space<vmem>> -> memref<1x128xi32, #tpu.memory_space<vmem>>
        %dma_start3A_396 = tpu.memref_squeeze %dma_start3A_395 : memref<1x128xi32, #tpu.memory_space<vmem>> -> memref<128xi32, #tpu.memory_space<vmem>>
        %dma_start3A_397 = arith.constant 0 : i32
        %dma_start3A_398 = arith.constant 0 : i32
        %dma_start3A_399 = tpu.memref_slice %arg2[%dma_start3A_397, %dma_start3A_398] : memref<20000x64xf32, #tpu.memory_space<hbm>> -> memref<20000x64xf32, #tpu.memory_space<hbm>>
        tpu.enqueue_indirect_dma source(%dma_start3A_399 : memref<20000x64xf32, #tpu.memory_space<hbm>>) target(%dma_start3A_393 : memref<128x64xf32, #tpu.memory_space<vmem>>) offsets(%dma_start3A_396 : memref<128xi32, #tpu.memory_space<vmem>>) semaphore(%arg18 : memref<!tpu.dma_semaphore, #tpu.memory_space<semaphore_mem>>)
      } else {
      }
      %add3A_341 = arith.constant 4 : i32
      %add3A_342 = arith.addi %mul3A_98, %add3A_341 : i32
      %dma_wait3A_343 = arith.constant 4 : i32
      %dma_wait3A_344 = arith.constant 0 : i32
      %dma_wait3A_345 = arith.constant 0 : i32
      %dma_wait3A_346 = tpu.memref_slice %arg13[%dma_wait3A_343, %dma_wait3A_344, %dma_wait3A_345] : memref<6x128x64xf32, #tpu.memory_space<vmem>> -> memref<1x128x64xf32, #tpu.memory_space<vmem>>
      %dma_wait3A_347 = tpu.memref_squeeze %dma_wait3A_346 : memref<1x128x64xf32, #tpu.memory_space<vmem>> -> memref<128x64xf32, #tpu.memory_space<vmem>>
      %dma_wait3A_348 = arith.constant 0 : i32
      %dma_wait3A_349 = tpu.memref_slice %arg10[%add3A_342, %dma_wait3A_348] : memref<78x128xi32, #tpu.memory_space<vmem>> -> memref<1x128xi32, #tpu.memory_space<vmem>>
      %dma_wait3A_350 = tpu.memref_squeeze %dma_wait3A_349 : memref<1x128xi32, #tpu.memory_space<vmem>> -> memref<128xi32, #tpu.memory_space<vmem>>
      %dma_wait3A_351 = arith.constant 0 : i32
      %dma_wait3A_352 = arith.constant 0 : i32
      %dma_wait3A_353 = tpu.memref_slice %arg14[%dma_wait3A_351, %dma_wait3A_352] : memref<10000x64xf32, #tpu.memory_space<vmem_shared>> -> memref<10000x64xf32, #tpu.memory_space<vmem_shared>>
      tpu.wait_indirect_dma semaphore(%arg25 : memref<!tpu.dma_semaphore, #tpu.memory_space<semaphore_mem>>) src(%dma_wait3A_347 : memref<128x64xf32, #tpu.memory_space<vmem>>) dst(%dma_wait3A_353 : memref<10000x64xf32, #tpu.memory_space<vmem_shared>>)
      %add3A_354 = arith.constant 4 : i32
      %add3A_355 = arith.addi %mul3A_98, %add3A_354 : i32
      %add3A_356 = arith.constant 6 : i32
      %add3A_357 = arith.addi %add3A_355, %add3A_356 : i32
      %lt3A_358 = arith.constant 78 : i32
      %lt3A_359 = arith.cmpi slt, %add3A_357, %lt3A_358 : i32
      %convert_element_type3A_360 = arith.extui %lt3A_359 : i1 to i32
      %cond3A_361 = arith.constant 0 : i32
      %cond3A_362 = arith.cmpi ne, %convert_element_type3A_360, %cond3A_361 : i32
      scf.if %cond3A_362 {
        %add3A_385 = arith.constant 4 : i32
        %add3A_386 = arith.addi %mul3A_98, %add3A_385 : i32
        %add3A_387 = arith.constant 6 : i32
        %add3A_388 = arith.addi %add3A_386, %add3A_387 : i32
        %dma_start3A_389 = arith.constant 4 : i32
        %dma_start3A_390 = arith.constant 0 : i32
        %dma_start3A_391 = arith.constant 0 : i32
        %dma_start3A_392 = tpu.memref_slice %arg13[%dma_start3A_389, %dma_start3A_390, %dma_start3A_391] : memref<6x128x64xf32, #tpu.memory_space<vmem>> -> memref<1x128x64xf32, #tpu.memory_space<vmem>>
        %dma_start3A_393 = tpu.memref_squeeze %dma_start3A_392 : memref<1x128x64xf32, #tpu.memory_space<vmem>> -> memref<128x64xf32, #tpu.memory_space<vmem>>
        %dma_start3A_394 = arith.constant 0 : i32
        %dma_start3A_395 = tpu.memref_slice %arg9[%add3A_388, %dma_start3A_394] : memref<78x128xi32, #tpu.memory_space<vmem>> -> memref<1x128xi32, #tpu.memory_space<vmem>>
        %dma_start3A_396 = tpu.memref_squeeze %dma_start3A_395 : memref<1x128xi32, #tpu.memory_space<vmem>> -> memref<128xi32, #tpu.memory_space<vmem>>
        %dma_start3A_397 = arith.constant 0 : i32
        %dma_start3A_398 = arith.constant 0 : i32
        %dma_start3A_399 = tpu.memref_slice %arg2[%dma_start3A_397, %dma_start3A_398] : memref<20000x64xf32, #tpu.memory_space<hbm>> -> memref<20000x64xf32, #tpu.memory_space<hbm>>
        tpu.enqueue_indirect_dma source(%dma_start3A_399 : memref<20000x64xf32, #tpu.memory_space<hbm>>) target(%dma_start3A_393 : memref<128x64xf32, #tpu.memory_space<vmem>>) offsets(%dma_start3A_396 : memref<128xi32, #tpu.memory_space<vmem>>) semaphore(%arg19 : memref<!tpu.dma_semaphore, #tpu.memory_space<semaphore_mem>>)
      } else {
      }
      %add3A_363 = arith.constant 5 : i32
      %add3A_364 = arith.addi %mul3A_98, %add3A_363 : i32
      %dma_wait3A_365 = arith.constant 5 : i32
      %dma_wait3A_366 = arith.constant 0 : i32
      %dma_wait3A_367 = arith.constant 0 : i32
      %dma_wait3A_368 = tpu.memref_slice %arg13[%dma_wait3A_365, %dma_wait3A_366, %dma_wait3A_367] : memref<6x128x64xf32, #tpu.memory_space<vmem>> -> memref<1x128x64xf32, #tpu.memory_space<vmem>>
      %dma_wait3A_369 = tpu.memref_squeeze %dma_wait3A_368 : memref<1x128x64xf32, #tpu.memory_space<vmem>> -> memref<128x64xf32, #tpu.memory_space<vmem>>
      %dma_wait3A_370 = arith.constant 0 : i32
      %dma_wait3A_371 = tpu.memref_slice %arg10[%add3A_364, %dma_wait3A_370] : memref<78x128xi32, #tpu.memory_space<vmem>> -> memref<1x128xi32, #tpu.memory_space<vmem>>
      %dma_wait3A_372 = tpu.memref_squeeze %dma_wait3A_371 : memref<1x128xi32, #tpu.memory_space<vmem>> -> memref<128xi32, #tpu.memory_space<vmem>>
      %dma_wait3A_373 = arith.constant 0 : i32
      %dma_wait3A_374 = arith.constant 0 : i32
      %dma_wait3A_375 = tpu.memref_slice %arg14[%dma_wait3A_373, %dma_wait3A_374] : memref<10000x64xf32, #tpu.memory_space<vmem_shared>> -> memref<10000x64xf32, #tpu.memory_space<vmem_shared>>
      tpu.wait_indirect_dma semaphore(%arg26 : memref<!tpu.dma_semaphore, #tpu.memory_space<semaphore_mem>>) src(%dma_wait3A_369 : memref<128x64xf32, #tpu.memory_space<vmem>>) dst(%dma_wait3A_375 : memref<10000x64xf32, #tpu.memory_space<vmem_shared>>)
      %add3A_376 = arith.constant 5 : i32
      %add3A_377 = arith.addi %mul3A_98, %add3A_376 : i32
      %add3A_378 = arith.constant 6 : i32
      %add3A_379 = arith.addi %add3A_377, %add3A_378 : i32
      %lt3A_380 = arith.constant 78 : i32
      %lt3A_381 = arith.cmpi slt, %add3A_379, %lt3A_380 : i32
      %convert_element_type3A_382 = arith.extui %lt3A_381 : i1 to i32
      %cond3A_383 = arith.constant 0 : i32
      %cond3A_384 = arith.cmpi ne, %convert_element_type3A_382, %cond3A_383 : i32
      scf.if %cond3A_384 {
        %add3A_385 = arith.constant 5 : i32
        %add3A_386 = arith.addi %mul3A_98, %add3A_385 : i32
        %add3A_387 = arith.constant 6 : i32
        %add3A_388 = arith.addi %add3A_386, %add3A_387 : i32
        %dma_start3A_389 = arith.constant 5 : i32
        %dma_start3A_390 = arith.constant 0 : i32
        %dma_start3A_391 = arith.constant 0 : i32
        %dma_start3A_392 = tpu.memref_slice %arg13[%dma_start3A_389, %dma_start3A_390, %dma_start3A_391] : memref<6x128x64xf32, #tpu.memory_space<vmem>> -> memref<1x128x64xf32, #tpu.memory_space<vmem>>
        %dma_start3A_393 = tpu.memref_squeeze %dma_start3A_392 : memref<1x128x64xf32, #tpu.memory_space<vmem>> -> memref<128x64xf32, #tpu.memory_space<vmem>>
        %dma_start3A_394 = arith.constant 0 : i32
        %dma_start3A_395 = tpu.memref_slice %arg9[%add3A_388, %dma_start3A_394] : memref<78x128xi32, #tpu.memory_space<vmem>> -> memref<1x128xi32, #tpu.memory_space<vmem>>
        %dma_start3A_396 = tpu.memref_squeeze %dma_start3A_395 : memref<1x128xi32, #tpu.memory_space<vmem>> -> memref<128xi32, #tpu.memory_space<vmem>>
        %dma_start3A_397 = arith.constant 0 : i32
        %dma_start3A_398 = arith.constant 0 : i32
        %dma_start3A_399 = tpu.memref_slice %arg2[%dma_start3A_397, %dma_start3A_398] : memref<20000x64xf32, #tpu.memory_space<hbm>> -> memref<20000x64xf32, #tpu.memory_space<hbm>>
        tpu.enqueue_indirect_dma source(%dma_start3A_399 : memref<20000x64xf32, #tpu.memory_space<hbm>>) target(%dma_start3A_393 : memref<128x64xf32, #tpu.memory_space<vmem>>) offsets(%dma_start3A_396 : memref<128xi32, #tpu.memory_space<vmem>>) semaphore(%arg20 : memref<!tpu.dma_semaphore, #tpu.memory_space<semaphore_mem>>)
      } else {
      }
    }
    %scan3A_88 = arith.constant 13 : i32
    %run_scoped3A = arith.constant 0 : i32
    "tpu.region"() ({
      %run_scoped3A_96 = tpu.sem_alloc : memref<!tpu.dma_semaphore, #tpu.memory_space<semaphore_mem>>
      %dma_start3A_97 = arith.constant 0 : i32
      %dma_start3A_98 = arith.constant 0 : i32
      %dma_start3A_99 = tpu.memref_slice %arg13[%run_scoped3A, %dma_start3A_97, %dma_start3A_98] : memref<6x128x64xf32, #tpu.memory_space<vmem>> -> memref<1x16x64xf32, #tpu.memory_space<vmem>>
      %dma_start3A_100 = tpu.memref_squeeze %dma_start3A_99 : memref<1x16x64xf32, #tpu.memory_space<vmem>> -> memref<16x64xf32, #tpu.memory_space<vmem>>
      %dma_start3A_101 = arith.constant 0 : i32
      %dma_start3A_102 = arith.constant 0 : i32
      %dma_start3A_103 = tpu.memref_slice %arg2[%dma_start3A_101, %dma_start3A_102] : memref<20000x64xf32, #tpu.memory_space<hbm>> -> memref<20000x64xf32, #tpu.memory_space<hbm>>
      tpu.enqueue_indirect_dma source(%dma_start3A_103 : memref<20000x64xf32, #tpu.memory_space<hbm>>) target(%dma_start3A_100 : memref<16x64xf32, #tpu.memory_space<vmem>>) offsets(%arg11 : memref<16xi32, #tpu.memory_space<vmem>>) semaphore(%run_scoped3A_96 : memref<!tpu.dma_semaphore, #tpu.memory_space<semaphore_mem>>)
      %dma_wait3A = arith.constant 0 : i32
      %dma_wait3A_104 = arith.constant 0 : i32
      %dma_wait3A_105 = tpu.memref_slice %arg13[%run_scoped3A, %dma_wait3A, %dma_wait3A_104] : memref<6x128x64xf32, #tpu.memory_space<vmem>> -> memref<1x16x64xf32, #tpu.memory_space<vmem>>
      %dma_wait3A_106 = tpu.memref_squeeze %dma_wait3A_105 : memref<1x16x64xf32, #tpu.memory_space<vmem>> -> memref<16x64xf32, #tpu.memory_space<vmem>>
      %dma_wait3A_107 = arith.constant 0 : i32
      %dma_wait3A_108 = arith.constant 0 : i32
      %dma_wait3A_109 = tpu.memref_slice %arg2[%dma_wait3A_107, %dma_wait3A_108] : memref<20000x64xf32, #tpu.memory_space<hbm>> -> memref<20000x64xf32, #tpu.memory_space<hbm>>
      tpu.wait_indirect_dma semaphore(%run_scoped3A_96 : memref<!tpu.dma_semaphore, #tpu.memory_space<semaphore_mem>>) src(%dma_wait3A_109 : memref<20000x64xf32, #tpu.memory_space<hbm>>) dst(%dma_wait3A_106 : memref<16x64xf32, #tpu.memory_space<vmem>>)
      tpu.yield
    }) : () -> ()
    %run_scoped3A_89 = arith.constant 0 : i32
    "tpu.region"() ({
      %run_scoped3A_96 = tpu.sem_alloc : memref<!tpu.dma_semaphore, #tpu.memory_space<semaphore_mem>>
      %dma_start3A_97 = arith.constant 0 : i32
      %dma_start3A_98 = arith.constant 0 : i32
      %dma_start3A_99 = tpu.memref_slice %arg13[%run_scoped3A_89, %dma_start3A_97, %dma_start3A_98] : memref<6x128x64xf32, #tpu.memory_space<vmem>> -> memref<1x16x64xf32, #tpu.memory_space<vmem>>
      %dma_start3A_100 = tpu.memref_squeeze %dma_start3A_99 : memref<1x16x64xf32, #tpu.memory_space<vmem>> -> memref<16x64xf32, #tpu.memory_space<vmem>>
      %dma_start3A_101 = arith.constant 0 : i32
      %dma_start3A_102 = arith.constant 0 : i32
      %dma_start3A_103 = tpu.memref_slice %arg14[%dma_start3A_101, %dma_start3A_102] : memref<10000x64xf32, #tpu.memory_space<vmem_shared>> -> memref<10000x64xf32, #tpu.memory_space<vmem_shared>>
      tpu.enqueue_indirect_dma source(%dma_start3A_100 : memref<16x64xf32, #tpu.memory_space<vmem>>) target(%dma_start3A_103 : memref<10000x64xf32, #tpu.memory_space<vmem_shared>>) offsets(%arg12 : memref<16xi32, #tpu.memory_space<vmem>>) semaphore(%run_scoped3A_96 : memref<!tpu.dma_semaphore, #tpu.memory_space<semaphore_mem>>) {add = true}
      %dma_wait3A = arith.constant 0 : i32
      %dma_wait3A_104 = arith.constant 0 : i32
      %dma_wait3A_105 = tpu.memref_slice %arg13[%run_scoped3A_89, %dma_wait3A, %dma_wait3A_104] : memref<6x128x64xf32, #tpu.memory_space<vmem>> -> memref<1x16x64xf32, #tpu.memory_space<vmem>>
      %dma_wait3A_106 = tpu.memref_squeeze %dma_wait3A_105 : memref<1x16x64xf32, #tpu.memory_space<vmem>> -> memref<16x64xf32, #tpu.memory_space<vmem>>
      %dma_wait3A_107 = arith.constant 0 : i32
      %dma_wait3A_108 = arith.constant 0 : i32
      %dma_wait3A_109 = tpu.memref_slice %arg14[%dma_wait3A_107, %dma_wait3A_108] : memref<10000x64xf32, #tpu.memory_space<vmem_shared>> -> memref<10000x64xf32, #tpu.memory_space<vmem_shared>>
      tpu.wait_indirect_dma semaphore(%run_scoped3A_96 : memref<!tpu.dma_semaphore, #tpu.memory_space<semaphore_mem>>) src(%dma_wait3A_106 : memref<16x64xf32, #tpu.memory_space<vmem>>) dst(%dma_wait3A_109 : memref<10000x64xf32, #tpu.memory_space<vmem_shared>>)
      tpu.yield
    }) : () -> ()
    %barrier3A_90 = arith.constant 0 : index
    tpu.barrier barrier_id(%barrier3A_90)
    "tpu.region"() ({
      %run_scoped3A_96 = tpu.sem_alloc : memref<!tpu.dma_semaphore, #tpu.memory_space<semaphore_mem>>
      %dma_start3A_97 = arith.constant 0 : i32
      %dma_start3A_98 = tpu.memref_slice %arg8[%arg0, %mul3A_2, %dma_start3A_97] : memref<2x10000x64xf32, #tpu.memory_space<hbm>> -> memref<1x624x64xf32, #tpu.memory_space<hbm>>
      %dma_start3A_99 = tpu.memref_squeeze %dma_start3A_98 : memref<1x624x64xf32, #tpu.memory_space<hbm>> -> memref<624x64xf32, #tpu.memory_space<hbm>>
      %dma_start3A_100 = arith.constant 0 : i32
      %dma_start3A_101 = tpu.memref_slice %arg14[%mul3A_2, %dma_start3A_100] : memref<10000x64xf32, #tpu.memory_space<vmem_shared>> -> memref<624x64xf32, #tpu.memory_space<vmem_shared>>
      tpu.enqueue_dma source(%dma_start3A_101 : memref<624x64xf32, #tpu.memory_space<vmem_shared>>) target(%dma_start3A_99 : memref<624x64xf32, #tpu.memory_space<hbm>>) target_semaphore(%run_scoped3A_96 : memref<!tpu.dma_semaphore, #tpu.memory_space<semaphore_mem>>)
      %dma_wait3A = arith.constant 0 : i32
      %dma_wait3A_102 = tpu.memref_slice %arg8[%arg0, %mul3A_2, %dma_wait3A] : memref<2x10000x64xf32, #tpu.memory_space<hbm>> -> memref<1x624x64xf32, #tpu.memory_space<hbm>>
      %dma_wait3A_103 = tpu.memref_squeeze %dma_wait3A_102 : memref<1x624x64xf32, #tpu.memory_space<hbm>> -> memref<624x64xf32, #tpu.memory_space<hbm>>
      %dma_wait3A_104 = arith.constant 0 : i32
      %dma_wait3A_105 = tpu.memref_slice %arg14[%mul3A_2, %dma_wait3A_104] : memref<10000x64xf32, #tpu.memory_space<vmem_shared>> -> memref<624x64xf32, #tpu.memory_space<vmem_shared>>
      tpu.wait_dma2 semaphore(%run_scoped3A_96 : memref<!tpu.dma_semaphore, #tpu.memory_space<semaphore_mem>>) src(%dma_wait3A_105 : memref<624x64xf32, #tpu.memory_space<vmem_shared>>) dst(%dma_wait3A_103 : memref<624x64xf32, #tpu.memory_space<hbm>>)
      tpu.yield
    }) : () -> ()
    %eq3A_91 = arith.constant 15 : i32
    %eq3A_92 = arith.cmpi eq, %arg1, %eq3A_91 : i32
    %convert_element_type3A_93 = arith.extui %eq3A_92 : i1 to i32
    %cond3A_94 = arith.constant 0 : i32
    %cond3A_95 = arith.cmpi ne, %convert_element_type3A_93, %cond3A_94 : i32
    scf.if %cond3A_95 {
      "tpu.region"() ({
        %run_scoped3A_96 = tpu.sem_alloc : memref<!tpu.dma_semaphore, #tpu.memory_space<semaphore_mem>>
        %dma_start3A_97 = arith.constant 9984 : i32
        %dma_start3A_98 = arith.constant 0 : i32
        %dma_start3A_99 = tpu.memref_slice %arg8[%arg0, %dma_start3A_97, %dma_start3A_98] : memref<2x10000x64xf32, #tpu.memory_space<hbm>> -> memref<1x16x64xf32, #tpu.memory_space<hbm>>
        %dma_start3A_100 = tpu.memref_squeeze %dma_start3A_99 : memref<1x16x64xf32, #tpu.memory_space<hbm>> -> memref<16x64xf32, #tpu.memory_space<hbm>>
        %dma_start3A_101 = arith.constant 9984 : i32
        %dma_start3A_102 = arith.constant 0 : i32
        %dma_start3A_103 = tpu.memref_slice %arg14[%dma_start3A_101, %dma_start3A_102] : memref<10000x64xf32, #tpu.memory_space<vmem_shared>> -> memref<16x64xf32, #tpu.memory_space<vmem_shared>>
        tpu.enqueue_dma source(%dma_start3A_103 : memref<16x64xf32, #tpu.memory_space<vmem_shared>>) target(%dma_start3A_100 : memref<16x64xf32, #tpu.memory_space<hbm>>) target_semaphore(%run_scoped3A_96 : memref<!tpu.dma_semaphore, #tpu.memory_space<semaphore_mem>>)
        %dma_wait3A = arith.constant 9984 : i32
        %dma_wait3A_104 = arith.constant 0 : i32
        %dma_wait3A_105 = tpu.memref_slice %arg8[%arg0, %dma_wait3A, %dma_wait3A_104] : memref<2x10000x64xf32, #tpu.memory_space<hbm>> -> memref<1x16x64xf32, #tpu.memory_space<hbm>>
        %dma_wait3A_106 = tpu.memref_squeeze %dma_wait3A_105 : memref<1x16x64xf32, #tpu.memory_space<hbm>> -> memref<16x64xf32, #tpu.memory_space<hbm>>
        %dma_wait3A_107 = arith.constant 9984 : i32
        %dma_wait3A_108 = arith.constant 0 : i32
        %dma_wait3A_109 = tpu.memref_slice %arg14[%dma_wait3A_107, %dma_wait3A_108] : memref<10000x64xf32, #tpu.memory_space<vmem_shared>> -> memref<16x64xf32, #tpu.memory_space<vmem_shared>>
        tpu.wait_dma2 semaphore(%run_scoped3A_96 : memref<!tpu.dma_semaphore, #tpu.memory_space<semaphore_mem>>) src(%dma_wait3A_109 : memref<16x64xf32, #tpu.memory_space<vmem_shared>>) dst(%dma_wait3A_106 : memref<16x64xf32, #tpu.memory_space<hbm>>)
        tpu.yield
      }) : () -> ()
    } else {
    }
    return
  }
}

module attributes {stable_mosaic.version = 14 : i64} {
  func.func @_tc_mm(%arg0: memref<10000x128xf32, #tpu.memory_space<vmem>>, %arg1: memref<128x64xf32, #tpu.memory_space<vmem>>, %arg2: memref<10000x64xf32, #tpu.memory_space<vmem>>) attributes {dimension_semantics = [], scalar_prefetch = 0 : i64, scratch_operands = 0 : i64, tpu.core_type = #tpu.core_type<tc>} {
    %get3A = arith.constant 0 : index
    %get3A_0 = arith.constant 0 : index
    %get3A_1 = vector.load %arg0[%get3A, %get3A_0] : memref<10000x128xf32, #tpu.memory_space<vmem>>, vector<10000x128xf32>
    %get3A_2 = arith.constant 0 : index
    %get3A_3 = arith.constant 0 : index
    %get3A_4 = vector.load %arg1[%get3A_2, %get3A_3] : memref<128x64xf32, #tpu.memory_space<vmem>>, vector<128x64xf32>
    %dot_general3A = arith.constant dense<0.000000e+00> : vector<10000x64xf32>
    %dot_general3A_5 = tpu.matmul %get3A_1, %get3A_4, %dot_general3A {dimension_numbers = #tpu.dot_dimension_numbers<[1], [0], [0], [1], [0, 0, 1, 1], [], []>, transpose_lhs_hint = false} : vector<10000x128xf32>, vector<128x64xf32>, vector<10000x64xf32> -> vector<10000x64xf32>
    %swap3A = arith.constant 0 : index
    %swap3A_6 = arith.constant 0 : index
    %swap3A_7 = vector.load %arg2[%swap3A, %swap3A_6] : memref<10000x64xf32, #tpu.memory_space<vmem>>, vector<10000x64xf32>
    tpu.vector_store %arg2[%swap3A, %swap3A_6], %dot_general3A_5 {strides = array<i32>} : memref<10000x64xf32, #tpu.memory_space<vmem>>, vector<10000x64xf32>,
    return
  }
}

module attributes {stable_mosaic.version = 14 : i64} {
  func.func @_tc_pre(%arg0: memref<10000x64xf32, #tpu.memory_space<vmem>>, %arg1: memref<2x10000x16xf32, #tpu.memory_space<vmem>>, %arg2: memref<10000x128xf32, #tpu.memory_space<vmem>>, %arg3: memref<10000x1xf32, #tpu.memory_space<vmem>>) attributes {dimension_semantics = [], scalar_prefetch = 0 : i64, scratch_operands = 0 : i64, tpu.core_type = #tpu.core_type<tc>} {
    %get3A = arith.constant 0 : index
    %get3A_0 = arith.constant 0 : index
    %get3A_1 = arith.constant 0 : index
    %get3A_2 = vector.load %arg1[%get3A, %get3A_0, %get3A_1] : memref<2x10000x16xf32, #tpu.memory_space<vmem>>, vector<1x10000x1xf32>
    %get3A_3 = vector.shape_cast %get3A_2 : vector<1x10000x1xf32> to vector<10000x1xf32>
    %get3A_4 = arith.constant 1 : index
    %get3A_5 = arith.constant 0 : index
    %get3A_6 = arith.constant 0 : index
    %get3A_7 = vector.load %arg1[%get3A_4, %get3A_5, %get3A_6] : memref<2x10000x16xf32, #tpu.memory_space<vmem>>, vector<1x10000x1xf32>
    %get3A_8 = vector.shape_cast %get3A_7 : vector<1x10000x1xf32> to vector<10000x1xf32>
    %add3A = arith.addf %get3A_3, %get3A_8 : vector<10000x1xf32>
    %add3A_9 = arith.constant 1.000000e+00 : f32
    %add3A_10 = vector.broadcast %add3A_9 : f32 to vector<10000x1xf32>
    %add3A_11 = arith.addf %add3A, %add3A_10 : vector<10000x1xf32>
    %rsqrt3A = math.rsqrt %add3A_11 : vector<10000x1xf32>
    %get3A_12 = arith.constant 0 : index
    %get3A_13 = arith.constant 0 : index
    %get3A_14 = vector.load %arg0[%get3A_12, %get3A_13] : memref<10000x64xf32, #tpu.memory_space<vmem>>, vector<10000x64xf32>
    %mul3A = vector.broadcast %rsqrt3A : vector<10000x1xf32> to vector<10000x64xf32>
    %mul3A_15 = arith.mulf %get3A_14, %mul3A : vector<10000x64xf32>
    %swap3A = arith.constant 0 : index
    %swap3A_16 = arith.constant 0 : index
    %swap3A_17 = vector.load %arg2[%swap3A, %swap3A_16] : memref<10000x128xf32, #tpu.memory_space<vmem>>, vector<10000x64xf32>
    tpu.vector_store %arg2[%swap3A, %swap3A_16], %mul3A_15 {strides = array<i32>} : memref<10000x128xf32, #tpu.memory_space<vmem>>, vector<10000x64xf32>,
    %swap3A_18 = arith.constant 0 : index
    %swap3A_19 = arith.constant 0 : index
    %swap3A_20 = vector.load %arg3[%swap3A_18, %swap3A_19] : memref<10000x1xf32, #tpu.memory_space<vmem>>, vector<10000x1xf32>
    tpu.vector_store %arg3[%swap3A_18, %swap3A_19], %rsqrt3A {strides = array<i32>} : memref<10000x1xf32, #tpu.memory_space<vmem>>, vector<10000x1xf32>,
    return
  }
}

module attributes {stable_mosaic.version = 14 : i64} {
  func.func @_tc_mid(%arg0: memref<2x10000x64xf32, #tpu.memory_space<vmem>>, %arg1: memref<10000x128xf32, #tpu.memory_space<vmem>>, %arg2: memref<10000x1xf32, #tpu.memory_space<vmem>>, %arg3: memref<1x64xf32, #tpu.memory_space<vmem>>, %arg4: memref<64x64xf32, #tpu.memory_space<vmem>>, %arg5: memref<10000x128xf32, #tpu.memory_space<vmem>>) attributes {dimension_semantics = [], scalar_prefetch = 0 : i64, scratch_operands = 0 : i64, tpu.core_type = #tpu.core_type<tc>} {
    %get3A = arith.constant 0 : index
    %get3A_0 = arith.constant 0 : index
    %get3A_1 = arith.constant 0 : index
    %get3A_2 = vector.load %arg0[%get3A, %get3A_0, %get3A_1] : memref<2x10000x64xf32, #tpu.memory_space<vmem>>, vector<1x10000x64xf32>
    %get3A_3 = vector.shape_cast %get3A_2 : vector<1x10000x64xf32> to vector<10000x64xf32>
    %get3A_4 = arith.constant 1 : index
    %get3A_5 = arith.constant 0 : index
    %get3A_6 = arith.constant 0 : index
    %get3A_7 = vector.load %arg0[%get3A_4, %get3A_5, %get3A_6] : memref<2x10000x64xf32, #tpu.memory_space<vmem>>, vector<1x10000x64xf32>
    %get3A_8 = vector.shape_cast %get3A_7 : vector<1x10000x64xf32> to vector<10000x64xf32>
    %add3A = arith.addf %get3A_3, %get3A_8 : vector<10000x64xf32>
    %get3A_9 = arith.constant 0 : index
    %get3A_10 = arith.constant 0 : index
    %get3A_11 = vector.load %arg1[%get3A_9, %get3A_10] : memref<10000x128xf32, #tpu.memory_space<vmem>>, vector<10000x64xf32>
    %add3A_12 = arith.addf %add3A, %get3A_11 : vector<10000x64xf32>
    %get3A_13 = arith.constant 0 : index
    %get3A_14 = arith.constant 0 : index
    %get3A_15 = vector.load %arg2[%get3A_13, %get3A_14] : memref<10000x1xf32, #tpu.memory_space<vmem>>, vector<10000x1xf32>
    %mul3A = vector.broadcast %get3A_15 : vector<10000x1xf32> to vector<10000x64xf32>
    %mul3A_16 = arith.mulf %mul3A, %add3A_12 : vector<10000x64xf32>
    %get3A_17 = arith.constant 0 : index
    %get3A_18 = arith.constant 0 : index
    %get3A_19 = vector.load %arg3[%get3A_17, %get3A_18] : memref<1x64xf32, #tpu.memory_space<vmem>>, vector<1x64xf32>
    %add3A_20 = vector.broadcast %get3A_19 : vector<1x64xf32> to vector<10000x64xf32>
    %add3A_21 = arith.addf %mul3A_16, %add3A_20 : vector<10000x64xf32>
    %max3A = arith.constant 0.000000e+00 : f32
    %max3A_22 = vector.broadcast %max3A : f32 to vector<10000x64xf32>
    %max3A_23 = arith.maximumf %add3A_21, %max3A_22 : vector<10000x64xf32>
    %get3A_24 = arith.constant 0 : index
    %get3A_25 = arith.constant 0 : index
    %get3A_26 = vector.load %arg4[%get3A_24, %get3A_25] : memref<64x64xf32, #tpu.memory_space<vmem>>, vector<64x64xf32>
    %dot_general3A = arith.constant dense<0.000000e+00> : vector<10000x64xf32>
    %dot_general3A_27 = tpu.matmul %max3A_23, %get3A_26, %dot_general3A {dimension_numbers = #tpu.dot_dimension_numbers<[1], [0], [0], [1], [0, 0, 1, 1], [], []>, transpose_lhs_hint = false} : vector<10000x64xf32>, vector<64x64xf32>, vector<10000x64xf32> -> vector<10000x64xf32>
    %mul3A_28 = vector.broadcast %get3A_15 : vector<10000x1xf32> to vector<10000x64xf32>
    %mul3A_29 = arith.mulf %dot_general3A_27, %mul3A_28 : vector<10000x64xf32>
    %swap3A = arith.constant 0 : index
    %swap3A_30 = arith.constant 0 : index
    %swap3A_31 = vector.load %arg5[%swap3A, %swap3A_30] : memref<10000x128xf32, #tpu.memory_space<vmem>>, vector<10000x64xf32>
    tpu.vector_store %arg5[%swap3A, %swap3A_30], %mul3A_29 {strides = array<i32>} : memref<10000x128xf32, #tpu.memory_space<vmem>>, vector<10000x64xf32>,
    return
  }
}

module attributes {stable_mosaic.version = 14 : i64} {
  func.func @_tc_head(%arg0: memref<2x10000x64xf32, #tpu.memory_space<vmem>>, %arg1: memref<10000x128xf32, #tpu.memory_space<vmem>>, %arg2: memref<10000x1xf32, #tpu.memory_space<vmem>>, %arg3: memref<1x64xf32, #tpu.memory_space<vmem>>, %arg4: memref<64x64xf32, #tpu.memory_space<vmem>>, %arg5: memref<1x64xf32, #tpu.memory_space<vmem>>, %arg6: memref<64x64xf32, #tpu.memory_space<vmem>>, %arg7: memref<1x64xf32, #tpu.memory_space<vmem>>, %arg8: memref<64x32xf32, #tpu.memory_space<vmem>>, %arg9: memref<1x32xf32, #tpu.memory_space<vmem>>, %arg10: memref<1x32xf32, #tpu.memory_space<vmem>>) attributes {dimension_semantics = [], scalar_prefetch = 0 : i64, scratch_operands = 0 : i64, tpu.core_type = #tpu.core_type<tc>} {
    %get3A = arith.constant 0 : index
    %get3A_0 = arith.constant 0 : index
    %get3A_1 = arith.constant 0 : index
    %get3A_2 = vector.load %arg0[%get3A, %get3A_0, %get3A_1] : memref<2x10000x64xf32, #tpu.memory_space<vmem>>, vector<1x10000x64xf32>
    %get3A_3 = vector.shape_cast %get3A_2 : vector<1x10000x64xf32> to vector<10000x64xf32>
    %get3A_4 = arith.constant 1 : index
    %get3A_5 = arith.constant 0 : index
    %get3A_6 = arith.constant 0 : index
    %get3A_7 = vector.load %arg0[%get3A_4, %get3A_5, %get3A_6] : memref<2x10000x64xf32, #tpu.memory_space<vmem>>, vector<1x10000x64xf32>
    %get3A_8 = vector.shape_cast %get3A_7 : vector<1x10000x64xf32> to vector<10000x64xf32>
    %add3A = arith.addf %get3A_3, %get3A_8 : vector<10000x64xf32>
    %get3A_9 = arith.constant 0 : index
    %get3A_10 = arith.constant 0 : index
    %get3A_11 = vector.load %arg1[%get3A_9, %get3A_10] : memref<10000x128xf32, #tpu.memory_space<vmem>>, vector<10000x64xf32>
    %add3A_12 = arith.addf %add3A, %get3A_11 : vector<10000x64xf32>
    %get3A_13 = arith.constant 0 : index
    %get3A_14 = arith.constant 0 : index
    %get3A_15 = vector.load %arg2[%get3A_13, %get3A_14] : memref<10000x1xf32, #tpu.memory_space<vmem>>, vector<10000x1xf32>
    %mul3A = vector.broadcast %get3A_15 : vector<10000x1xf32> to vector<10000x64xf32>
    %mul3A_16 = arith.mulf %mul3A, %add3A_12 : vector<10000x64xf32>
    %get3A_17 = arith.constant 0 : index
    %get3A_18 = arith.constant 0 : index
    %get3A_19 = vector.load %arg3[%get3A_17, %get3A_18] : memref<1x64xf32, #tpu.memory_space<vmem>>, vector<1x64xf32>
    %add3A_20 = vector.broadcast %get3A_19 : vector<1x64xf32> to vector<10000x64xf32>
    %add3A_21 = arith.addf %mul3A_16, %add3A_20 : vector<10000x64xf32>
    %max3A = arith.constant 0.000000e+00 : f32
    %max3A_22 = vector.broadcast %max3A : f32 to vector<10000x64xf32>
    %max3A_23 = arith.maximumf %add3A_21, %max3A_22 : vector<10000x64xf32>
    %reduce_sum3A = arith.constant dense<0.000000e+00> : vector<64xf32>
    %reduce_sum3A_24 = vector.multi_reduction <add>, %max3A_23, %reduce_sum3A [0] : vector<10000x64xf32> to vector<64xf32>
    %broadcast_in_dim3A = vector.shape_cast %reduce_sum3A_24 : vector<64xf32> to vector<1x64xf32>
    %div3A = arith.constant 1.000000e+04 : f32
    %div3A_25 = vector.broadcast %div3A : f32 to vector<1x64xf32>
    %div3A_26 = arith.divf %broadcast_in_dim3A, %div3A_25 : vector<1x64xf32>
    %max3A_27 = arith.constant 0.000000e+00 : f32
    %max3A_28 = vector.broadcast %max3A_27 : f32 to vector<1x64xf32>
    %max3A_29 = arith.maximumf %div3A_26, %max3A_28 : vector<1x64xf32>
    %get3A_30 = arith.constant 0 : index
    %get3A_31 = arith.constant 0 : index
    %get3A_32 = vector.load %arg4[%get3A_30, %get3A_31] : memref<64x64xf32, #tpu.memory_space<vmem>>, vector<64x64xf32>
    %dot_general3A = arith.constant dense<0.000000e+00> : vector<1x64xf32>
    %dot_general3A_33 = tpu.matmul %max3A_29, %get3A_32, %dot_general3A {dimension_numbers = #tpu.dot_dimension_numbers<[1], [0], [0], [1], [0, 0, 1, 1], [], []>, transpose_lhs_hint = false} : vector<1x64xf32>, vector<64x64xf32>, vector<1x64xf32> -> vector<1x64xf32>
    %get3A_34 = arith.constant 0 : index
    %get3A_35 = arith.constant 0 : index
    %get3A_36 = vector.load %arg5[%get3A_34, %get3A_35] : memref<1x64xf32, #tpu.memory_space<vmem>>, vector<1x64xf32>
    %add3A_37 = arith.addf %dot_general3A_33, %get3A_36 : vector<1x64xf32>
    %max3A_38 = arith.constant 0.000000e+00 : f32
    %max3A_39 = vector.broadcast %max3A_38 : f32 to vector<1x64xf32>
    %max3A_40 = arith.maximumf %add3A_37, %max3A_39 : vector<1x64xf32>
    %get3A_41 = arith.constant 0 : index
    %get3A_42 = arith.constant 0 : index
    %get3A_43 = vector.load %arg6[%get3A_41, %get3A_42] : memref<64x64xf32, #tpu.memory_space<vmem>>, vector<64x64xf32>
    %dot_general3A_44 = arith.constant dense<0.000000e+00> : vector<1x64xf32>
    %dot_general3A_45 = tpu.matmul %max3A_40, %get3A_43, %dot_general3A_44 {dimension_numbers = #tpu.dot_dimension_numbers<[1], [0], [0], [1], [0, 0, 1, 1], [], []>, transpose_lhs_hint = false} : vector<1x64xf32>, vector<64x64xf32>, vector<1x64xf32> -> vector<1x64xf32>
    %get3A_46 = arith.constant 0 : index
    %get3A_47 = arith.constant 0 : index
    %get3A_48 = vector.load %arg7[%get3A_46, %get3A_47] : memref<1x64xf32, #tpu.memory_space<vmem>>, vector<1x64xf32>
    %add3A_49 = arith.addf %dot_general3A_45, %get3A_48 : vector<1x64xf32>
    %max3A_50 = arith.constant 0.000000e+00 : f32
    %max3A_51 = vector.broadcast %max3A_50 : f32 to vector<1x64xf32>
    %max3A_52 = arith.maximumf %add3A_49, %max3A_51 : vector<1x64xf32>
    %get3A_53 = arith.constant 0 : index
    %get3A_54 = arith.constant 0 : index
    %get3A_55 = vector.load %arg8[%get3A_53, %get3A_54] : memref<64x32xf32, #tpu.memory_space<vmem>>, vector<64x32xf32>
    %dot_general3A_56 = arith.constant dense<0.000000e+00> : vector<1x32xf32>
    %dot_general3A_57 = tpu.matmul %max3A_52, %get3A_55, %dot_general3A_56 {dimension_numbers = #tpu.dot_dimension_numbers<[1], [0], [0], [1], [0, 0, 1, 1], [], []>, transpose_lhs_hint = false} : vector<1x64xf32>, vector<64x32xf32>, vector<1x32xf32> -> vector<1x32xf32>
    %get3A_58 = arith.constant 0 : index
    %get3A_59 = arith.constant 0 : index
    %get3A_60 = vector.load %arg9[%get3A_58, %get3A_59] : memref<1x32xf32, #tpu.memory_space<vmem>>, vector<1x32xf32>
    %add3A_61 = arith.addf %dot_general3A_57, %get3A_60 : vector<1x32xf32>
    %swap3A = arith.constant 0 : index
    %swap3A_62 = arith.constant 0 : index
    %swap3A_63 = vector.load %arg10[%swap3A, %swap3A_62] : memref<1x32xf32, #tpu.memory_space<vmem>>, vector<1x32xf32>
    tpu.vector_store %arg10[%swap3A, %swap3A_62], %add3A_61 {strides = array<i32>} : memref<1x32xf32, #tpu.memory_space<vmem>>, vector<1x32xf32>,
    return
  }
}

</mosaic_0001>

<sc_bundles>
// kernel: kernel.12.cloned.1.call-start
scs
__scs_entry_jumppad:
0x0: {  	(pc) =	sbr.rel $0x88, $3  }
0x1: {  	(tag) =	ssettag $0x0;
	lr =	simm.s32 $0x1  }
0x2: {  	[smem:$0x3F95] =	sst lr;
	_ =	strace $0xD0000000  }
0x3: {  	_ = 	snop  }
0x4: {  	_ = 	snop  }
0x5: {  	_ = 	snop  }
0x6: {  	_ = 	snop  }
0x7: {  	_ = 	snop  }
__scs_overlays_trampoline_lowered:
0x8: {  	[smem:$0x3FA4] =	sst s0  }
0x9: {  	[smem:$0x3FA5] =	sst s1  }
0xa: {  	[smem:$0x3FA6] =	sst s2  }
0xb: {  	[smem:$0x3FA7] =	sst s3  }
0xc: {  	[smem:$0x3FA8] =	sst s4  }
0xd: {  	[smem:$0x3FA9] =	sst s5  }
0xe: {  	[smem:$0x3FAA] =	sst s6  }
0xf: {  	[smem:$0x3FAB] =	sst s7  }
0x10: {  	[smem:$0x3FAC] =	sst s8  }
0x11: {  	[smem:$0x3FAD] =	sst s9;
	s0 =	simm.s32 @!p0 $0x0  }
0x12: {  	s1 =	sld [smem:$0x3F93];
	s0 =	simm.s32 @p0 $0x1  }
0x13: {  	[smem:$0x3FAE] =	sst s0;
	s0 =	simm.s32 @!p1 $0x0  }
0x14: {  	s2 =	sld [smem:$0x3F92];
	s0 =	simm.s32 @p1 $0x1  }
0x15: {  	[smem:$0x3FAF] =	sst s0;
	s0 =	simm.s32 @!p2 $0x0  }
0x16: {  	s3 =	sld [smem:$0x3FDB];
	s0 =	simm.s32 @p2 $0x1  }
0x17: {  	s4 =	simm.s32 $0x1BF5;
	[smem:$0x3FB1] =	sst s0  }
0x18: {  	s0 =	sld [smem:$0x3F94];
	_ =	swait.ge [sflag:s4], $0x0  }
0x19: {  	s7 =	sld [smem:$0x3F95]  }
0x1a: {  	s8 =	sadd.s32 $0xFFFFE003, lr  }
0x1b: {  	s9 =	sadd.s32 $0xFFFFFEF7, lr;
	s5 =	simm.s32 $0xFFFFFFFF;
	p2 =	slt.u32 s8, $0xFFFFF086  }
0x1c: {  	p1 =	slt.u32 s9, $0xF7A;
	s5 =	simm.s32 @!p2 $0x0  }
0x1d: {  	s5 =	simm.s32 @p1 $0x1;
	p0 =	seq.s32 s7, s2  }
0x1e: {  	s7 =	smul.u32 @!p0 $0xF7A, s2;
	p2 =	seq.s32 @!p0 s5, $0x0  }
0x1f: {  	s9 =	smul.u32 $0xF7A, s1;
	s8 =	simm.s32 @!p0 $0x1BF5;
	p2 =	por !p2, p0  }
0x20: {  	[sflag:s8] =	ssyncset.s32 @!p0 $0xFFFFF086;
	s6 =	sadd.s32 @!p0 s3, s7;
	s7 =	simm.s32 @!p0 $0x108  }
0x21: {  	s3 =	sadd.s32 s3, s9;
	s6 =	sadd.s32 @!p0 $0x88, s6;
	s7 =	simm.s32 @p2 $0x1082  }
0x22: {  	[simem:s7], [sflag:s8] =	dma.local @!p0 [hbm:s6], $0xF7A  }
0x23: {  	s9 =	sor.u32 $0xD0000000, s2;
	s6 =	simm.s32 $0x108;
	_ =	swait.ge @!p0 [sflag:s8], $0x0  }
0x24: {  	s3 =	sadd.s32 $0x88, s3;
	s6 =	simm.s32 @!p1 $0x1082;
	[sflag:s4] =	ssyncset.s32 $0xFFFFF086  }
0x25: {  	[simem:s6], [sflag:s4] =	dma.local [hbm:s3], $0xF7A  }
0x26: {  	[smem:$0x3F95] =	sst s1;
	(tag) =	ssettag s2;
	_ =	strace s9  }
0x27: {  	s1 =	sld [smem:$0x3FA5]  }
0x28: {  	s2 =	sld [smem:$0x3FA6]  }
0x29: {  	s4 =	sld [smem:$0x3FA8]  }
0x2a: {  	p0 =	seq.s32 s5, $0x0;
	s5 =	sld [smem:$0x3FA9]  }
0x2b: {  	s6 =	sld [smem:$0x3FAA]  }
0x2c: {  	s7 =	sld [smem:$0x3FAB]  }
0x2d: {  	s3 =	simm.s32 $0x108;
	s8 =	sld [smem:$0x3FAC]  }
0x2e: {  	s3 =	simm.s32 @!p0 $0x1082;
	s9 =	sld [smem:$0x3FAD]  }
0x2f: {  	lr =	sadd.s32 s0, s3;
	s0 =	sld [smem:$0x3FA4]  }
0x30: {  	s3 =	sld [smem:$0x3FA7]  }
0x31: {  	[smem:$0x3FB0] =	sst s10  }
0x32: {  	s10 =	sld [smem:$0x3FAE];
	_ =	sdelay $0x3  }
0x33: {  	p0 =	seq.s32 s10, $0x1;
	s10 =	sld [smem:$0x3FB0];
	_ =	sdelay $0x3  }
0x34: {  	[smem:$0x3FB0] =	sst s10  }
0x35: {  	s10 =	sld [smem:$0x3FAF];
	_ =	sdelay $0x3  }
0x36: {  	p1 =	seq.s32 s10, $0x1;
	s10 =	sld [smem:$0x3FB0];
	_ =	sdelay $0x3  }
0x37: {  	[smem:$0x3FB0] =	sst s10  }
0x38: {  	s10 =	sld [smem:$0x3FB1]  }
0x39: {  	_ = 	snop;
	(pc) =	sbr.ind lr, $3  }
0x3a: {  	_ = 	snop  }
0x3b: {  	_ = 	snop  }
0x3c: {  	p2 =	seq.s32 s10, $0x1;
	s10 =	sld [smem:$0x3FB0]  }
0x3d: {  	_ =	shalt  }
0x3e: {  	_ =	shalt  }
0x3f: {  	_ =	shalt  }
0x40: {  	_ =	shalt  }
0x41: {  	_ =	shalt  }
0x42: {  	_ =	shalt  }
0x43: {  	_ =	shalt  }
0x44: {  	_ =	shalt  }
0x45: {  	_ =	shalt  }
0x46: {  	_ =	shalt  }
0x47: {  	_ =	shalt  }
0x48: {  	_ =	shalt  }
0x49: {  	_ =	shalt  }
0x4a: {  	_ =	shalt  }
0x4b: {  	_ =	shalt  }
0x4c: {  	_ =	shalt  }
0x4d: {  	_ =	shalt  }
0x4e: {  	_ =	shalt  }
0x4f: {  	_ =	shalt  }
0x50: {  	_ =	shalt  }
0x51: {  	_ =	shalt  }
0x52: {  	_ =	shalt  }
0x53: {  	_ =	shalt  }
0x54: {  	_ =	shalt  }
0x55: {  	_ =	shalt  }
0x56: {  	_ =	shalt  }
0x57: {  	_ =	shalt  }
0x58: {  	_ =	shalt  }
0x59: {  	_ =	shalt  }
0x5a: {  	_ =	shalt  }
0x5b: {  	_ =	shalt  }
0x5c: {  	_ =	shalt  }
0x5d: {  	_ =	shalt  }
0x5e: {  	_ =	shalt  }
0x5f: {  	_ =	shalt  }
0x60: {  	_ =	shalt  }
0x61: {  	_ =	shalt  }
0x62: {  	_ =	shalt  }
0x63: {  	_ =	shalt  }
0x64: {  	_ =	shalt  }
0x65: {  	_ =	shalt  }
0x66: {  	_ =	shalt  }
0x67: {  	_ =	shalt  }
0x68: {  	_ =	shalt  }
0x69: {  	_ =	shalt  }
0x6a: {  	_ =	shalt  }
0x6b: {  	_ =	shalt  }
0x6c: {  	_ =	shalt  }
0x6d: {  	_ =	shalt  }
0x6e: {  	_ =	shalt  }
0x6f: {  	_ =	shalt  }
0x70: {  	_ =	shalt  }
0x71: {  	_ =	shalt  }
0x72: {  	_ =	shalt  }
0x73: {  	_ =	shalt  }
0x74: {  	_ =	shalt  }
0x75: {  	_ =	shalt  }
0x76: {  	_ =	shalt  }
0x77: {  	_ =	shalt  }
0x78: {  	_ =	shalt  }
0x79: {  	_ =	shalt  }
0x7a: {  	_ =	shalt  }
0x7b: {  	_ =	shalt  }
0x7c: {  	_ =	shalt  }
0x7d: {  	_ =	shalt  }
0x7e: {  	_ =	shalt  }
0x7f: {  	_ =	shalt  }
0x80: {  	_ =	shalt  }
0x81: {  	_ =	shalt  }
0x82: {  	_ =	shalt  }
0x83: {  	_ =	shalt  }
0x84: {  	_ =	shalt  }
0x85: {  	_ =	shalt  }
0x86: {  	_ =	shalt  }
0x87: {  	_ =	shalt  }
.Lfunc_end0:
.L_simem_size_0:
called_computation.1_lowered:
.L_overlay_start_0:
0x88: {  	s2 =	sld [smem:$0x3FD9]  }
0x89: {  	s3 =	sld [smem:$0x3FFE];
	_ =	sdelay $0x1  }
0x8a: {  	s1 =	srdreg.scid  }
0x8b: {  	s0 =	sand.u32 $0x1, s1  }
0x8c: {  	s16 =	sshll.u32 s0, $0xA;
	s2 =	sadd.s32 s3, s2  }
0x8d: {  	s2 =	sadd.s32 s2, s16  }
0x8e: {  	[smem:$0x3FBC] =	sst s2  }
0x8f: {  	_ = 	snop  }
0x90: {  	(tm) =	ssettm $0x1  }
0x91: {  	s17 =	sld [smem:$0x3FFB];
	_ =	sdelay $0x3  }
0x92: {  	_ =	strace s17  }
0x93: {  	s2 =	sld [smem:$0x3FFC];
	_ =	sdelay $0x3  }
0x94: {  	_ =	strace s2  }
0x95: {  	s2 =	sld [smem:$0x3FFD];
	_ =	sdelay $0x3  }
0x96: {  	_ =	strace s2  }
0x97: {  	_ =	strace $0x8FFFFFFF  }
0x98: {  	s18 =	sld [smem:$0x3FDB];
	_ =	sdelay $0x1  }
0x99: {  	s19 =	simm.s32 $_scs_section_size  }
0x9a: {  	s4 =	simm.s32 $_size__tile_overlayer_lowered;
	s5 =	simm.s32 $_tile_overlayer_lowered  }
0x9b: {  	s22 =	simm.s32 $0x1BFF;
	s21 =	sshll.u32 s5, $0x1;
	s2 =	sadd.s32 s19, s18  }
0x9c: {  	s6 =	simm.s32 $0x0;
	s20 =	sshll.u32 s4, $0x1;
	s4 =	sadd.s32 s21, s2  }
0x9d: {  	[timem:s6], [sflag:s22] =	dma.local [hbm:s4], s20  }
0x9e: {  	_ =	swait.ge [sflag:s22], s20  }
0x9f: {  	s3 =	ssub.s32 $0x0, s20;
	[sflag:s22] =	ssyncset.done $0x0  }
0xa0: {  	[sflag:s22] =	ssyncadd.s32 s3;
	_ =	sdelay $0x1  }
0xa1: {  	s23 =	simm.s32 $0x1B8B  }
0xa2: {  	_ =	swait.ge [sflag:s23], $0x1  }
0xa3: {  	[sflag:s23] =	ssyncset.done $0x0  }
0xa4: {  	s25 =	simm.s32 $0x1B8E;
	s24 =	sld [smem:$0x3FFE];
	[sflag:s23] =	ssyncadd.s32 $0xFFFFFFFF  }
0xa5: {  	s26 =	simm.s32 $execute0_lowered;
	[smem:$0x3FD2] =	sst s25  }
0xa6: {  	s4 =	sshll.u32 s26, $0x1;
	_ =	strace $0x80000049;
	[dreg:$0x1] =	wrdreg $0xFFFFFFFF  }
0xa7: {  	s28 =	simm.s32 $_size_execute0_lowered;
	s2 =	sadd.s32 s2, s4;
	[dreg:$0x0] =	wrdreg $0x0  }
0xa8: {  	s4 =	sshll.u32 s28, $0x1;
	[dreg:$0x2] =	wrdreg s2  }
0xa9: {  	[dreg:$0x3] =	wrdreg s4  }
0xaa: {  	[dreg:$0x4] =	wrdreg $0xC0  }
0xab: {  	_ =	task [dreg:s6], $0x5FFFF  }
0xac: {  	[dreg:$0x1] =	wrdreg $0xFFFFFFFF  }
0xad: {  	[dreg:$0x0] =	wrdreg $0x60  }
0xae: {  	[dreg:$0x2] =	wrdreg s24  }
0xaf: {  	[dreg:$0x3] =	wrdreg $0x10E200  }
0xb0: {  	[dreg:$0x4] =	wrdreg $0x9  }
0xb1: {  	_ =	task.clear_ibuf [dreg:s6], $0x5FFFF;
	_ =	strace $0x90000049  }
0xb2: {  	s29 =	simm.s32 $0x9;
	_ =	strace $0x8000004B  }
0xb3: {  	_ =	swait.ge [sflag:s29], $0x1  }
0xb4: {  	[sflag:s29] =	ssyncadd.s32 $0xFFFFFFFF  }
0xb5: {  	_ =	strace $0x9000004B  }
0xb6: {  	_ =	sfence  }
0xb7: {  	s30 =	sld [smem:$0x0];
	_ =	sdelay $0x2  }
0xb8: {  	s31 =	sshll.u32 s1, $0xD;
	s1 =	sshrl.u32 s1, $0x2  }
0xb9: {  	s3 =	sand.u32 $0x4000, s31;
	s1 =	sadd.s32 s1, s30  }
0xba: {  	s0 =	sor.u32 s3, s0;
	s1 =	sshll.u32 s1, $0x11  }
0xbb: {  	s0 =	sor.u32 s1, s0  }
0xbc: {  	s0 =	sadd.s32 $0x8F2B, s0  }
0xbd: {  	[sflag:s0] =	ssyncadd.remote.s32 $0x1  }
0xbe: {  	_ =	sfence.sel $0xFFFF  }
0xbf: {  	[dreg:$0x0] =	wrdreg $0xFFFFFFFF;
	(pc) =	sbr.abs _section_cstart, $3  }
0xc0: {  	[dreg:$0x1] =	wrdreg $0xFFFFFFFF  }
0xc1: {  	_ =	task.clear_ibuf [dreg:s6], $0x2FFFF;
	_ =	strace $0x9FFFFFFF  }
0xc2: {  	(tm) =	ssettm $0x7FFFFFFF  }
0xc3: {  	_ =	shalt  }
tec
execute0_lowered:
.L_overlay_start_1:
0x0: {  	(tag) =	ssettag $0x1  }
0x1: {  	s0 =	srdreg.scid;
	s1 =	rddreg [dreg:$0x0]  }
0x2: {  	s12 =	stileid.u32;
	s2 =	rddreg [dreg:$0x1]  }
0x3: {  	s15 =	simm.s32 $0xD;
	s17 =	simm.s32 $0x4E10;
	s28 =	simm.s32 $0xAE20  }
0x4: {  	s30 =	simm.s32 $0xCE20;
	s16 =	simm.s32 $0x2;
	s29 =	simm.s32 $0x5  }
0x5: {  	s31 =	simm.s32 $0x6;
	s0 =	sand.u32 $0x1, s0;
	s7 =	smul.u32 $0x9C00, s12  }
0x6: {  	s4 =	sadd.s32 $0x26600, s1;
	s11 =	sadd.s32 $0x61200, s1;
	s22 =	sadd.s32 $0x9C000, s2  }
0x7: {  	p0 =	sne.s32 s12, $0xF;
	s26 =	sshll.u32 s12, $0x6;
	s3 =	sshll.u32 s0, $0x4  }
0x8: {  	s9 =	ssub.s32 $0x2, s0;
	s0 =	smul.u32 $0x9C400, s0;
	s5 =	sor.u32 s12, s3  }
0x9: {  	s3 =	simm.s32 $0x0;
	s8 =	sshrl.u32 s7, $0x3;
	s10 =	sshrl.u32 s9, $0x1  }
0xa: {  	s20 =	sadd.s32 s7, s2;
	s12 =	simm.s32 $0x0;
	s6 =	smul.u32 $0x4E0, s5  }
0xb: {  	[smem:$0x7FF] =	sst s3;
	s5 =	sshll.u32 s5, $0x1;
	s8 =	sadd.s32 s8, s1  }
0xc: {  	s9 =	ssub.s32 s9, s10;
	s23 =	sadd.s32 s7, s0;
	s0 =	sshrl.u32 s0, $0x3  }
0xd: {  	s20 =	sshrl.u32 s20, $0x3;
	s7 =	simm.s32 $0x9;
	s10 =	simm.s32 $0xC  }
0xe: {  	_ =	strace $0x8000004A;
	s5 =	sadd.s32 s5, s1;
	s21 =	sadd.s32 $0x4D800, s8  }
0xf: {  	[dreg:$0x8] =	wrdreg s22;
	s24 =	sshrl.u32 s23, $0x3;
	s0 =	sadd.s32 s11, s0  }
0x10: {  	s25 =	smax.u32 s9, $0x1;
	s22 =	simm.s32 $0x4E20;
	s23 =	simm.s32 $0x6E20  }
0x11: {  	s8 =	simm.s32 $0xA;
	s9 =	simm.s32 $0xB;
	[dreg:$0x7] =	wrdreg s21  }
0x12: {  	s6 =	sadd.s32 s6, s1;
	s19 =	sadd.s32 $0x26400, s5;
	[dreg:$0xc] =	wrdreg s25  }
0x13: {  	s5 =	sadd.s32 $0x17200, s5;
	s1 =	sadd.s32 $0x61000, s1;
	[dreg:$0x5] =	wrdreg s19  }
0x14: {  	s0 =	sadd.s32 $0x13800, s0;
	s21 =	simm.s32 $0x80;
	[dreg:$0x6] =	wrdreg s5  }
0x15: {  	s25 =	simm.s32 $0x8E20;
	s18 =	sadd.s32 $0x3A00, s6;
	[dreg:$0x9] =	wrdreg s1  }
0x16: {  	s6 =	sadd.s32 $0xD600, s6;
	s1 =	sadd.s32 s11, s24;
	[dreg:$0xb] =	wrdreg s0  }
0x17: {  	s19 =	sor.u32 $0x1C0D, s26;
	s0 =	simm.s32 $0x1;
	[dreg:$0x3] =	wrdreg s18  }
0x18: {  	s24 =	simm.s32 $0x3;
	s26 =	simm.s32 $0x4;
	[dreg:$0x4] =	wrdreg s6  }
0x19: {  	s5 =	simm.s32 $0x7;
	s11 =	simm.s32 $0x10;
	[dreg:$0xa] =	wrdreg s1  }
0x1a: {  	s18 =	simm.s32 $0x4E00;
	s1 =	simm.s32 $0xEE20;
	s6 =	simm.s32 $0x8  }
.LBB2_1:
0x1b: {  	s13 =	rddreg [dreg:$0x3]  }
0x1c: {  	[tilespmem:s3], [sflag:$0xD] =	stream.linear.gather [hbm4b:s13+s3], $0x2700, $0x38;
	[tilespmem:$0x1AA60] =	vst v63  }
0x1d: {  	_ =	swait.ge [sflag:s15], $0x2700  }
0x1e: {  	[sflag:s15] =	ssyncset.done $0x0  }
0x1f: {  	s14 =	simm.s32 $0x2700;
	s13 =	rddreg [dreg:$0x4];
	[sflag:s15] =	ssyncadd.s32 $0xFFFFD900  }
0x20: {  	[tilespmem:s14], [sflag:$0xD] =	stream.linear.gather [hbm4b:s13+s3], $0x2700, $0x38;
	[tilespmem:$0x1AA60] =	vst v63  }
0x21: {  	_ =	swait.ge [sflag:s15], $0x2700  }
0x22: {  	[sflag:s15] =	ssyncset.done $0x0  }
0x23: {  	s14 =	rddreg [dreg:$0x5];
	[sflag:s15] =	ssyncadd.s32 $0xFFFFD900  }
0x24: {  	[tilespmem:s18], [sflag:$0xD] =	stream.linear.gather [hbm4b:s14+s3], $0x10, $0x38;
	[tilespmem:$0x1AA60] =	vst v63  }
0x25: {  	_ =	swait.ge [sflag:s15], $0x10  }
0x26: {  	[sflag:s15] =	ssyncset.done $0x0  }
0x27: {  	s14 =	rddreg [dreg:$0x6];
	[sflag:s15] =	ssyncadd.s32 $0xFFFFFFF0  }
0x28: {  	[tilespmem:s17], [sflag:$0xD] =	stream.linear.gather [hbm4b:s14+s3], $0x10, $0x38;
	[tilespmem:$0x1AA60] =	vst v63  }
0x29: {  	_ =	swait.ge [sflag:s15], $0x10  }
0x2a: {  	[sflag:s15] =	ssyncset.done $0x0  }
0x2b: {  	s17 =	rddreg [dreg:$0x7];
	[sflag:s15] =	ssyncadd.s32 $0xFFFFFFF0  }
0x2c: {  	[spmem:s20], [sflag:s19] =	dma.local [hbm:s17], $0x1380  }
0x2d: {  	_ =	swait.ge [sflag:s15], $0x1380  }
0x2e: {  	[sflag:s15] =	ssyncset.done $0x0;
	s13 =	rddreg [dreg:$0x8]  }
0x2f: {  	[sflag:s15] =	ssyncadd.s32 $0xFFFFEC80;
	s17 =	sshrl.u32 @!p0 s13, $0x3;
	s13 =	rddreg [dreg:$0x9]  }
0x30: {  	[spmem:s17], [sflag:s19] =	dma.local @!p0 [hbm:s13], $0x80  }
0x31: {  	s13 =	simm.s32 @!p0 $0xD  }
0x32: {  	_ =	swait.ge @!p0 [sflag:s13], $0x80  }
0x33: {  	[sflag:s13] =	ssyncset.done @!p0 $0x0  }
0x34: {  	[sflag:s13] =	ssyncadd.s32 @!p0 $0xFFFFFF80  }
0x35: {  	[bflag:$0x0] =	sbarrier.arrive $0xFFFF  }
0x36: {  	[tilespmem:s22], [sflag:$0x1] =	stream.indirect.gather [hbm4b:s4+s21], $0x40, s3, s21, $0xb8;
	[tilespmem:$0x1AA60] =	vst v63  }
0x37: {  	_ = 	snop  }
0x38: {  	[tilespmem:s23], [sflag:$0x2] =	stream.indirect.gather [hbm4b:s4+s21], $0x40, s21, s21, $0xb8;
	[tilespmem:$0x1AA60] =	vst v63  }
0x39: {  	s18 =	simm.s32 $0x100  }
0x3a: {  	[tilespmem:s25], [sflag:$0x3] =	stream.indirect.gather [hbm4b:s4+s21], $0x40, s18, s21, $0xb8;
	[tilespmem:$0x1AA60] =	vst v63  }
0x3b: {  	s14 =	simm.s32 $0x180  }
0x3c: {  	[tilespmem:s28], [sflag:$0x4] =	stream.indirect.gather [hbm4b:s4+s21], $0x40, s14, s21, $0xb8;
	[tilespmem:$0x1AA60] =	vst v63  }
0x3d: {  	s18 =	simm.s32 $0x200  }
0x3e: {  	[tilespmem:s30], [sflag:$0x5] =	stream.indirect.gather [hbm4b:s4+s21], $0x40, s18, s21, $0xb8;
	[tilespmem:$0x1AA60] =	vst v63  }
0x3f: {  	s14 =	simm.s32 $0x280  }
0x40: {  	[tilespmem:s1], [sflag:$0x6] =	stream.indirect.gather [hbm4b:s4+s21], $0x40, s14, s21, $0xb8;
	[tilespmem:$0x1AA60] =	vst v63  }
0x41: {  	_ =	swait.ge [sflag:s0], $0x2000  }
0x42: {  	[sflag:s0] =	ssyncset.done $0x0  }
0x43: {  	s18 =	simm.s32 $0x2700;
	[sflag:s0] =	ssyncadd.s32 $0xFFFFE000  }
0x44: {  	[spmem:s2] =	stream.indirect.scatter.add.f32 [tilespmem:s22], [sflag:$0x7], $0x40, s18, s21, $0xb8;
	[tilespmem:$0x1AA60] =	vst v63  }
0x45: {  	_ =	swait.ge [sflag:s16], $0x2000  }
0x46: {  	[sflag:s16] =	ssyncset.done $0x0  }
0x47: {  	s14 =	simm.s32 $0x2780;
	[sflag:s16] =	ssyncadd.s32 $0xFFFFE000  }
0x48: {  	[spmem:s2] =	stream.indirect.scatter.add.f32 [tilespmem:s23], [sflag:$0x8], $0x40, s14, s21, $0xb8;
	[tilespmem:$0x1AA60] =	vst v63  }
0x49: {  	_ =	swait.ge [sflag:s24], $0x2000  }
0x4a: {  	[sflag:s24] =	ssyncset.done $0x0  }
0x4b: {  	s18 =	simm.s32 $0x2800;
	[sflag:s24] =	ssyncadd.s32 $0xFFFFE000  }
0x4c: {  	[spmem:s2] =	stream.indirect.scatter.add.f32 [tilespmem:s25], [sflag:$0x9], $0x40, s18, s21, $0xb8;
	[tilespmem:$0x1AA60] =	vst v63  }
0x4d: {  	_ =	swait.ge [sflag:s26], $0x2000  }
0x4e: {  	[sflag:s26] =	ssyncset.done $0x0  }
0x4f: {  	s14 =	simm.s32 $0x2880;
	[sflag:s26] =	ssyncadd.s32 $0xFFFFE000  }
0x50: {  	[spmem:s2] =	stream.indirect.scatter.add.f32 [tilespmem:s28], [sflag:$0xA], $0x40, s14, s21, $0xb8;
	[tilespmem:$0x1AA60] =	vst v63  }
0x51: {  	_ =	swait.ge [sflag:s29], $0x2000  }
0x52: {  	[sflag:s29] =	ssyncset.done $0x0  }
0x53: {  	s18 =	simm.s32 $0x2900;
	[sflag:s29] =	ssyncadd.s32 $0xFFFFE000  }
0x54: {  	[spmem:s2] =	stream.indirect.scatter.add.f32 [tilespmem:s30], [sflag:$0xB], $0x40, s18, s21, $0xb8;
	[tilespmem:$0x1AA60] =	vst v63  }
0x55: {  	_ =	swait.ge [sflag:s31], $0x2000  }
0x56: {  	[sflag:s31] =	ssyncset.done $0x0  }
0x57: {  	s14 =	simm.s32 $0x2980;
	[sflag:s31] =	ssyncadd.s32 $0xFFFFE000  }
0x58: {  	[spmem:s2] =	stream.indirect.scatter.add.f32 [tilespmem:s1], [sflag:$0xC], $0x40, s14, s21, $0xb8;
	[tilespmem:$0x1AA60] =	vst v63  }
0x59: {  	_ =	swait.ge [sflag:s5], $0x2000  }
0x5a: {  	[sflag:s5] =	ssyncset.done $0x0  }
0x5b: {  	s18 =	simm.s32 $0x300;
	[sflag:s5] =	ssyncadd.s32 $0xFFFFE000  }
0x5c: {  	[tilespmem:s22], [sflag:$0x1] =	stream.indirect.gather [hbm4b:s4+s21], $0x40, s18, s21, $0xb8;
	[tilespmem:$0x1AA60] =	vst v63  }
0x5d: {  	_ =	swait.ge [sflag:s6], $0x2000  }
0x5e: {  	[sflag:s6] =	ssyncset.done $0x0  }
0x5f: {  	s14 =	simm.s32 $0x380;
	[sflag:s6] =	ssyncadd.s32 $0xFFFFE000  }
0x60: {  	[tilespmem:s23], [sflag:$0x2] =	stream.indirect.gather [hbm4b:s4+s21], $0x40, s14, s21, $0xb8;
	[tilespmem:$0x1AA60] =	vst v63  }
0x61: {  	_ =	swait.ge [sflag:s7], $0x2000  }
0x62: {  	[sflag:s7] =	ssyncset.done $0x0  }
0x63: {  	s18 =	simm.s32 $0x400;
	[sflag:s7] =	ssyncadd.s32 $0xFFFFE000  }
0x64: {  	[tilespmem:s25], [sflag:$0x3] =	stream.indirect.gather [hbm4b:s4+s21], $0x40, s18, s21, $0xb8;
	[tilespmem:$0x1AA60] =	vst v63  }
0x65: {  	_ =	swait.ge [sflag:s8], $0x2000  }
0x66: {  	[sflag:s8] =	ssyncset.done $0x0  }
0x67: {  	s14 =	simm.s32 $0x480;
	[sflag:s8] =	ssyncadd.s32 $0xFFFFE000  }
0x68: {  	[tilespmem:s28], [sflag:$0x4] =	stream.indirect.gather [hbm4b:s4+s21], $0x40, s14, s21, $0xb8;
	[tilespmem:$0x1AA60] =	vst v63  }
0x69: {  	_ =	swait.ge [sflag:s9], $0x2000  }
0x6a: {  	[sflag:s9] =	ssyncset.done $0x0  }
0x6b: {  	s18 =	simm.s32 $0x500;
	[sflag:s9] =	ssyncadd.s32 $0xFFFFE000  }
0x6c: {  	[tilespmem:s30], [sflag:$0x5] =	stream.indirect.gather [hbm4b:s4+s21], $0x40, s18, s21, $0xb8;
	[tilespmem:$0x1AA60] =	vst v63  }
0x6d: {  	_ =	swait.ge [sflag:s10], $0x2000  }
0x6e: {  	[sflag:s10] =	ssyncset.done $0x0  }
0x6f: {  	s13 =	simm.s32 $0xC00;
	s18 =	simm.s32 $0x580;
	[sflag:s10] =	ssyncadd.s32 $0xFFFFE000  }
.LBB2_2:
0x70: {  	[tilespmem:s1], [sflag:$0x6] =	stream.indirect.gather [hbm4b:s4+s21], $0x40, s18, s21, $0xb8;
	[tilespmem:$0x1AA60] =	vst v63  }
0x71: {  	s18 =	smov.u32 s13  }
0x72: {  	p1 =	sne.s32 s13, $0x8400;
	s13 =	sadd.s32 $0xC00, s13;
	_ =	swait.ge [sflag:s0], $0x2000  }
0x73: {  	s18 =	sshra.s32 s18, $0x2;
	[sflag:s0] =	ssyncset.done $0x0  }
0x74: {  	s14 =	sadd.s32 $0x2700, s18;
	[sflag:s0] =	ssyncadd.s32 $0xFFFFE000  }
0x75: {  	[spmem:s2] =	stream.indirect.scatter.add.f32 [tilespmem:s22], [sflag:$0x7], $0x40, s14, s21, $0xb8;
	[tilespmem:$0x1AA60] =	vst v63  }
0x76: {  	_ =	swait.ge [sflag:s16], $0x2000  }
0x77: {  	[sflag:s16] =	ssyncset.done $0x0  }
0x78: {  	s14 =	sadd.s32 $0x2780, s18;
	[sflag:s16] =	ssyncadd.s32 $0xFFFFE000  }
0x79: {  	[spmem:s2] =	stream.indirect.scatter.add.f32 [tilespmem:s23], [sflag:$0x8], $0x40, s14, s21, $0xb8;
	[tilespmem:$0x1AA60] =	vst v63  }
0x7a: {  	_ =	swait.ge [sflag:s24], $0x2000  }
0x7b: {  	[sflag:s24] =	ssyncset.done $0x0  }
0x7c: {  	s14 =	sadd.s32 $0x2800, s18;
	[sflag:s24] =	ssyncadd.s32 $0xFFFFE000  }
0x7d: {  	[spmem:s2] =	stream.indirect.scatter.add.f32 [tilespmem:s25], [sflag:$0x9], $0x40, s14, s21, $0xb8;
	[tilespmem:$0x1AA60] =	vst v63  }
0x7e: {  	_ =	swait.ge [sflag:s26], $0x2000  }
0x7f: {  	[sflag:s26] =	ssyncset.done $0x0  }
0x80: {  	s14 =	sadd.s32 $0x2880, s18;
	[sflag:s26] =	ssyncadd.s32 $0xFFFFE000  }
0x81: {  	[spmem:s2] =	stream.indirect.scatter.add.f32 [tilespmem:s28], [sflag:$0xA], $0x40, s14, s21, $0xb8;
	[tilespmem:$0x1AA60] =	vst v63  }
0x82: {  	_ =	swait.ge [sflag:s29], $0x2000  }
0x83: {  	[sflag:s29] =	ssyncset.done $0x0  }
0x84: {  	s14 =	sadd.s32 $0x2900, s18;
	[sflag:s29] =	ssyncadd.s32 $0xFFFFE000  }
0x85: {  	[spmem:s2] =	stream.indirect.scatter.add.f32 [tilespmem:s30], [sflag:$0xB], $0x40, s14, s21, $0xb8;
	[tilespmem:$0x1AA60] =	vst v63  }
0x86: {  	_ =	swait.ge [sflag:s31], $0x2000  }
0x87: {  	[sflag:s31] =	ssyncset.done $0x0  }
0x88: {  	s14 =	sadd.s32 $0x2980, s18;
	[sflag:s31] =	ssyncadd.s32 $0xFFFFE000  }
0x89: {  	[spmem:s2] =	stream.indirect.scatter.add.f32 [tilespmem:s1], [sflag:$0xC], $0x40, s14, s21, $0xb8;
	[tilespmem:$0x1AA60] =	vst v63  }
0x8a: {  	_ =	swait.ge [sflag:s5], $0x2000  }
0x8b: {  	[sflag:s5] =	ssyncset.done $0x0  }
0x8c: {  	s14 =	sadd.s32 $0x300, s18;
	[sflag:s5] =	ssyncadd.s32 $0xFFFFE000  }
0x8d: {  	[tilespmem:s22], [sflag:$0x1] =	stream.indirect.gather [hbm4b:s4+s21], $0x40, s14, s21, $0xb8;
	[tilespmem:$0x1AA60] =	vst v63  }
0x8e: {  	_ =	swait.ge [sflag:s6], $0x2000  }
0x8f: {  	[sflag:s6] =	ssyncset.done $0x0  }
0x90: {  	s14 =	sadd.s32 $0x380, s18;
	[sflag:s6] =	ssyncadd.s32 $0xFFFFE000  }
0x91: {  	[tilespmem:s23], [sflag:$0x2] =	stream.indirect.gather [hbm4b:s4+s21], $0x40, s14, s21, $0xb8;
	[tilespmem:$0x1AA60] =	vst v63  }
0x92: {  	_ =	swait.ge [sflag:s7], $0x2000  }
0x93: {  	[sflag:s7] =	ssyncset.done $0x0  }
0x94: {  	s14 =	sadd.s32 $0x400, s18;
	[sflag:s7] =	ssyncadd.s32 $0xFFFFE000  }
0x95: {  	[tilespmem:s25], [sflag:$0x3] =	stream.indirect.gather [hbm4b:s4+s21], $0x40, s14, s21, $0xb8;
	[tilespmem:$0x1AA60] =	vst v63  }
0x96: {  	_ =	swait.ge [sflag:s8], $0x2000  }
0x97: {  	[sflag:s8] =	ssyncset.done $0x0  }
0x98: {  	s14 =	sadd.s32 $0x480, s18;
	[sflag:s8] =	ssyncadd.s32 $0xFFFFE000  }
0x99: {  	[tilespmem:s28], [sflag:$0x4] =	stream.indirect.gather [hbm4b:s4+s21], $0x40, s14, s21, $0xb8;
	[tilespmem:$0x1AA60] =	vst v63  }
0x9a: {  	_ =	swait.ge [sflag:s9], $0x2000  }
0x9b: {  	[sflag:s9] =	ssyncset.done $0x0  }
.Ltmp0:
0x9c: {  	s14 =	sadd.s32 $0x500, s18;
	[sflag:s9] =	ssyncadd.s32 $0xFFFFE000;
	(pc) =	sbr.rel @p1 .LBB2_2-.Ltmp0, $4  }
0x9d: {  	[tilespmem:s30], [sflag:$0x5] =	stream.indirect.gather [hbm4b:s4+s21], $0x40, s14, s21, $0xb8;
	[tilespmem:$0x1AA60] =	vst v63  }
0x9e: {  	_ =	swait.ge [sflag:s10], $0x2000  }
0x9f: {  	[sflag:s10] =	ssyncset.done $0x0  }
0xa0: {  	s18 =	sadd.s32 $0x580, s18;
	[sflag:s10] =	ssyncadd.s32 $0xFFFFE000  }
0xa1: {  	[tilespmem:s1], [sflag:$0x6] =	stream.indirect.gather [hbm4b:s4+s21], $0x40, s18, s21, $0xb8;
	[tilespmem:$0x1AA60] =	vst v63  }
0xa2: {  	_ =	swait.ge [sflag:s0], $0x2000  }
0xa3: {  	[sflag:s0] =	ssyncset.done $0x0  }
0xa4: {  	s13 =	simm.s32 $0x4B00;
	[sflag:s0] =	ssyncadd.s32 $0xFFFFE000  }
0xa5: {  	[spmem:s2] =	stream.indirect.scatter.add.f32 [tilespmem:s22], [sflag:$0x7], $0x40, s13, s21, $0xb8;
	[tilespmem:$0x1AA60] =	vst v63  }
0xa6: {  	_ =	swait.ge [sflag:s16], $0x2000  }
0xa7: {  	[sflag:s16] =	ssyncset.done $0x0  }
0xa8: {  	s18 =	simm.s32 $0x4B80;
	[sflag:s16] =	ssyncadd.s32 $0xFFFFE000  }
0xa9: {  	[spmem:s2] =	stream.indirect.scatter.add.f32 [tilespmem:s23], [sflag:$0x8], $0x40, s18, s21, $0xb8;
	[tilespmem:$0x1AA60] =	vst v63  }
0xaa: {  	_ =	swait.ge [sflag:s24], $0x2000  }
0xab: {  	[sflag:s24] =	ssyncset.done $0x0  }
0xac: {  	s14 =	simm.s32 $0x4C00;
	[sflag:s24] =	ssyncadd.s32 $0xFFFFE000  }
0xad: {  	[spmem:s2] =	stream.indirect.scatter.add.f32 [tilespmem:s25], [sflag:$0x9], $0x40, s14, s21, $0xb8;
	[tilespmem:$0x1AA60] =	vst v63  }
0xae: {  	_ =	swait.ge [sflag:s26], $0x2000  }
0xaf: {  	[sflag:s26] =	ssyncset.done $0x0  }
0xb0: {  	s18 =	simm.s32 $0x4C80;
	[sflag:s26] =	ssyncadd.s32 $0xFFFFE000  }
0xb1: {  	[spmem:s2] =	stream.indirect.scatter.add.f32 [tilespmem:s28], [sflag:$0xA], $0x40, s18, s21, $0xb8;
	[tilespmem:$0x1AA60] =	vst v63  }
0xb2: {  	_ =	swait.ge [sflag:s29], $0x2000  }
0xb3: {  	[sflag:s29] =	ssyncset.done $0x0  }
0xb4: {  	s14 =	simm.s32 $0x4D00;
	[sflag:s29] =	ssyncadd.s32 $0xFFFFE000  }
0xb5: {  	[spmem:s2] =	stream.indirect.scatter.add.f32 [tilespmem:s30], [sflag:$0xB], $0x40, s14, s21, $0xb8;
	[tilespmem:$0x1AA60] =	vst v63  }
0xb6: {  	_ =	swait.ge [sflag:s31], $0x2000  }
0xb7: {  	[sflag:s31] =	ssyncset.done $0x0  }
0xb8: {  	s18 =	simm.s32 $0x4D80;
	[sflag:s31] =	ssyncadd.s32 $0xFFFFE000  }
0xb9: {  	[spmem:s2] =	stream.indirect.scatter.add.f32 [tilespmem:s1], [sflag:$0xC], $0x40, s18, s21, $0xb8;
	[tilespmem:$0x1AA60] =	vst v63  }
0xba: {  	_ =	swait.ge [sflag:s5], $0x2000  }
0xbb: {  	[sflag:s5] =	ssyncset.done $0x0  }
0xbc: {  	[sflag:s5] =	ssyncadd.s32 $0xFFFFE000  }
0xbd: {  	_ =	swait.ge [sflag:s6], $0x2000  }
0xbe: {  	[sflag:s6] =	ssyncset.done $0x0  }
0xbf: {  	[sflag:s6] =	ssyncadd.s32 $0xFFFFE000  }
0xc0: {  	_ =	swait.ge [sflag:s7], $0x2000  }
0xc1: {  	[sflag:s7] =	ssyncset.done $0x0  }
0xc2: {  	[sflag:s7] =	ssyncadd.s32 $0xFFFFE000  }
0xc3: {  	_ =	swait.ge [sflag:s8], $0x2000  }
0xc4: {  	[sflag:s8] =	ssyncset.done $0x0  }
0xc5: {  	[sflag:s8] =	ssyncadd.s32 $0xFFFFE000  }
0xc6: {  	_ =	swait.ge [sflag:s9], $0x2000  }
0xc7: {  	[sflag:s9] =	ssyncset.done $0x0  }
0xc8: {  	[sflag:s9] =	ssyncadd.s32 $0xFFFFE000  }
0xc9: {  	_ =	swait.ge [sflag:s10], $0x2000  }
0xca: {  	[sflag:s10] =	ssyncset.done $0x0  }
0xcb: {  	s18 =	simm.s32 $0x4E00;
	[sflag:s10] =	ssyncadd.s32 $0xFFFFE000  }
0xcc: {  	[tilespmem:s22], [sflag:$0xD] =	stream.indirect.gather [hbm4b:s4+s11], $0x40, s18, s11, $0xb8;
	[tilespmem:$0x1AA60] =	vst v63  }
0xcd: {  	_ =	swait.ge [sflag:s15], $0x400  }
0xce: {  	[sflag:s15] =	ssyncset.done $0x0  }
0xcf: {  	s14 =	simm.s32 $0x4E10;
	[sflag:s15] =	ssyncadd.s32 $0xFFFFFC00  }
0xd0: {  	[spmem:s2] =	stream.indirect.scatter.add.f32 [tilespmem:s22], [sflag:$0xD], $0x40, s14, s11, $0xb8;
	[tilespmem:$0x1AA60] =	vst v63  }
0xd1: {  	_ =	swait.ge [sflag:s15], $0x400  }
0xd2: {  	[sflag:s15] =	ssyncset.done $0x0  }
0xd3: {  	[sflag:s15] =	ssyncadd.s32 $0xFFFFFC00  }
0xd4: {  	[bflag:$0x0] =	sbarrier.arrive $0xFFFF  }
0xd5: {  	s14 =	rddreg [dreg:$0xa]  }
0xd6: {  	[hbm:s14], [sflag:s19] =	dma.local [spmem:s20], $0x1380  }
0xd7: {  	_ =	swait.ge [sflag:s15], $0x1380  }
0xd8: {  	[sflag:s15] =	ssyncset.done $0x0  }
0xd9: {  	s13 =	rddreg [dreg:$0xb];
	[sflag:s15] =	ssyncadd.s32 $0xFFFFEC80  }
0xda: {  	[hbm:s13], [sflag:s19] =	dma.local @!p0 [spmem:s17], $0x80  }
0xdb: {  	s13 =	simm.s32 @!p0 $0xD  }
0xdc: {  	_ =	swait.ge @!p0 [sflag:s13], $0x80  }
0xdd: {  	s12 =	sadd.s32 $0x1, s12;
	s14 =	rddreg [dreg:$0xc]  }
0xde: {  	p1 =	sne.s32 s12, s14  }
.Ltmp1:
0xdf: {  	_ = 	snop;
	(pc) =	sbr.rel @p1 .LBB2_1-.Ltmp1, $3  }
0xe0: {  	_ =	sdelay $0x1  }
0xe1: {  	[sflag:s13] =	ssyncset.done @!p0 $0x0  }
0xe2: {  	s17 =	simm.s32 $0x4E10;
	[sflag:s13] =	ssyncadd.s32 @!p0 $0xFFFFFF80  }
0xe3: {  	_ =	sfence.sel $0x180000  }
0xe4: {  	[bflag:$0x0] =	sbarrier.arrive $0xFFFF  }
0xe5: {  	_ =	strace $0x9000004A  }
0xe6: {  	s0 =	stileid.u32;
	[bflag:$0x2] =	sbarrier.arrive $0xFFFF  }
0xe7: {  	p0 =	sne.s32 s0, $0x0;
	s0 =	rddreg [dreg:$0x2]  }
0xe8: {  	s0 =	sadd.s32 @!p0 $0x100000, s0  }
0xe9: {  	[sflag:s0] =	ssyncadd.tile.s32 @!p0 $0x1;
	_ =	shalt  }
.Lfunc_end2:
_tile_overlayer_lowered:
.L_overlay_start_2:
0xea: {  	(tag) =	ssettag $0x2  }
0xeb: {  	s0 =	rddreg [dreg:$0x0];
	s2 =	stileid.u32  }
0xec: {  	s1 =	rddreg [dreg:$0x1];
	p0 =	sne.s32 s2, $0x0  }
0xed: {  	s3 =	rddreg [dreg:$0x2];
	[bflag:$0x3] =	sbarrier.arrive $0xFFFF;
	s2 =	simm.s32 @!p0 $0x1C0D  }
0xee: {  	[timem:s3], [sflag:s2] =	dma.local @!p0 [hbm:s0], s1  }
0xef: {  	s0 =	simm.s32 @!p0 $0xD  }
0xf0: {  	_ =	swait.ge @!p0 [sflag:s0], s1  }
0xf1: {  	s1 =	ssub.s32 @!p0 $0x0, s1;
	[sflag:s0] =	ssyncset.done @!p0 $0x0  }
0xf2: {  	[sflag:s0] =	ssyncadd.s32 @!p0 s1  }
0xf3: {  	[bflag:$0x3] =	sbarrier.arrive $0xFFFF  }
0xf4: {  	_ =	shalt  }

// kernel: kernel.15.cloned.1.call-start
scs
__scs_entry_jumppad:
0x0: {  	(pc) =	sbr.rel $0x88, $3  }
0x1: {  	(tag) =	ssettag $0x0;
	lr =	simm.s32 $0x1  }
0x2: {  	[smem:$0x3F95] =	sst lr;
	_ =	strace $0xD0000000  }
0x3: {  	_ = 	snop  }
0x4: {  	_ = 	snop  }
0x5: {  	_ = 	snop  }
0x6: {  	_ = 	snop  }
0x7: {  	_ = 	snop  }
__scs_overlays_trampoline_lowered:
0x8: {  	[smem:$0x3FA4] =	sst s0  }
0x9: {  	[smem:$0x3FA5] =	sst s1  }
0xa: {  	[smem:$0x3FA6] =	sst s2  }
0xb: {  	[smem:$0x3FA7] =	sst s3  }
0xc: {  	[smem:$0x3FA8] =	sst s4  }
0xd: {  	[smem:$0x3FA9] =	sst s5  }
0xe: {  	[smem:$0x3FAA] =	sst s6  }
0xf: {  	[smem:$0x3FAB] =	sst s7  }
0x10: {  	[smem:$0x3FAC] =	sst s8  }
0x11: {  	[smem:$0x3FAD] =	sst s9;
	s0 =	simm.s32 @!p0 $0x0  }
0x12: {  	s1 =	sld [smem:$0x3F93];
	s0 =	simm.s32 @p0 $0x1  }
0x13: {  	[smem:$0x3FAE] =	sst s0;
	s0 =	simm.s32 @!p1 $0x0  }
0x14: {  	s2 =	sld [smem:$0x3F92];
	s0 =	simm.s32 @p1 $0x1  }
0x15: {  	[smem:$0x3FAF] =	sst s0;
	s0 =	simm.s32 @!p2 $0x0  }
0x16: {  	s3 =	sld [smem:$0x3FDB];
	s0 =	simm.s32 @p2 $0x1  }
0x17: {  	s4 =	simm.s32 $0x1BF5;
	[smem:$0x3FB1] =	sst s0  }
0x18: {  	s0 =	sld [smem:$0x3F94];
	_ =	swait.ge [sflag:s4], $0x0  }
0x19: {  	s7 =	sld [smem:$0x3F95]  }
0x1a: {  	s8 =	sadd.s32 $0xFFFFE003, lr  }
0x1b: {  	s9 =	sadd.s32 $0xFFFFFEF7, lr;
	s5 =	simm.s32 $0xFFFFFFFF;
	p2 =	slt.u32 s8, $0xFFFFF086  }
0x1c: {  	p1 =	slt.u32 s9, $0xF7A;
	s5 =	simm.s32 @!p2 $0x0  }
0x1d: {  	s5 =	simm.s32 @p1 $0x1;
	p0 =	seq.s32 s7, s2  }
0x1e: {  	s7 =	smul.u32 @!p0 $0xF7A, s2;
	p2 =	seq.s32 @!p0 s5, $0x0  }
0x1f: {  	s9 =	smul.u32 $0xF7A, s1;
	s8 =	simm.s32 @!p0 $0x1BF5;
	p2 =	por !p2, p0  }
0x20: {  	[sflag:s8] =	ssyncset.s32 @!p0 $0xFFFFF086;
	s6 =	sadd.s32 @!p0 s3, s7;
	s7 =	simm.s32 @!p0 $0x108  }
0x21: {  	s3 =	sadd.s32 s3, s9;
	s6 =	sadd.s32 @!p0 $0x88, s6;
	s7 =	simm.s32 @p2 $0x1082  }
0x22: {  	[simem:s7], [sflag:s8] =	dma.local @!p0 [hbm:s6], $0xF7A  }
0x23: {  	s9 =	sor.u32 $0xD0000000, s2;
	s6 =	simm.s32 $0x108;
	_ =	swait.ge @!p0 [sflag:s8], $0x0  }
0x24: {  	s3 =	sadd.s32 $0x88, s3;
	s6 =	simm.s32 @!p1 $0x1082;
	[sflag:s4] =	ssyncset.s32 $0xFFFFF086  }
0x25: {  	[simem:s6], [sflag:s4] =	dma.local [hbm:s3], $0xF7A  }
0x26: {  	[smem:$0x3F95] =	sst s1;
	(tag) =	ssettag s2;
	_ =	strace s9  }
0x27: {  	s1 =	sld [smem:$0x3FA5]  }
0x28: {  	s2 =	sld [smem:$0x3FA6]  }
0x29: {  	s4 =	sld [smem:$0x3FA8]  }
0x2a: {  	p0 =	seq.s32 s5, $0x0;
	s5 =	sld [smem:$0x3FA9]  }
0x2b: {  	s6 =	sld [smem:$0x3FAA]  }
0x2c: {  	s7 =	sld [smem:$0x3FAB]  }
0x2d: {  	s3 =	simm.s32 $0x108;
	s8 =	sld [smem:$0x3FAC]  }
0x2e: {  	s3 =	simm.s32 @!p0 $0x1082;
	s9 =	sld [smem:$0x3FAD]  }
0x2f: {  	lr =	sadd.s32 s0, s3;
	s0 =	sld [smem:$0x3FA4]  }
0x30: {  	s3 =	sld [smem:$0x3FA7]  }
0x31: {  	[smem:$0x3FB0] =	sst s10  }
0x32: {  	s10 =	sld [smem:$0x3FAE];
	_ =	sdelay $0x3  }
0x33: {  	p0 =	seq.s32 s10, $0x1;
	s10 =	sld [smem:$0x3FB0];
	_ =	sdelay $0x3  }
0x34: {  	[smem:$0x3FB0] =	sst s10  }
0x35: {  	s10 =	sld [smem:$0x3FAF];
	_ =	sdelay $0x3  }
0x36: {  	p1 =	seq.s32 s10, $0x1;
	s10 =	sld [smem:$0x3FB0];
	_ =	sdelay $0x3  }
0x37: {  	[smem:$0x3FB0] =	sst s10  }
0x38: {  	s10 =	sld [smem:$0x3FB1]  }
0x39: {  	_ = 	snop;
	(pc) =	sbr.ind lr, $3  }
0x3a: {  	_ = 	snop  }
0x3b: {  	_ = 	snop  }
0x3c: {  	p2 =	seq.s32 s10, $0x1;
	s10 =	sld [smem:$0x3FB0]  }
0x3d: {  	_ =	shalt  }
0x3e: {  	_ =	shalt  }
0x3f: {  	_ =	shalt  }
0x40: {  	_ =	shalt  }
0x41: {  	_ =	shalt  }
0x42: {  	_ =	shalt  }
0x43: {  	_ =	shalt  }
0x44: {  	_ =	shalt  }
0x45: {  	_ =	shalt  }
0x46: {  	_ =	shalt  }
0x47: {  	_ =	shalt  }
0x48: {  	_ =	shalt  }
0x49: {  	_ =	shalt  }
0x4a: {  	_ =	shalt  }
0x4b: {  	_ =	shalt  }
0x4c: {  	_ =	shalt  }
0x4d: {  	_ =	shalt  }
0x4e: {  	_ =	shalt  }
0x4f: {  	_ =	shalt  }
0x50: {  	_ =	shalt  }
0x51: {  	_ =	shalt  }
0x52: {  	_ =	shalt  }
0x53: {  	_ =	shalt  }
0x54: {  	_ =	shalt  }
0x55: {  	_ =	shalt  }
0x56: {  	_ =	shalt  }
0x57: {  	_ =	shalt  }
0x58: {  	_ =	shalt  }
0x59: {  	_ =	shalt  }
0x5a: {  	_ =	shalt  }
0x5b: {  	_ =	shalt  }
0x5c: {  	_ =	shalt  }
0x5d: {  	_ =	shalt  }
0x5e: {  	_ =	shalt  }
0x5f: {  	_ =	shalt  }
0x60: {  	_ =	shalt  }
0x61: {  	_ =	shalt  }
0x62: {  	_ =	shalt  }
0x63: {  	_ =	shalt  }
0x64: {  	_ =	shalt  }
0x65: {  	_ =	shalt  }
0x66: {  	_ =	shalt  }
0x67: {  	_ =	shalt  }
0x68: {  	_ =	shalt  }
0x69: {  	_ =	shalt  }
0x6a: {  	_ =	shalt  }
0x6b: {  	_ =	shalt  }
0x6c: {  	_ =	shalt  }
0x6d: {  	_ =	shalt  }
0x6e: {  	_ =	shalt  }
0x6f: {  	_ =	shalt  }
0x70: {  	_ =	shalt  }
0x71: {  	_ =	shalt  }
0x72: {  	_ =	shalt  }
0x73: {  	_ =	shalt  }
0x74: {  	_ =	shalt  }
0x75: {  	_ =	shalt  }
0x76: {  	_ =	shalt  }
0x77: {  	_ =	shalt  }
0x78: {  	_ =	shalt  }
0x79: {  	_ =	shalt  }
0x7a: {  	_ =	shalt  }
0x7b: {  	_ =	shalt  }
0x7c: {  	_ =	shalt  }
0x7d: {  	_ =	shalt  }
0x7e: {  	_ =	shalt  }
0x7f: {  	_ =	shalt  }
0x80: {  	_ =	shalt  }
0x81: {  	_ =	shalt  }
0x82: {  	_ =	shalt  }
0x83: {  	_ =	shalt  }
0x84: {  	_ =	shalt  }
0x85: {  	_ =	shalt  }
0x86: {  	_ =	shalt  }
0x87: {  	_ =	shalt  }
.Lfunc_end0:
.L_simem_size_0:
called_computation.2_lowered:
.L_overlay_start_0:
0x88: {  	s2 =	sld [smem:$0x3FD9]  }
0x89: {  	s3 =	sld [smem:$0x3FFE];
	_ =	sdelay $0x1  }
0x8a: {  	s1 =	srdreg.scid  }
0x8b: {  	s0 =	sand.u32 $0x1, s1  }
0x8c: {  	s16 =	sshll.u32 s0, $0xA;
	s2 =	sadd.s32 s3, s2  }
0x8d: {  	s2 =	sadd.s32 s2, s16  }
0x8e: {  	[smem:$0x3FBC] =	sst s2  }
0x8f: {  	_ = 	snop  }
0x90: {  	(tm) =	ssettm $0x1  }
0x91: {  	s17 =	sld [smem:$0x3FFB];
	_ =	sdelay $0x3  }
0x92: {  	_ =	strace s17  }
0x93: {  	s2 =	sld [smem:$0x3FFC];
	_ =	sdelay $0x3  }
0x94: {  	_ =	strace s2  }
0x95: {  	s2 =	sld [smem:$0x3FFD];
	_ =	sdelay $0x3  }
0x96: {  	_ =	strace s2  }
0x97: {  	_ =	strace $0x8FFFFFFF  }
0x98: {  	s18 =	sld [smem:$0x3FDB];
	_ =	sdelay $0x1  }
0x99: {  	s19 =	simm.s32 $_scs_section_size  }
0x9a: {  	s4 =	simm.s32 $_size__tile_overlayer_lowered;
	s5 =	simm.s32 $_tile_overlayer_lowered  }
0x9b: {  	s22 =	simm.s32 $0x1BFF;
	s21 =	sshll.u32 s5, $0x1;
	s2 =	sadd.s32 s19, s18  }
0x9c: {  	s6 =	simm.s32 $0x0;
	s20 =	sshll.u32 s4, $0x1;
	s4 =	sadd.s32 s21, s2  }
0x9d: {  	[timem:s6], [sflag:s22] =	dma.local [hbm:s4], s20  }
0x9e: {  	_ =	swait.ge [sflag:s22], s20  }
0x9f: {  	s3 =	ssub.s32 $0x0, s20;
	[sflag:s22] =	ssyncset.done $0x0  }
0xa0: {  	[sflag:s22] =	ssyncadd.s32 s3;
	_ =	sdelay $0x1  }
0xa1: {  	s23 =	simm.s32 $0x1B8B  }
0xa2: {  	_ =	swait.ge [sflag:s23], $0x1  }
0xa3: {  	[sflag:s23] =	ssyncset.done $0x0  }
0xa4: {  	s25 =	simm.s32 $0x1B8E;
	s24 =	sld [smem:$0x3FFE];
	[sflag:s23] =	ssyncadd.s32 $0xFFFFFFFF  }
0xa5: {  	s26 =	simm.s32 $execute0_lowered;
	[smem:$0x3FD2] =	sst s25  }
0xa6: {  	s4 =	sshll.u32 s26, $0x1;
	_ =	strace $0x8000004C;
	[dreg:$0x1] =	wrdreg $0xFFFFFFFF  }
0xa7: {  	s28 =	simm.s32 $_size_execute0_lowered;
	s2 =	sadd.s32 s2, s4;
	[dreg:$0x0] =	wrdreg $0x0  }
0xa8: {  	s4 =	sshll.u32 s28, $0x1;
	[dreg:$0x2] =	wrdreg s2  }
0xa9: {  	[dreg:$0x3] =	wrdreg s4  }
0xaa: {  	[dreg:$0x4] =	wrdreg $0xC0  }
0xab: {  	_ =	task [dreg:s6], $0x5FFFF  }
0xac: {  	[dreg:$0x1] =	wrdreg $0xFFFFFFFF  }
0xad: {  	[dreg:$0x0] =	wrdreg $0x60  }
0xae: {  	[dreg:$0x2] =	wrdreg s24  }
0xaf: {  	[dreg:$0x3] =	wrdreg $0x10E200  }
0xb0: {  	[dreg:$0x4] =	wrdreg $0x9  }
0xb1: {  	_ =	task.clear_ibuf [dreg:s6], $0x5FFFF;
	_ =	strace $0x9000004C  }
0xb2: {  	s29 =	simm.s32 $0x9;
	_ =	strace $0x8000004E  }
0xb3: {  	_ =	swait.ge [sflag:s29], $0x1  }
0xb4: {  	[sflag:s29] =	ssyncadd.s32 $0xFFFFFFFF  }
0xb5: {  	_ =	strace $0x9000004E  }
0xb6: {  	_ =	sfence  }
0xb7: {  	s30 =	sld [smem:$0x0];
	_ =	sdelay $0x2  }
0xb8: {  	s31 =	sshll.u32 s1, $0xD;
	s1 =	sshrl.u32 s1, $0x2  }
0xb9: {  	s3 =	sand.u32 $0x4000, s31;
	s1 =	sadd.s32 s1, s30  }
0xba: {  	s0 =	sor.u32 s3, s0;
	s1 =	sshll.u32 s1, $0x11  }
0xbb: {  	s0 =	sor.u32 s1, s0  }
0xbc: {  	s0 =	sadd.s32 $0x8F2B, s0  }
0xbd: {  	[sflag:s0] =	ssyncadd.remote.s32 $0x1  }
0xbe: {  	_ =	sfence.sel $0xFFFF  }
0xbf: {  	[dreg:$0x0] =	wrdreg $0xFFFFFFFF;
	(pc) =	sbr.abs _section_cstart, $3  }
0xc0: {  	[dreg:$0x1] =	wrdreg $0xFFFFFFFF  }
0xc1: {  	_ =	task.clear_ibuf [dreg:s6], $0x2FFFF;
	_ =	strace $0x9FFFFFFF  }
0xc2: {  	(tm) =	ssettm $0x7FFFFFFF  }
0xc3: {  	_ =	shalt  }
tec
execute0_lowered:
.L_overlay_start_1:
0x0: {  	(tag) =	ssettag $0x1  }
0x1: {  	s0 =	srdreg.scid;
	s1 =	rddreg [dreg:$0x0]  }
0x2: {  	s12 =	stileid.u32;
	s2 =	rddreg [dreg:$0x1]  }
0x3: {  	s15 =	simm.s32 $0xD;
	s17 =	simm.s32 $0x4E10;
	s28 =	simm.s32 $0xAE20  }
0x4: {  	s30 =	simm.s32 $0xCE20;
	s16 =	simm.s32 $0x2;
	s29 =	simm.s32 $0x5  }
0x5: {  	s31 =	simm.s32 $0x6;
	s0 =	sand.u32 $0x1, s0;
	s7 =	smul.u32 $0x9C00, s12  }
0x6: {  	s4 =	sadd.s32 $0x26600, s1;
	s11 =	sadd.s32 $0x61200, s1;
	s22 =	sadd.s32 $0x9C000, s2  }
0x7: {  	p0 =	sne.s32 s12, $0xF;
	s26 =	sshll.u32 s12, $0x6;
	s3 =	sshll.u32 s0, $0x4  }
0x8: {  	s9 =	ssub.s32 $0x2, s0;
	s0 =	smul.u32 $0x9C400, s0;
	s5 =	sor.u32 s12, s3  }
0x9: {  	s3 =	simm.s32 $0x0;
	s8 =	sshrl.u32 s7, $0x3;
	s10 =	sshrl.u32 s9, $0x1  }
0xa: {  	s20 =	sadd.s32 s7, s2;
	s12 =	simm.s32 $0x0;
	s6 =	smul.u32 $0x4E0, s5  }
0xb: {  	[smem:$0x7FF] =	sst s3;
	s5 =	sshll.u32 s5, $0x1;
	s8 =	sadd.s32 s8, s1  }
0xc: {  	s9 =	ssub.s32 s9, s10;
	s23 =	sadd.s32 s7, s0;
	s0 =	sshrl.u32 s0, $0x3  }
0xd: {  	s20 =	sshrl.u32 s20, $0x3;
	s7 =	simm.s32 $0x9;
	s10 =	simm.s32 $0xC  }
0xe: {  	_ =	strace $0x8000004D;
	s5 =	sadd.s32 s5, s1;
	s21 =	sadd.s32 $0x4D800, s8  }
0xf: {  	[dreg:$0x8] =	wrdreg s22;
	s24 =	sshrl.u32 s23, $0x3;
	s0 =	sadd.s32 s11, s0  }
0x10: {  	s25 =	smax.u32 s9, $0x1;
	s22 =	simm.s32 $0x4E20;
	s23 =	simm.s32 $0x6E20  }
0x11: {  	s8 =	simm.s32 $0xA;
	s9 =	simm.s32 $0xB;
	[dreg:$0x7] =	wrdreg s21  }
0x12: {  	s6 =	sadd.s32 s6, s1;
	s19 =	sadd.s32 $0x26400, s5;
	[dreg:$0xc] =	wrdreg s25  }
0x13: {  	s5 =	sadd.s32 $0x17200, s5;
	s1 =	sadd.s32 $0x61000, s1;
	[dreg:$0x5] =	wrdreg s19  }
0x14: {  	s0 =	sadd.s32 $0x13800, s0;
	s21 =	simm.s32 $0x80;
	[dreg:$0x6] =	wrdreg s5  }
0x15: {  	s25 =	simm.s32 $0x8E20;
	s18 =	sadd.s32 $0x3A00, s6;
	[dreg:$0x9] =	wrdreg s1  }
0x16: {  	s6 =	sadd.s32 $0xD600, s6;
	s1 =	sadd.s32 s11, s24;
	[dreg:$0xb] =	wrdreg s0  }
0x17: {  	s19 =	sor.u32 $0x1C0D, s26;
	s0 =	simm.s32 $0x1;
	[dreg:$0x3] =	wrdreg s18  }
0x18: {  	s24 =	simm.s32 $0x3;
	s26 =	simm.s32 $0x4;
	[dreg:$0x4] =	wrdreg s6  }
0x19: {  	s5 =	simm.s32 $0x7;
	s11 =	simm.s32 $0x10;
	[dreg:$0xa] =	wrdreg s1  }
0x1a: {  	s18 =	simm.s32 $0x4E00;
	s1 =	simm.s32 $0xEE20;
	s6 =	simm.s32 $0x8  }
.LBB2_1:
0x1b: {  	s13 =	rddreg [dreg:$0x3]  }
0x1c: {  	[tilespmem:s3], [sflag:$0xD] =	stream.linear.gather [hbm4b:s13+s3], $0x2700, $0x38;
	[tilespmem:$0x1AA60] =	vst v63  }
0x1d: {  	_ =	swait.ge [sflag:s15], $0x2700  }
0x1e: {  	[sflag:s15] =	ssyncset.done $0x0  }
0x1f: {  	s14 =	simm.s32 $0x2700;
	s13 =	rddreg [dreg:$0x4];
	[sflag:s15] =	ssyncadd.s32 $0xFFFFD900  }
0x20: {  	[tilespmem:s14], [sflag:$0xD] =	stream.linear.gather [hbm4b:s13+s3], $0x2700, $0x38;
	[tilespmem:$0x1AA60] =	vst v63  }
0x21: {  	_ =	swait.ge [sflag:s15], $0x2700  }
0x22: {  	[sflag:s15] =	ssyncset.done $0x0  }
0x23: {  	s14 =	rddreg [dreg:$0x5];
	[sflag:s15] =	ssyncadd.s32 $0xFFFFD900  }
0x24: {  	[tilespmem:s18], [sflag:$0xD] =	stream.linear.gather [hbm4b:s14+s3], $0x10, $0x38;
	[tilespmem:$0x1AA60] =	vst v63  }
0x25: {  	_ =	swait.ge [sflag:s15], $0x10  }
0x26: {  	[sflag:s15] =	ssyncset.done $0x0  }
0x27: {  	s14 =	rddreg [dreg:$0x6];
	[sflag:s15] =	ssyncadd.s32 $0xFFFFFFF0  }
0x28: {  	[tilespmem:s17], [sflag:$0xD] =	stream.linear.gather [hbm4b:s14+s3], $0x10, $0x38;
	[tilespmem:$0x1AA60] =	vst v63  }
0x29: {  	_ =	swait.ge [sflag:s15], $0x10  }
0x2a: {  	[sflag:s15] =	ssyncset.done $0x0  }
0x2b: {  	s17 =	rddreg [dreg:$0x7];
	[sflag:s15] =	ssyncadd.s32 $0xFFFFFFF0  }
0x2c: {  	[spmem:s20], [sflag:s19] =	dma.local [hbm:s17], $0x1380  }
0x2d: {  	_ =	swait.ge [sflag:s15], $0x1380  }
0x2e: {  	[sflag:s15] =	ssyncset.done $0x0;
	s13 =	rddreg [dreg:$0x8]  }
0x2f: {  	[sflag:s15] =	ssyncadd.s32 $0xFFFFEC80;
	s17 =	sshrl.u32 @!p0 s13, $0x3;
	s13 =	rddreg [dreg:$0x9]  }
0x30: {  	[spmem:s17], [sflag:s19] =	dma.local @!p0 [hbm:s13], $0x80  }
0x31: {  	s13 =	simm.s32 @!p0 $0xD  }
0x32: {  	_ =	swait.ge @!p0 [sflag:s13], $0x80  }
0x33: {  	[sflag:s13] =	ssyncset.done @!p0 $0x0  }
0x34: {  	[sflag:s13] =	ssyncadd.s32 @!p0 $0xFFFFFF80  }
0x35: {  	[bflag:$0x0] =	sbarrier.arrive $0xFFFF  }
0x36: {  	[tilespmem:s22], [sflag:$0x1] =	stream.indirect.gather [hbm4b:s4+s21], $0x40, s3, s21, $0xb8;
	[tilespmem:$0x1AA60] =	vst v63  }
0x37: {  	_ = 	snop  }
0x38: {  	[tilespmem:s23], [sflag:$0x2] =	stream.indirect.gather [hbm4b:s4+s21], $0x40, s21, s21, $0xb8;
	[tilespmem:$0x1AA60] =	vst v63  }
0x39: {  	s18 =	simm.s32 $0x100  }
0x3a: {  	[tilespmem:s25], [sflag:$0x3] =	stream.indirect.gather [hbm4b:s4+s21], $0x40, s18, s21, $0xb8;
	[tilespmem:$0x1AA60] =	vst v63  }
0x3b: {  	s14 =	simm.s32 $0x180  }
0x3c: {  	[tilespmem:s28], [sflag:$0x4] =	stream.indirect.gather [hbm4b:s4+s21], $0x40, s14, s21, $0xb8;
	[tilespmem:$0x1AA60] =	vst v63  }
0x3d: {  	s18 =	simm.s32 $0x200  }
0x3e: {  	[tilespmem:s30], [sflag:$0x5] =	stream.indirect.gather [hbm4b:s4+s21], $0x40, s18, s21, $0xb8;
	[tilespmem:$0x1AA60] =	vst v63  }
0x3f: {  	s14 =	simm.s32 $0x280  }
0x40: {  	[tilespmem:s1], [sflag:$0x6] =	stream.indirect.gather [hbm4b:s4+s21], $0x40, s14, s21, $0xb8;
	[tilespmem:$0x1AA60] =	vst v63  }
0x41: {  	_ =	swait.ge [sflag:s0], $0x2000  }
0x42: {  	[sflag:s0] =	ssyncset.done $0x0  }
0x43: {  	s18 =	simm.s32 $0x2700;
	[sflag:s0] =	ssyncadd.s32 $0xFFFFE000  }
0x44: {  	[spmem:s2] =	stream.indirect.scatter.add.f32 [tilespmem:s22], [sflag:$0x7], $0x40, s18, s21, $0xb8;
	[tilespmem:$0x1AA60] =	vst v63  }
0x45: {  	_ =	swait.ge [sflag:s16], $0x2000  }
0x46: {  	[sflag:s16] =	ssyncset.done $0x0  }
0x47: {  	s14 =	simm.s32 $0x2780;
	[sflag:s16] =	ssyncadd.s32 $0xFFFFE000  }
0x48: {  	[spmem:s2] =	stream.indirect.scatter.add.f32 [tilespmem:s23], [sflag:$0x8], $0x40, s14, s21, $0xb8;
	[tilespmem:$0x1AA60] =	vst v63  }
0x49: {  	_ =	swait.ge [sflag:s24], $0x2000  }
0x4a: {  	[sflag:s24] =	ssyncset.done $0x0  }
0x4b: {  	s18 =	simm.s32 $0x2800;
	[sflag:s24] =	ssyncadd.s32 $0xFFFFE000  }
0x4c: {  	[spmem:s2] =	stream.indirect.scatter.add.f32 [tilespmem:s25], [sflag:$0x9], $0x40, s18, s21, $0xb8;
	[tilespmem:$0x1AA60] =	vst v63  }
0x4d: {  	_ =	swait.ge [sflag:s26], $0x2000  }
0x4e: {  	[sflag:s26] =	ssyncset.done $0x0  }
0x4f: {  	s14 =	simm.s32 $0x2880;
	[sflag:s26] =	ssyncadd.s32 $0xFFFFE000  }
0x50: {  	[spmem:s2] =	stream.indirect.scatter.add.f32 [tilespmem:s28], [sflag:$0xA], $0x40, s14, s21, $0xb8;
	[tilespmem:$0x1AA60] =	vst v63  }
0x51: {  	_ =	swait.ge [sflag:s29], $0x2000  }
0x52: {  	[sflag:s29] =	ssyncset.done $0x0  }
0x53: {  	s18 =	simm.s32 $0x2900;
	[sflag:s29] =	ssyncadd.s32 $0xFFFFE000  }
0x54: {  	[spmem:s2] =	stream.indirect.scatter.add.f32 [tilespmem:s30], [sflag:$0xB], $0x40, s18, s21, $0xb8;
	[tilespmem:$0x1AA60] =	vst v63  }
0x55: {  	_ =	swait.ge [sflag:s31], $0x2000  }
0x56: {  	[sflag:s31] =	ssyncset.done $0x0  }
0x57: {  	s14 =	simm.s32 $0x2980;
	[sflag:s31] =	ssyncadd.s32 $0xFFFFE000  }
0x58: {  	[spmem:s2] =	stream.indirect.scatter.add.f32 [tilespmem:s1], [sflag:$0xC], $0x40, s14, s21, $0xb8;
	[tilespmem:$0x1AA60] =	vst v63  }
0x59: {  	_ =	swait.ge [sflag:s5], $0x2000  }
0x5a: {  	[sflag:s5] =	ssyncset.done $0x0  }
0x5b: {  	s18 =	simm.s32 $0x300;
	[sflag:s5] =	ssyncadd.s32 $0xFFFFE000  }
0x5c: {  	[tilespmem:s22], [sflag:$0x1] =	stream.indirect.gather [hbm4b:s4+s21], $0x40, s18, s21, $0xb8;
	[tilespmem:$0x1AA60] =	vst v63  }
0x5d: {  	_ =	swait.ge [sflag:s6], $0x2000  }
0x5e: {  	[sflag:s6] =	ssyncset.done $0x0  }
0x5f: {  	s14 =	simm.s32 $0x380;
	[sflag:s6] =	ssyncadd.s32 $0xFFFFE000  }
0x60: {  	[tilespmem:s23], [sflag:$0x2] =	stream.indirect.gather [hbm4b:s4+s21], $0x40, s14, s21, $0xb8;
	[tilespmem:$0x1AA60] =	vst v63  }
0x61: {  	_ =	swait.ge [sflag:s7], $0x2000  }
0x62: {  	[sflag:s7] =	ssyncset.done $0x0  }
0x63: {  	s18 =	simm.s32 $0x400;
	[sflag:s7] =	ssyncadd.s32 $0xFFFFE000  }
0x64: {  	[tilespmem:s25], [sflag:$0x3] =	stream.indirect.gather [hbm4b:s4+s21], $0x40, s18, s21, $0xb8;
	[tilespmem:$0x1AA60] =	vst v63  }
0x65: {  	_ =	swait.ge [sflag:s8], $0x2000  }
0x66: {  	[sflag:s8] =	ssyncset.done $0x0  }
0x67: {  	s14 =	simm.s32 $0x480;
	[sflag:s8] =	ssyncadd.s32 $0xFFFFE000  }
0x68: {  	[tilespmem:s28], [sflag:$0x4] =	stream.indirect.gather [hbm4b:s4+s21], $0x40, s14, s21, $0xb8;
	[tilespmem:$0x1AA60] =	vst v63  }
0x69: {  	_ =	swait.ge [sflag:s9], $0x2000  }
0x6a: {  	[sflag:s9] =	ssyncset.done $0x0  }
0x6b: {  	s18 =	simm.s32 $0x500;
	[sflag:s9] =	ssyncadd.s32 $0xFFFFE000  }
0x6c: {  	[tilespmem:s30], [sflag:$0x5] =	stream.indirect.gather [hbm4b:s4+s21], $0x40, s18, s21, $0xb8;
	[tilespmem:$0x1AA60] =	vst v63  }
0x6d: {  	_ =	swait.ge [sflag:s10], $0x2000  }
0x6e: {  	[sflag:s10] =	ssyncset.done $0x0  }
0x6f: {  	s13 =	simm.s32 $0xC00;
	s18 =	simm.s32 $0x580;
	[sflag:s10] =	ssyncadd.s32 $0xFFFFE000  }
.LBB2_2:
0x70: {  	[tilespmem:s1], [sflag:$0x6] =	stream.indirect.gather [hbm4b:s4+s21], $0x40, s18, s21, $0xb8;
	[tilespmem:$0x1AA60] =	vst v63  }
0x71: {  	s18 =	smov.u32 s13  }
0x72: {  	p1 =	sne.s32 s13, $0x8400;
	s13 =	sadd.s32 $0xC00, s13;
	_ =	swait.ge [sflag:s0], $0x2000  }
0x73: {  	s18 =	sshra.s32 s18, $0x2;
	[sflag:s0] =	ssyncset.done $0x0  }
0x74: {  	s14 =	sadd.s32 $0x2700, s18;
	[sflag:s0] =	ssyncadd.s32 $0xFFFFE000  }
0x75: {  	[spmem:s2] =	stream.indirect.scatter.add.f32 [tilespmem:s22], [sflag:$0x7], $0x40, s14, s21, $0xb8;
	[tilespmem:$0x1AA60] =	vst v63  }
0x76: {  	_ =	swait.ge [sflag:s16], $0x2000  }
0x77: {  	[sflag:s16] =	ssyncset.done $0x0  }
0x78: {  	s14 =	sadd.s32 $0x2780, s18;
	[sflag:s16] =	ssyncadd.s32 $0xFFFFE000  }
0x79: {  	[spmem:s2] =	stream.indirect.scatter.add.f32 [tilespmem:s23], [sflag:$0x8], $0x40, s14, s21, $0xb8;
	[tilespmem:$0x1AA60] =	vst v63  }
0x7a: {  	_ =	swait.ge [sflag:s24], $0x2000  }
0x7b: {  	[sflag:s24] =	ssyncset.done $0x0  }
0x7c: {  	s14 =	sadd.s32 $0x2800, s18;
	[sflag:s24] =	ssyncadd.s32 $0xFFFFE000  }
0x7d: {  	[spmem:s2] =	stream.indirect.scatter.add.f32 [tilespmem:s25], [sflag:$0x9], $0x40, s14, s21, $0xb8;
	[tilespmem:$0x1AA60] =	vst v63  }
0x7e: {  	_ =	swait.ge [sflag:s26], $0x2000  }
0x7f: {  	[sflag:s26] =	ssyncset.done $0x0  }
0x80: {  	s14 =	sadd.s32 $0x2880, s18;
	[sflag:s26] =	ssyncadd.s32 $0xFFFFE000  }
0x81: {  	[spmem:s2] =	stream.indirect.scatter.add.f32 [tilespmem:s28], [sflag:$0xA], $0x40, s14, s21, $0xb8;
	[tilespmem:$0x1AA60] =	vst v63  }
0x82: {  	_ =	swait.ge [sflag:s29], $0x2000  }
0x83: {  	[sflag:s29] =	ssyncset.done $0x0  }
0x84: {  	s14 =	sadd.s32 $0x2900, s18;
	[sflag:s29] =	ssyncadd.s32 $0xFFFFE000  }
0x85: {  	[spmem:s2] =	stream.indirect.scatter.add.f32 [tilespmem:s30], [sflag:$0xB], $0x40, s14, s21, $0xb8;
	[tilespmem:$0x1AA60] =	vst v63  }
0x86: {  	_ =	swait.ge [sflag:s31], $0x2000  }
0x87: {  	[sflag:s31] =	ssyncset.done $0x0  }
0x88: {  	s14 =	sadd.s32 $0x2980, s18;
	[sflag:s31] =	ssyncadd.s32 $0xFFFFE000  }
0x89: {  	[spmem:s2] =	stream.indirect.scatter.add.f32 [tilespmem:s1], [sflag:$0xC], $0x40, s14, s21, $0xb8;
	[tilespmem:$0x1AA60] =	vst v63  }
0x8a: {  	_ =	swait.ge [sflag:s5], $0x2000  }
0x8b: {  	[sflag:s5] =	ssyncset.done $0x0  }
0x8c: {  	s14 =	sadd.s32 $0x300, s18;
	[sflag:s5] =	ssyncadd.s32 $0xFFFFE000  }
0x8d: {  	[tilespmem:s22], [sflag:$0x1] =	stream.indirect.gather [hbm4b:s4+s21], $0x40, s14, s21, $0xb8;
	[tilespmem:$0x1AA60] =	vst v63  }
0x8e: {  	_ =	swait.ge [sflag:s6], $0x2000  }
0x8f: {  	[sflag:s6] =	ssyncset.done $0x0  }
0x90: {  	s14 =	sadd.s32 $0x380, s18;
	[sflag:s6] =	ssyncadd.s32 $0xFFFFE000  }
0x91: {  	[tilespmem:s23], [sflag:$0x2] =	stream.indirect.gather [hbm4b:s4+s21], $0x40, s14, s21, $0xb8;
	[tilespmem:$0x1AA60] =	vst v63  }
0x92: {  	_ =	swait.ge [sflag:s7], $0x2000  }
0x93: {  	[sflag:s7] =	ssyncset.done $0x0  }
0x94: {  	s14 =	sadd.s32 $0x400, s18;
	[sflag:s7] =	ssyncadd.s32 $0xFFFFE000  }
0x95: {  	[tilespmem:s25], [sflag:$0x3] =	stream.indirect.gather [hbm4b:s4+s21], $0x40, s14, s21, $0xb8;
	[tilespmem:$0x1AA60] =	vst v63  }
0x96: {  	_ =	swait.ge [sflag:s8], $0x2000  }
0x97: {  	[sflag:s8] =	ssyncset.done $0x0  }
0x98: {  	s14 =	sadd.s32 $0x480, s18;
	[sflag:s8] =	ssyncadd.s32 $0xFFFFE000  }
0x99: {  	[tilespmem:s28], [sflag:$0x4] =	stream.indirect.gather [hbm4b:s4+s21], $0x40, s14, s21, $0xb8;
	[tilespmem:$0x1AA60] =	vst v63  }
0x9a: {  	_ =	swait.ge [sflag:s9], $0x2000  }
0x9b: {  	[sflag:s9] =	ssyncset.done $0x0  }
.Ltmp0:
0x9c: {  	s14 =	sadd.s32 $0x500, s18;
	[sflag:s9] =	ssyncadd.s32 $0xFFFFE000;
	(pc) =	sbr.rel @p1 .LBB2_2-.Ltmp0, $4  }
0x9d: {  	[tilespmem:s30], [sflag:$0x5] =	stream.indirect.gather [hbm4b:s4+s21], $0x40, s14, s21, $0xb8;
	[tilespmem:$0x1AA60] =	vst v63  }
0x9e: {  	_ =	swait.ge [sflag:s10], $0x2000  }
0x9f: {  	[sflag:s10] =	ssyncset.done $0x0  }
0xa0: {  	s18 =	sadd.s32 $0x580, s18;
	[sflag:s10] =	ssyncadd.s32 $0xFFFFE000  }
0xa1: {  	[tilespmem:s1], [sflag:$0x6] =	stream.indirect.gather [hbm4b:s4+s21], $0x40, s18, s21, $0xb8;
	[tilespmem:$0x1AA60] =	vst v63  }
0xa2: {  	_ =	swait.ge [sflag:s0], $0x2000  }
0xa3: {  	[sflag:s0] =	ssyncset.done $0x0  }
0xa4: {  	s13 =	simm.s32 $0x4B00;
	[sflag:s0] =	ssyncadd.s32 $0xFFFFE000  }
0xa5: {  	[spmem:s2] =	stream.indirect.scatter.add.f32 [tilespmem:s22], [sflag:$0x7], $0x40, s13, s21, $0xb8;
	[tilespmem:$0x1AA60] =	vst v63  }
0xa6: {  	_ =	swait.ge [sflag:s16], $0x2000  }
0xa7: {  	[sflag:s16] =	ssyncset.done $0x0  }
0xa8: {  	s18 =	simm.s32 $0x4B80;
	[sflag:s16] =	ssyncadd.s32 $0xFFFFE000  }
0xa9: {  	[spmem:s2] =	stream.indirect.scatter.add.f32 [tilespmem:s23], [sflag:$0x8], $0x40, s18, s21, $0xb8;
	[tilespmem:$0x1AA60] =	vst v63  }
0xaa: {  	_ =	swait.ge [sflag:s24], $0x2000  }
0xab: {  	[sflag:s24] =	ssyncset.done $0x0  }
0xac: {  	s14 =	simm.s32 $0x4C00;
	[sflag:s24] =	ssyncadd.s32 $0xFFFFE000  }
0xad: {  	[spmem:s2] =	stream.indirect.scatter.add.f32 [tilespmem:s25], [sflag:$0x9], $0x40, s14, s21, $0xb8;
	[tilespmem:$0x1AA60] =	vst v63  }
0xae: {  	_ =	swait.ge [sflag:s26], $0x2000  }
0xaf: {  	[sflag:s26] =	ssyncset.done $0x0  }
0xb0: {  	s18 =	simm.s32 $0x4C80;
	[sflag:s26] =	ssyncadd.s32 $0xFFFFE000  }
0xb1: {  	[spmem:s2] =	stream.indirect.scatter.add.f32 [tilespmem:s28], [sflag:$0xA], $0x40, s18, s21, $0xb8;
	[tilespmem:$0x1AA60] =	vst v63  }
0xb2: {  	_ =	swait.ge [sflag:s29], $0x2000  }
0xb3: {  	[sflag:s29] =	ssyncset.done $0x0  }
0xb4: {  	s14 =	simm.s32 $0x4D00;
	[sflag:s29] =	ssyncadd.s32 $0xFFFFE000  }
0xb5: {  	[spmem:s2] =	stream.indirect.scatter.add.f32 [tilespmem:s30], [sflag:$0xB], $0x40, s14, s21, $0xb8;
	[tilespmem:$0x1AA60] =	vst v63  }
0xb6: {  	_ =	swait.ge [sflag:s31], $0x2000  }
0xb7: {  	[sflag:s31] =	ssyncset.done $0x0  }
0xb8: {  	s18 =	simm.s32 $0x4D80;
	[sflag:s31] =	ssyncadd.s32 $0xFFFFE000  }
0xb9: {  	[spmem:s2] =	stream.indirect.scatter.add.f32 [tilespmem:s1], [sflag:$0xC], $0x40, s18, s21, $0xb8;
	[tilespmem:$0x1AA60] =	vst v63  }
0xba: {  	_ =	swait.ge [sflag:s5], $0x2000  }
0xbb: {  	[sflag:s5] =	ssyncset.done $0x0  }
0xbc: {  	[sflag:s5] =	ssyncadd.s32 $0xFFFFE000  }
0xbd: {  	_ =	swait.ge [sflag:s6], $0x2000  }
0xbe: {  	[sflag:s6] =	ssyncset.done $0x0  }
0xbf: {  	[sflag:s6] =	ssyncadd.s32 $0xFFFFE000  }
0xc0: {  	_ =	swait.ge [sflag:s7], $0x2000  }
0xc1: {  	[sflag:s7] =	ssyncset.done $0x0  }
0xc2: {  	[sflag:s7] =	ssyncadd.s32 $0xFFFFE000  }
0xc3: {  	_ =	swait.ge [sflag:s8], $0x2000  }
0xc4: {  	[sflag:s8] =	ssyncset.done $0x0  }
0xc5: {  	[sflag:s8] =	ssyncadd.s32 $0xFFFFE000  }
0xc6: {  	_ =	swait.ge [sflag:s9], $0x2000  }
0xc7: {  	[sflag:s9] =	ssyncset.done $0x0  }
0xc8: {  	[sflag:s9] =	ssyncadd.s32 $0xFFFFE000  }
0xc9: {  	_ =	swait.ge [sflag:s10], $0x2000  }
0xca: {  	[sflag:s10] =	ssyncset.done $0x0  }
0xcb: {  	s18 =	simm.s32 $0x4E00;
	[sflag:s10] =	ssyncadd.s32 $0xFFFFE000  }
0xcc: {  	[tilespmem:s22], [sflag:$0xD] =	stream.indirect.gather [hbm4b:s4+s11], $0x40, s18, s11, $0xb8;
	[tilespmem:$0x1AA60] =	vst v63  }
0xcd: {  	_ =	swait.ge [sflag:s15], $0x400  }
0xce: {  	[sflag:s15] =	ssyncset.done $0x0  }
0xcf: {  	s14 =	simm.s32 $0x4E10;
	[sflag:s15] =	ssyncadd.s32 $0xFFFFFC00  }
0xd0: {  	[spmem:s2] =	stream.indirect.scatter.add.f32 [tilespmem:s22], [sflag:$0xD], $0x40, s14, s11, $0xb8;
	[tilespmem:$0x1AA60] =	vst v63  }
0xd1: {  	_ =	swait.ge [sflag:s15], $0x400  }
0xd2: {  	[sflag:s15] =	ssyncset.done $0x0  }
0xd3: {  	[sflag:s15] =	ssyncadd.s32 $0xFFFFFC00  }
0xd4: {  	[bflag:$0x0] =	sbarrier.arrive $0xFFFF  }
0xd5: {  	s14 =	rddreg [dreg:$0xa]  }
0xd6: {  	[hbm:s14], [sflag:s19] =	dma.local [spmem:s20], $0x1380  }
0xd7: {  	_ =	swait.ge [sflag:s15], $0x1380  }
0xd8: {  	[sflag:s15] =	ssyncset.done $0x0  }
0xd9: {  	s13 =	rddreg [dreg:$0xb];
	[sflag:s15] =	ssyncadd.s32 $0xFFFFEC80  }
0xda: {  	[hbm:s13], [sflag:s19] =	dma.local @!p0 [spmem:s17], $0x80  }
0xdb: {  	s13 =	simm.s32 @!p0 $0xD  }
0xdc: {  	_ =	swait.ge @!p0 [sflag:s13], $0x80  }
0xdd: {  	s12 =	sadd.s32 $0x1, s12;
	s14 =	rddreg [dreg:$0xc]  }
0xde: {  	p1 =	sne.s32 s12, s14  }
.Ltmp1:
0xdf: {  	_ = 	snop;
	(pc) =	sbr.rel @p1 .LBB2_1-.Ltmp1, $3  }
0xe0: {  	_ =	sdelay $0x1  }
0xe1: {  	[sflag:s13] =	ssyncset.done @!p0 $0x0  }
0xe2: {  	s17 =	simm.s32 $0x4E10;
	[sflag:s13] =	ssyncadd.s32 @!p0 $0xFFFFFF80  }
0xe3: {  	_ =	sfence.sel $0x180000  }
0xe4: {  	[bflag:$0x0] =	sbarrier.arrive $0xFFFF  }
0xe5: {  	_ =	strace $0x9000004D  }
0xe6: {  	s0 =	stileid.u32;
	[bflag:$0x2] =	sbarrier.arrive $0xFFFF  }
0xe7: {  	p0 =	sne.s32 s0, $0x0;
	s0 =	rddreg [dreg:$0x2]  }
0xe8: {  	s0 =	sadd.s32 @!p0 $0x100000, s0  }
0xe9: {  	[sflag:s0] =	ssyncadd.tile.s32 @!p0 $0x1;
	_ =	shalt  }
.Lfunc_end2:
_tile_overlayer_lowered:
.L_overlay_start_2:
0xea: {  	(tag) =	ssettag $0x2  }
0xeb: {  	s0 =	rddreg [dreg:$0x0];
	s2 =	stileid.u32  }
0xec: {  	s1 =	rddreg [dreg:$0x1];
	p0 =	sne.s32 s2, $0x0  }
0xed: {  	s3 =	rddreg [dreg:$0x2];
	[bflag:$0x3] =	sbarrier.arrive $0xFFFF;
	s2 =	simm.s32 @!p0 $0x1C0D  }
0xee: {  	[timem:s3], [sflag:s2] =	dma.local @!p0 [hbm:s0], s1  }
0xef: {  	s0 =	simm.s32 @!p0 $0xD  }
0xf0: {  	_ =	swait.ge @!p0 [sflag:s0], s1  }
0xf1: {  	s1 =	ssub.s32 @!p0 $0x0, s1;
	[sflag:s0] =	ssyncset.done @!p0 $0x0  }
0xf2: {  	[sflag:s0] =	ssyncadd.s32 @!p0 s1  }
0xf3: {  	[bflag:$0x3] =	sbarrier.arrive $0xFFFF  }
0xf4: {  	_ =	shalt  }

// kernel: kernel.9.cloned.1.call-start
scs
__scs_entry_jumppad:
0x0: {  	(pc) =	sbr.rel $0x88, $3  }
0x1: {  	(tag) =	ssettag $0x0;
	lr =	simm.s32 $0x1  }
0x2: {  	[smem:$0x3F95] =	sst lr;
	_ =	strace $0xD0000000  }
0x3: {  	_ = 	snop  }
0x4: {  	_ = 	snop  }
0x5: {  	_ = 	snop  }
0x6: {  	_ = 	snop  }
0x7: {  	_ = 	snop  }
__scs_overlays_trampoline_lowered:
0x8: {  	[smem:$0x3FA4] =	sst s0  }
0x9: {  	[smem:$0x3FA5] =	sst s1  }
0xa: {  	[smem:$0x3FA6] =	sst s2  }
0xb: {  	[smem:$0x3FA7] =	sst s3  }
0xc: {  	[smem:$0x3FA8] =	sst s4  }
0xd: {  	[smem:$0x3FA9] =	sst s5  }
0xe: {  	[smem:$0x3FAA] =	sst s6  }
0xf: {  	[smem:$0x3FAB] =	sst s7  }
0x10: {  	[smem:$0x3FAC] =	sst s8  }
0x11: {  	[smem:$0x3FAD] =	sst s9;
	s0 =	simm.s32 @!p0 $0x0  }
0x12: {  	s1 =	sld [smem:$0x3F93];
	s0 =	simm.s32 @p0 $0x1  }
0x13: {  	[smem:$0x3FAE] =	sst s0;
	s0 =	simm.s32 @!p1 $0x0  }
0x14: {  	s2 =	sld [smem:$0x3F92];
	s0 =	simm.s32 @p1 $0x1  }
0x15: {  	[smem:$0x3FAF] =	sst s0;
	s0 =	simm.s32 @!p2 $0x0  }
0x16: {  	s3 =	sld [smem:$0x3FDB];
	s0 =	simm.s32 @p2 $0x1  }
0x17: {  	s4 =	simm.s32 $0x1BF5;
	[smem:$0x3FB1] =	sst s0  }
0x18: {  	s0 =	sld [smem:$0x3F94];
	_ =	swait.ge [sflag:s4], $0x0  }
0x19: {  	s7 =	sld [smem:$0x3F95]  }
0x1a: {  	s8 =	sadd.s32 $0xFFFFE003, lr  }
0x1b: {  	s9 =	sadd.s32 $0xFFFFFEF7, lr;
	s5 =	simm.s32 $0xFFFFFFFF;
	p2 =	slt.u32 s8, $0xFFFFF086  }
0x1c: {  	p1 =	slt.u32 s9, $0xF7A;
	s5 =	simm.s32 @!p2 $0x0  }
0x1d: {  	s5 =	simm.s32 @p1 $0x1;
	p0 =	seq.s32 s7, s2  }
0x1e: {  	s7 =	smul.u32 @!p0 $0xF7A, s2;
	p2 =	seq.s32 @!p0 s5, $0x0  }
0x1f: {  	s9 =	smul.u32 $0xF7A, s1;
	s8 =	simm.s32 @!p0 $0x1BF5;
	p2 =	por !p2, p0  }
0x20: {  	[sflag:s8] =	ssyncset.s32 @!p0 $0xFFFFF086;
	s6 =	sadd.s32 @!p0 s3, s7;
	s7 =	simm.s32 @!p0 $0x108  }
0x21: {  	s3 =	sadd.s32 s3, s9;
	s6 =	sadd.s32 @!p0 $0x88, s6;
	s7 =	simm.s32 @p2 $0x1082  }
0x22: {  	[simem:s7], [sflag:s8] =	dma.local @!p0 [hbm:s6], $0xF7A  }
0x23: {  	s9 =	sor.u32 $0xD0000000, s2;
	s6 =	simm.s32 $0x108;
	_ =	swait.ge @!p0 [sflag:s8], $0x0  }
0x24: {  	s3 =	sadd.s32 $0x88, s3;
	s6 =	simm.s32 @!p1 $0x1082;
	[sflag:s4] =	ssyncset.s32 $0xFFFFF086  }
0x25: {  	[simem:s6], [sflag:s4] =	dma.local [hbm:s3], $0xF7A  }
0x26: {  	[smem:$0x3F95] =	sst s1;
	(tag) =	ssettag s2;
	_ =	strace s9  }
0x27: {  	s1 =	sld [smem:$0x3FA5]  }
0x28: {  	s2 =	sld [smem:$0x3FA6]  }
0x29: {  	s4 =	sld [smem:$0x3FA8]  }
0x2a: {  	p0 =	seq.s32 s5, $0x0;
	s5 =	sld [smem:$0x3FA9]  }
0x2b: {  	s6 =	sld [smem:$0x3FAA]  }
0x2c: {  	s7 =	sld [smem:$0x3FAB]  }
0x2d: {  	s3 =	simm.s32 $0x108;
	s8 =	sld [smem:$0x3FAC]  }
0x2e: {  	s3 =	simm.s32 @!p0 $0x1082;
	s9 =	sld [smem:$0x3FAD]  }
0x2f: {  	lr =	sadd.s32 s0, s3;
	s0 =	sld [smem:$0x3FA4]  }
0x30: {  	s3 =	sld [smem:$0x3FA7]  }
0x31: {  	[smem:$0x3FB0] =	sst s10  }
0x32: {  	s10 =	sld [smem:$0x3FAE];
	_ =	sdelay $0x3  }
0x33: {  	p0 =	seq.s32 s10, $0x1;
	s10 =	sld [smem:$0x3FB0];
	_ =	sdelay $0x3  }
0x34: {  	[smem:$0x3FB0] =	sst s10  }
0x35: {  	s10 =	sld [smem:$0x3FAF];
	_ =	sdelay $0x3  }
0x36: {  	p1 =	seq.s32 s10, $0x1;
	s10 =	sld [smem:$0x3FB0];
	_ =	sdelay $0x3  }
0x37: {  	[smem:$0x3FB0] =	sst s10  }
0x38: {  	s10 =	sld [smem:$0x3FB1]  }
0x39: {  	_ = 	snop;
	(pc) =	sbr.ind lr, $3  }
0x3a: {  	_ = 	snop  }
0x3b: {  	_ = 	snop  }
0x3c: {  	p2 =	seq.s32 s10, $0x1;
	s10 =	sld [smem:$0x3FB0]  }
0x3d: {  	_ =	shalt  }
0x3e: {  	_ =	shalt  }
0x3f: {  	_ =	shalt  }
0x40: {  	_ =	shalt  }
0x41: {  	_ =	shalt  }
0x42: {  	_ =	shalt  }
0x43: {  	_ =	shalt  }
0x44: {  	_ =	shalt  }
0x45: {  	_ =	shalt  }
0x46: {  	_ =	shalt  }
0x47: {  	_ =	shalt  }
0x48: {  	_ =	shalt  }
0x49: {  	_ =	shalt  }
0x4a: {  	_ =	shalt  }
0x4b: {  	_ =	shalt  }
0x4c: {  	_ =	shalt  }
0x4d: {  	_ =	shalt  }
0x4e: {  	_ =	shalt  }
0x4f: {  	_ =	shalt  }
0x50: {  	_ =	shalt  }
0x51: {  	_ =	shalt  }
0x52: {  	_ =	shalt  }
0x53: {  	_ =	shalt  }
0x54: {  	_ =	shalt  }
0x55: {  	_ =	shalt  }
0x56: {  	_ =	shalt  }
0x57: {  	_ =	shalt  }
0x58: {  	_ =	shalt  }
0x59: {  	_ =	shalt  }
0x5a: {  	_ =	shalt  }
0x5b: {  	_ =	shalt  }
0x5c: {  	_ =	shalt  }
0x5d: {  	_ =	shalt  }
0x5e: {  	_ =	shalt  }
0x5f: {  	_ =	shalt  }
0x60: {  	_ =	shalt  }
0x61: {  	_ =	shalt  }
0x62: {  	_ =	shalt  }
0x63: {  	_ =	shalt  }
0x64: {  	_ =	shalt  }
0x65: {  	_ =	shalt  }
0x66: {  	_ =	shalt  }
0x67: {  	_ =	shalt  }
0x68: {  	_ =	shalt  }
0x69: {  	_ =	shalt  }
0x6a: {  	_ =	shalt  }
0x6b: {  	_ =	shalt  }
0x6c: {  	_ =	shalt  }
0x6d: {  	_ =	shalt  }
0x6e: {  	_ =	shalt  }
0x6f: {  	_ =	shalt  }
0x70: {  	_ =	shalt  }
0x71: {  	_ =	shalt  }
0x72: {  	_ =	shalt  }
0x73: {  	_ =	shalt  }
0x74: {  	_ =	shalt  }
0x75: {  	_ =	shalt  }
0x76: {  	_ =	shalt  }
0x77: {  	_ =	shalt  }
0x78: {  	_ =	shalt  }
0x79: {  	_ =	shalt  }
0x7a: {  	_ =	shalt  }
0x7b: {  	_ =	shalt  }
0x7c: {  	_ =	shalt  }
0x7d: {  	_ =	shalt  }
0x7e: {  	_ =	shalt  }
0x7f: {  	_ =	shalt  }
0x80: {  	_ =	shalt  }
0x81: {  	_ =	shalt  }
0x82: {  	_ =	shalt  }
0x83: {  	_ =	shalt  }
0x84: {  	_ =	shalt  }
0x85: {  	_ =	shalt  }
0x86: {  	_ =	shalt  }
0x87: {  	_ =	shalt  }
.Lfunc_end0:
.L_simem_size_0:
called_computation_lowered:
.L_overlay_start_0:
0x88: {  	s2 =	sld [smem:$0x3FD9]  }
0x89: {  	s3 =	sld [smem:$0x3FFE];
	_ =	sdelay $0x1  }
0x8a: {  	s1 =	srdreg.scid  }
0x8b: {  	s0 =	sand.u32 $0x1, s1  }
0x8c: {  	s16 =	sshll.u32 s0, $0xA;
	s2 =	sadd.s32 s3, s2  }
0x8d: {  	s2 =	sadd.s32 s2, s16  }
0x8e: {  	[smem:$0x3FBC] =	sst s2  }
0x8f: {  	_ = 	snop  }
0x90: {  	(tm) =	ssettm $0x1  }
0x91: {  	s17 =	sld [smem:$0x3FFB];
	_ =	sdelay $0x3  }
0x92: {  	_ =	strace s17  }
0x93: {  	s2 =	sld [smem:$0x3FFC];
	_ =	sdelay $0x3  }
0x94: {  	_ =	strace s2  }
0x95: {  	s2 =	sld [smem:$0x3FFD];
	_ =	sdelay $0x3  }
0x96: {  	_ =	strace s2  }
0x97: {  	_ =	strace $0x8FFFFFFF  }
0x98: {  	s18 =	sld [smem:$0x3FDB];
	_ =	sdelay $0x1  }
0x99: {  	s19 =	simm.s32 $_scs_section_size  }
0x9a: {  	s4 =	simm.s32 $_size__tile_overlayer_lowered;
	s5 =	simm.s32 $_tile_overlayer_lowered  }
0x9b: {  	s22 =	simm.s32 $0x1BFF;
	s21 =	sshll.u32 s5, $0x1;
	s2 =	sadd.s32 s19, s18  }
0x9c: {  	s6 =	simm.s32 $0x0;
	s20 =	sshll.u32 s4, $0x1;
	s4 =	sadd.s32 s21, s2  }
0x9d: {  	[timem:s6], [sflag:s22] =	dma.local [hbm:s4], s20  }
0x9e: {  	_ =	swait.ge [sflag:s22], s20  }
0x9f: {  	s3 =	ssub.s32 $0x0, s20;
	[sflag:s22] =	ssyncset.done $0x0  }
0xa0: {  	[sflag:s22] =	ssyncadd.s32 s3;
	_ =	sdelay $0x1  }
0xa1: {  	s23 =	simm.s32 $0x1B8B  }
0xa2: {  	_ =	swait.ge [sflag:s23], $0x1  }
0xa3: {  	[sflag:s23] =	ssyncset.done $0x0  }
0xa4: {  	s25 =	simm.s32 $0x1B8E;
	s24 =	sld [smem:$0x3FFE];
	[sflag:s23] =	ssyncadd.s32 $0xFFFFFFFF  }
0xa5: {  	s26 =	simm.s32 $execute0_lowered;
	[smem:$0x3FD2] =	sst s25  }
0xa6: {  	s4 =	sshll.u32 s26, $0x1;
	_ =	strace $0x80000046;
	[dreg:$0x1] =	wrdreg $0xFFFFFFFF  }
0xa7: {  	s28 =	simm.s32 $_size_execute0_lowered;
	s2 =	sadd.s32 s2, s4;
	[dreg:$0x0] =	wrdreg $0x0  }
0xa8: {  	s4 =	sshll.u32 s28, $0x1;
	[dreg:$0x2] =	wrdreg s2  }
0xa9: {  	[dreg:$0x3] =	wrdreg s4  }
0xaa: {  	[dreg:$0x4] =	wrdreg $0xC0  }
0xab: {  	_ =	task [dreg:s6], $0x5FFFF  }
0xac: {  	[dreg:$0x1] =	wrdreg $0xFFFFFFFF  }
0xad: {  	[dreg:$0x0] =	wrdreg $0x60  }
0xae: {  	[dreg:$0x2] =	wrdreg s24  }
0xaf: {  	[dreg:$0x3] =	wrdreg $0x2F100  }
0xb0: {  	[dreg:$0x4] =	wrdreg $0x9  }
0xb1: {  	_ =	task.clear_ibuf [dreg:s6], $0x5FFFF;
	_ =	strace $0x90000046  }
0xb2: {  	s29 =	simm.s32 $0x9;
	_ =	strace $0x80000048  }
0xb3: {  	_ =	swait.ge [sflag:s29], $0x1  }
0xb4: {  	[sflag:s29] =	ssyncadd.s32 $0xFFFFFFFF  }
0xb5: {  	_ =	strace $0x90000048  }
0xb6: {  	_ =	sfence  }
0xb7: {  	s30 =	sld [smem:$0x0];
	_ =	sdelay $0x2  }
0xb8: {  	s31 =	sshll.u32 s1, $0xD;
	s1 =	sshrl.u32 s1, $0x2  }
0xb9: {  	s3 =	sand.u32 $0x4000, s31;
	s1 =	sadd.s32 s1, s30  }
0xba: {  	s0 =	sor.u32 s3, s0;
	s1 =	sshll.u32 s1, $0x11  }
0xbb: {  	s0 =	sor.u32 s1, s0  }
0xbc: {  	s0 =	sadd.s32 $0x8F2B, s0  }
0xbd: {  	[sflag:s0] =	ssyncadd.remote.s32 $0x1  }
0xbe: {  	_ =	sfence.sel $0xFFFF  }
0xbf: {  	[dreg:$0x0] =	wrdreg $0xFFFFFFFF;
	(pc) =	sbr.abs _section_cstart, $3  }
0xc0: {  	[dreg:$0x1] =	wrdreg $0xFFFFFFFF  }
0xc1: {  	_ =	task.clear_ibuf [dreg:s6], $0x2FFFF;
	_ =	strace $0x9FFFFFFF  }
0xc2: {  	(tm) =	ssettm $0x7FFFFFFF  }
0xc3: {  	_ =	shalt  }
tec
execute0_lowered:
.L_overlay_start_1:
0x0: {  	(tag) =	ssettag $0x1  }
0x1: {  	s8 =	rddreg [dreg:$0x0]  }
0x2: {  	s0 =	srdreg.scid;
	s2 =	rddreg [dreg:$0x1];
	s3 =	simm.s32 $0x0  }
0x3: {  	s14 =	simm.s32 $0x2710;
	s18 =	simm.s32 $0x80;
	s19 =	simm.s32 $0x1  }
0x4: {  	s20 =	simm.s32 $0x10;
	s21 =	simm.s32 $0x0;
	s6 =	sand.u32 $0x1, s0  }
0x5: {  	s0 =	stileid.u32;
	[smem:$0x7FF] =	sst s3;
	s12 =	sadd.s32 $0x1C600, s8  }
0x6: {  	s17 =	sadd.s32 $0x27000, s2;
	s1 =	sshll.u32 s6, $0x4;
	s9 =	smul.u32 $0x2700, s0  }
0x7: {  	s11 =	ssub.s32 $0x2, s6;
	s30 =	smul.u32 $0x27100, s6;
	p0 =	sne.s32 s0, $0xF  }
0x8: {  	s15 =	sshll.u32 s0, $0x6;
	s4 =	sor.u32 s0, s1;
	s1 =	rddreg [dreg:$0x2]  }
0x9: {  	_ =	strace $0x80000047;
	s13 =	sshrl.u32 s11, $0x1;
	s15 =	sor.u32 $0x1C02, s15  }
0xa: {  	s17 =	sshrl.u32 @!p0 s17, $0x3;
	s5 =	smul.u32 $0x4E0, s4;
	s4 =	sshll.u32 s4, $0x1  }
0xb: {  	s10 =	sshrl.u32 s9, $0x3;
	s11 =	ssub.s32 s11, s13;
	s16 =	sadd.s32 s9, s2  }
0xc: {  	s9 =	sadd.s32 s9, s30;
	s31 =	sshrl.u32 s30, $0x3;
	s13 =	simm.s32 $0x2700  }
0xd: {  	s7 =	sadd.s32 s4, s8;
	s4 =	sadd.s32 $0x1C400, s8;
	s10 =	sadd.s32 s10, s8  }
0xe: {  	s9 =	sshrl.u32 s9, $0x3;
	s11 =	smax.u32 s11, $0x1;
	s16 =	sshrl.u32 s16, $0x3  }
0xf: {  	s5 =	sadd.s32 s5, s8;
	s6 =	sadd.s32 $0x17200, s7;
	s7 =	sadd.s32 $0x17400, s10  }
0x10: {  	s8 =	sadd.s32 $0x1C200, s8;
	s10 =	sadd.s32 s12, s31;
	s9 =	sadd.s32 s12, s9  }
0x11: {  	s12 =	simm.s32 $0x2;
	s5 =	sadd.s32 $0xD600, s5;
	s10 =	sadd.s32 $0x4E00, s10  }
.LBB2_1:
0x12: {  	[tilespmem:s3], [sflag:$0x2] =	stream.linear.gather [hbm4b:s5+s3], $0x2700, $0x38;
	[tilespmem:$0x5620] =	vst v63  }
0x13: {  	_ =	swait.ge [sflag:s12], $0x2700  }
0x14: {  	[sflag:s12] =	ssyncset.done $0x0  }
0x15: {  	[sflag:s12] =	ssyncadd.s32 $0xFFFFD900  }
0x16: {  	[tilespmem:s13], [sflag:$0x2] =	stream.linear.gather [hbm4b:s6+s3], $0x10, $0x38;
	[tilespmem:$0x5620] =	vst v63  }
0x17: {  	_ =	swait.ge [sflag:s12], $0x10  }
0x18: {  	[sflag:s12] =	ssyncset.done $0x0  }
0x19: {  	[sflag:s12] =	ssyncadd.s32 $0xFFFFFFF0  }
0x1a: {  	[tilespmem:s14], [sflag:$0x2] =	stream.linear.gather [hbm4b:s4+s3], $0x800, $0x38;
	[tilespmem:$0x5620] =	vst v63  }
0x1b: {  	_ =	swait.ge [sflag:s12], $0x800  }
0x1c: {  	[sflag:s12] =	ssyncset.done $0x0  }
0x1d: {  	[sflag:s12] =	ssyncadd.s32 $0xFFFFF800  }
0x1e: {  	[spmem:s16], [sflag:s15] =	dma.local [hbm:s7], $0x4E0  }
0x1f: {  	_ =	swait.ge [sflag:s12], $0x4E0  }
0x20: {  	[sflag:s12] =	ssyncset.done $0x0  }
0x21: {  	s22 =	simm.s32 @!p0 $0x2;
	[sflag:s12] =	ssyncadd.s32 $0xFFFFFB20  }
0x22: {  	[spmem:s17], [sflag:s15] =	dma.local @!p0 [hbm:s8], $0x20  }
0x23: {  	_ =	swait.ge @!p0 [sflag:s22], $0x20  }
0x24: {  	[sflag:s22] =	ssyncset.done @!p0 $0x0  }
0x25: {  	[sflag:s22] =	ssyncadd.s32 @!p0 $0xFFFFFFE0  }
0x26: {  	s22 =	simm.s32 $0x0;
	[bflag:$0x0] =	sbarrier.arrive $0xFFFF  }
.LBB2_2:
0x27: {  	p1 =	sne.s32 s22, $0x9A00  }
.Ltmp0:
0x28: {  	_ = 	snop;
	(pc) =	sbr.rel @p1 .LBB2_2-.Ltmp0, $3  }
0x29: {  	_ =	sdelay $0x1  }
0x2a: {  	s23 =	sshra.s32 s22, $0x2;
	s22 =	sadd.s32 $0x200, s22  }
0x2b: {  	[spmem:s2] =	stream.indirect.scatter.add.f32 [tilespmem:s14], [sflag:$0x1], $0x10, s23, s18, $0xb8;
	[tilespmem:$0x5620] =	vst v63  }
0x2c: {  	_ =	swait.ge [sflag:s19], $0x800  }
0x2d: {  	s22 =	simm.s32 $0x4D;
	[sflag:s19] =	ssyncset.done $0x0  }
.LBB2_4:
0x2e: {  	p1 =	sne.s32 s22, $0x1;
	s22 =	sadd.s32 $0xFFFFFFFF, s22;
	[sflag:s19] =	ssyncadd.s32 $0xFFFFF800  }
.Ltmp1:
0x2f: {  	(pc) =	sbr.rel @p1 .LBB2_4-.Ltmp1, $3  }
0x30: {  	_ =	sdelay $0x1  }
0x31: {  	_ =	swait.ge [sflag:s19], $0x800  }
0x32: {  	[sflag:s19] =	ssyncset.done $0x0  }
0x33: {  	[sflag:s19] =	ssyncadd.s32 $0xFFFFF800  }
0x34: {  	[spmem:s2] =	stream.indirect.scatter.add.f32 [tilespmem:s14], [sflag:$0x2], $0x10, s13, s20, $0xb8;
	[tilespmem:$0x5620] =	vst v63  }
0x35: {  	_ =	swait.ge [sflag:s12], $0x100  }
0x36: {  	[sflag:s12] =	ssyncset.done $0x0  }
0x37: {  	[sflag:s12] =	ssyncadd.s32 $0xFFFFFF00  }
0x38: {  	[bflag:$0x0] =	sbarrier.arrive $0xFFFF  }
0x39: {  	[hbm:s9], [sflag:s15] =	dma.local [spmem:s16], $0x4E0  }
0x3a: {  	s21 =	sadd.s32 $0x1, s21;
	_ =	swait.ge [sflag:s12], $0x4E0  }
0x3b: {  	p1 =	sne.s32 s21, s11;
	[sflag:s12] =	ssyncset.done $0x0  }
.Ltmp2:
0x3c: {  	s22 =	simm.s32 @!p0 $0x2;
	[sflag:s12] =	ssyncadd.s32 $0xFFFFFB20;
	(pc) =	sbr.rel @p1 .LBB2_1-.Ltmp2, $4  }
0x3d: {  	[hbm:s10], [sflag:s15] =	dma.local @!p0 [spmem:s17], $0x20  }
0x3e: {  	_ =	swait.ge @!p0 [sflag:s22], $0x20  }
0x3f: {  	[sflag:s22] =	ssyncset.done @!p0 $0x0  }
0x40: {  	[sflag:s22] =	ssyncadd.s32 @!p0 $0xFFFFFFE0  }
0x41: {  	_ =	sfence.sel $0x180000  }
0x42: {  	[bflag:$0x0] =	sbarrier.arrive $0xFFFF  }
0x43: {  	p0 =	sne.s32 s0, $0x0;
	_ =	strace $0x90000047  }
0x44: {  	s0 =	sadd.s32 @!p0 $0x100000, s1;
	[bflag:$0x2] =	sbarrier.arrive $0xFFFF  }
0x45: {  	[sflag:s0] =	ssyncadd.tile.s32 @!p0 $0x1;
	_ =	shalt  }
.Lfunc_end2:
_tile_overlayer_lowered:
.L_overlay_start_2:
0x46: {  	(tag) =	ssettag $0x2  }
0x47: {  	s0 =	rddreg [dreg:$0x0];
	s2 =	stileid.u32  }
0x48: {  	s1 =	rddreg [dreg:$0x1];
	p0 =	sne.s32 s2, $0x0  }
0x49: {  	s3 =	rddreg [dreg:$0x2];
	[bflag:$0x3] =	sbarrier.arrive $0xFFFF;
	s2 =	simm.s32 @!p0 $0x1C02  }
0x4a: {  	[timem:s3], [sflag:s2] =	dma.local @!p0 [hbm:s0], s1  }
0x4b: {  	s0 =	simm.s32 @!p0 $0x2  }
0x4c: {  	_ =	swait.ge @!p0 [sflag:s0], s1  }
0x4d: {  	s1 =	ssub.s32 @!p0 $0x0, s1;
	[sflag:s0] =	ssyncset.done @!p0 $0x0  }
0x4e: {  	[sflag:s0] =	ssyncadd.s32 @!p0 s1  }
0x4f: {  	[bflag:$0x3] =	sbarrier.arrive $0xFFFF  }
0x50: {  	_ =	shalt  }

</sc_bundles>
